<compile_context>
chip_gen: v7x
topology: tpu7x:2x2x1
jax: 0.10.2.dev20260603
libtpu: 0.0.44.dev20260713+nightly
codegen_flags: <defaults>
</compile_context>

<pallas_src>
import functools

import jax
import jax.numpy as jnp
import numpy as np
from jax import lax
from jax.experimental import pallas as pl
from jax.experimental.pallas import tpu as pltpu
from jax.experimental.pallas import tpu_sc as plsc

N = 10000
NPAD = 10240
E = 320000
CHUNK = 128
NCHUNKS = 2560
CH_PER_TILE = NCHUNKS // 32
EPAD = NCHUNKS * CHUNK
HEADS = 8
BASES = 4
F_H = 16
F_B = BASES * F_H
ROWS_PER_TILE = NPAD // 16
BLK = 512
GRID = 20

_mesh = plsc.VectorSubcoreMesh(core_axis_name="c", subcore_axis_name="s")
_sc_params = pltpu.CompilerParams(use_tc_tiling_on_sc=False,
                                  needs_layout_passes=False)


@functools.partial(
    pl.kernel,
    out_type=jax.ShapeDtypeStruct((2, NPAD // 128, 128), jnp.float32),
    mesh=_mesh,
    compiler_params=_sc_params,
    scratch_types=[
        pltpu.VMEM((CH_PER_TILE, CHUNK), jnp.int32),
        pltpu.VMEM((CHUNK, 16), jnp.float32),
        pltpu.VMEM((ROWS_PER_TILE, 16), jnp.float32),
        pltpu.VMEM((ROWS_PER_TILE // 128, 128), jnp.float32),
        pltpu.VMEM_SHARED((NPAD, 16), jnp.float32),
        pltpu.SemaphoreType.DMA,
    ],
)
def _sc_degree(col_hbm, out_hbm, col_v, ones_v, deg_loc, compact_v, deg_sh, sem):
    cid = lax.axis_index("c")
    sid = lax.axis_index("s")
    wid = sid * 2 + cid

    z16 = jnp.zeros((16,), jnp.float32)

    @pl.loop(0, CHUNK)
    def _(i):
        ones_v[i, pl.ds(0, 16)] = z16

    @pl.loop(0, ROWS_PER_TILE // CHUNK)
    def _(k):
        pltpu.sync_copy(ones_v, deg_sh.at[pl.ds(sid * ROWS_PER_TILE + k * CHUNK, CHUNK)])

    o16 = jnp.ones((16,), jnp.float32)

    @pl.loop(0, CHUNK)
    def _(i):
        ones_v[i, pl.ds(0, 16)] = o16

    pltpu.sync_copy(col_hbm.at[pl.ds(wid * CH_PER_TILE, CH_PER_TILE)], col_v)
    plsc.subcore_barrier()

    @pl.loop(0, CH_PER_TILE)
    def _(j):
        pltpu.async_copy(ones_v, deg_sh.at[col_v.at[j]], sem, add=True)

    @pl.loop(0, CH_PER_TILE)
    def _(j):
        pltpu.make_async_copy(ones_v, deg_sh.at[col_v.at[j]], sem).wait()

    plsc.subcore_barrier()

    pltpu.sync_copy(deg_sh.at[pl.ds(sid * ROWS_PER_TILE, ROWS_PER_TILE)], deg_loc)
    ivec16 = lax.iota(jnp.int32, 16)
    zvec16 = jnp.zeros((16,), jnp.int32)

    @pl.loop(0, ROWS_PER_TILE // 128)
    def _(gg):
        for k in range(8):
            v = plsc.load_gather(deg_loc, [ivec16 + (gg * 128 + 16 * k), zvec16])
            compact_v[gg, pl.ds(k * 16, 16)] = v

    pltpu.sync_copy(
        compact_v,
        out_hbm.at[cid, pl.ds(sid * (ROWS_PER_TILE // 128), ROWS_PER_TILE // 128)],
    )


F_T = F_B // 16
ECH_ROWS = 16
ROWS_CORE = NCHUNKS // 2
NECH = ROWS_CORE // ECH_ROWS


@functools.partial(
    pl.kernel,
    out_type=jax.ShapeDtypeStruct((2, F_B, NPAD), jnp.float32),
    mesh=_mesh,
    compiler_params=_sc_params,
    scratch_types=[
        pltpu.VMEM((F_T, NPAD), jnp.float32),
        pltpu.VMEM((F_T, NPAD), jnp.float32),
        pltpu.VMEM((2, ECH_ROWS, CHUNK), jnp.int32),
        pltpu.VMEM((2, ECH_ROWS, CHUNK), jnp.int32),
        pltpu.SemaphoreType.DMA,
        pltpu.SemaphoreType.DMA,
        pltpu.SemaphoreType.DMA,
    ],
)
def _sc_agg(b2_hbm, row_hbm, col_hbm, out_hbm, b2_v, agg_v, row_v, col_v,
            sem_r, sem_c, sem_b):
    cid = lax.axis_index("c")
    sid = lax.axis_index("s")

    b2cp = pltpu.async_copy(b2_hbm.at[pl.ds(F_T * sid, F_T)], b2_v, sem_b)

    z16 = jnp.zeros((16,), jnp.float32)
    for j in range(F_T):
        @pl.loop(0, NPAD, step=16)
        def _(i):
            agg_v[j, pl.ds(i, 16)] = z16

    rbase = cid * ROWS_CORE

    def _fetch(ch, slot):
        pltpu.async_copy(
            row_hbm.at[pl.ds(rbase + ch * ECH_ROWS, ECH_ROWS)], row_v.at[slot], sem_r)
        pltpu.async_copy(
            col_hbm.at[pl.ds(rbase + ch * ECH_ROWS, ECH_ROWS)], col_v.at[slot], sem_c)

    def _wait(ch, slot):
        pltpu.make_async_copy(
            row_hbm.at[pl.ds(rbase + ch * ECH_ROWS, ECH_ROWS)], row_v.at[slot], sem_r).wait()
        pltpu.make_async_copy(
            col_hbm.at[pl.ds(rbase + ch * ECH_ROWS, ECH_ROWS)], col_v.at[slot], sem_c).wait()

    jvecs = [jnp.full((16,), j, jnp.int32) for j in range(F_T)]

    def _process(slot):
        @plsc.parallel_loop(0, ECH_ROWS, unroll=4)
        def _(r):
            for k in range(CHUNK // 16):
                r16 = row_v[slot, r, pl.ds(k * 16, 16)]
                c16 = col_v[slot, r, pl.ds(k * 16, 16)]
                for j in range(F_T):
                    v = plsc.load_gather(b2_v, [jvecs[j], r16])
                    plsc.addupdate_scatter(agg_v, [jvecs[j], c16], v)

    _fetch(0, 0)
    b2cp.wait()

    @pl.loop(0, NECH, step=2)
    def _(ch):
        _wait(ch, 0)
        _fetch(ch + 1, 1)
        _process(0)
        _wait(ch + 1, 1)

        @pl.when(ch + 2 < NECH)
        def _():
            _fetch(ch + 2, 0)

        _process(1)

    pltpu.sync_copy(agg_v, out_hbm.at[cid, pl.ds(F_T * sid, F_T)])


def _dense_body(x_ref, wb_ref, wc_ref, bc_ref, wr_ref, br_ref, bt_ref, wt_ref, r_ref):
    xb = x_ref[...]
    bt_ref[...] = lax.dot_general(wb_ref[...], xb, (((0,), (1,)), ((), ())),
                                  preferred_element_type=jnp.float32)
    wt_ref[...] = jnp.dot(xb, wc_ref[...], preferred_element_type=jnp.float32) + bc_ref[...]
    r_ref[...] = jnp.dot(xb, wr_ref[...], preferred_element_type=jnp.float32) + br_ref[...]


_dense = pl.pallas_call(
    _dense_body,
    grid=(GRID,),
    in_specs=[
        pl.BlockSpec((BLK, 128), lambda i: (i, 0)),
        pl.BlockSpec((128, F_B), lambda i: (0, 0)),
        pl.BlockSpec((128, HEADS * BASES), lambda i: (0, 0)),
        pl.BlockSpec((1, HEADS * BASES), lambda i: (0, 0)),
        pl.BlockSpec((128, 128), lambda i: (0, 0)),
        pl.BlockSpec((1, 128), lambda i: (0, 0)),
    ],
    out_specs=[
        pl.BlockSpec((F_B, BLK), lambda i: (0, i)),
        pl.BlockSpec((BLK, HEADS * BASES), lambda i: (i, 0)),
        pl.BlockSpec((BLK, 128), lambda i: (i, 0)),
    ],
    out_shape=[
        jax.ShapeDtypeStruct((F_B, NPAD), jnp.float32),
        jax.ShapeDtypeStruct((N, HEADS * BASES), jnp.float32),
        jax.ShapeDtypeStruct((N, 128), jnp.float32),
    ],
)


SBLK = 1024


def _scale_body(dp0_ref, dp1_ref, bases_ref, b2_ref, dis_ref):
    d = dp0_ref[...][0] + dp1_ref[...][0]
    deg_row = jnp.concatenate([d[r:r + 1, :] for r in range(8)], axis=1) + 1.0
    dis_row = lax.rsqrt(deg_row)
    dis_ref[...] = dis_row
    b2_ref[...] = bases_ref[...] * dis_row


_scale = pl.pallas_call(
    _scale_body,
    grid=(NPAD // SBLK,),
    in_specs=[
        pl.BlockSpec((1, 8, 128), lambda i: (0, i, 0)),
        pl.BlockSpec((1, 8, 128), lambda i: (1, i, 0)),
        pl.BlockSpec((F_B, SBLK), lambda i: (0, i)),
    ],
    out_specs=[
        pl.BlockSpec((F_B, SBLK), lambda i: (0, i)),
        pl.BlockSpec((1, SBLK), lambda i: (0, i)),
    ],
    out_shape=[
        jax.ShapeDtypeStruct((F_B, NPAD), jnp.float32),
        jax.ShapeDtypeStruct((1, NPAD), jnp.float32),
    ],
)


_P_np = np.zeros((BASES, HEADS * BASES, 128), np.float32)
_Q_np = np.zeros((BASES, F_B, 128), np.float32)
for _b in range(BASES):
    for _h in range(HEADS):
        for _f in range(F_H):
            _P_np[_b, _h * BASES + _b, _h * F_H + _f] = 1.0
            _Q_np[_b, _b * F_H + _f, _h * F_H + _f] = 1.0


def _finish_body(a0_ref, a1_ref, dis_ref, bases_ref, wt_ref, res_ref, bc_ref,
                 g_ref, bt_ref, p_ref, q_ref, o_ref):
    disr = dis_ref[...]
    a_t = a0_ref[...][0] + a1_ref[...][0]
    aggf_t = disr * a_t + (disr * disr) * bases_ref[...]
    wt = wt_ref[...]
    conv = None
    for b in range(BASES):
        we = jnp.dot(wt, p_ref[b], preferred_element_type=jnp.float32)
        ae = lax.dot_general(aggf_t, q_ref[b], (((0,), (0,)), ((), ())),
                             preferred_element_type=jnp.float32)
        t = we * ae
        conv = t if conv is None else conv + t
    o = conv + bc_ref[...] + res_ref[...]
    mu = jnp.mean(o, axis=1, keepdims=True)
    var = jnp.mean((o - mu) * (o - mu), axis=1, keepdims=True)
    o = (o - mu) * lax.rsqrt(var + 1e-5) * g_ref[...] + bt_ref[...]
    o_ref[...] = jnp.maximum(o, 0.0)


_finish = pl.pallas_call(
    _finish_body,
    grid=(GRID,),
    in_specs=[
        pl.BlockSpec((1, F_B, BLK), lambda i: (0, 0, i)),
        pl.BlockSpec((1, F_B, BLK), lambda i: (1, 0, i)),
        pl.BlockSpec((1, BLK), lambda i: (0, i)),
        pl.BlockSpec((F_B, BLK), lambda i: (0, i)),
        pl.BlockSpec((BLK, HEADS * BASES), lambda i: (i, 0)),
        pl.BlockSpec((BLK, 128), lambda i: (i, 0)),
        pl.BlockSpec((1, 128), lambda i: (0, 0)),
        pl.BlockSpec((1, 128), lambda i: (0, 0)),
        pl.BlockSpec((1, 128), lambda i: (0, 0)),
        pl.BlockSpec((BASES, HEADS * BASES, 128), lambda i: (0, 0, 0)),
        pl.BlockSpec((BASES, F_B, 128), lambda i: (0, 0, 0)),
    ],
    out_specs=pl.BlockSpec((BLK, 128), lambda i: (i, 0)),
    out_shape=jax.ShapeDtypeStruct((N, 128), jnp.float32),
)


def kernel(x, edge_index, W_bases, W_comb, b_comb, bias_conv, W_res, b_res,
           ln_gamma, ln_beta):
    ei_p = jnp.concatenate(
        [edge_index, jnp.full((2, EPAD - E), N, jnp.int32)], axis=1)
    row_p = ei_p[0].reshape(NCHUNKS, CHUNK)
    col_p = ei_p[1].reshape(NCHUNKS, CHUNK)

    bases_t, wt, res = _dense(x, W_bases, W_comb, b_comb.reshape(1, -1),
                              W_res, b_res.reshape(1, -1))
    degp = _sc_degree(col_p)
    b2_t, dis = _scale(degp, degp, bases_t)
    aggp = _sc_agg(b2_t, row_p, col_p)
    out = _finish(aggp, aggp, dis, bases_t, wt, res,
                  bias_conv.reshape(1, -1), ln_gamma.reshape(1, -1),
                  ln_beta.reshape(1, -1), jnp.asarray(_P_np), jnp.asarray(_Q_np))
    return out

# --- scband reference (transcript-rebuilt; emitter-appended) ---
"""Pipeline reference for scband-egconv-layer-76828374991621 (READ-ONLY COPY).

The authoritative reference and input builder live on the scoring server;
editing this copy changes nothing except your own understanding.
"""

import jax, jax.numpy as jnp
import numpy as np

N = 10000
E = 320000
IN_F = 128
OUT_F = 128
HEADS = 8
BASES = 4
F_H = OUT_F // HEADS

def setup_inputs(seed: int = 0) -> dict:
    key = jax.random.key(seed)
    ks = jax.random.split(key, 10)
    x = jax.random.normal(ks[0], (N, IN_F), dtype=jnp.float32)
    edge_index = jax.random.randint(ks[1], (2, E), 0, N, dtype=jnp.int32)
    s_b = 1.0 / np.sqrt(IN_F)
    W_bases = jax.random.uniform(ks[2], (IN_F, BASES * F_H), dtype=jnp.float32, minval=-s_b, maxval=s_b)
    W_comb = jax.random.uniform(ks[3], (IN_F, HEADS * BASES), dtype=jnp.float32, minval=-s_b, maxval=s_b)
    b_comb = jax.random.uniform(ks[4], (HEADS * BASES,), dtype=jnp.float32, minval=-s_b, maxval=s_b)
    bias_conv = jnp.zeros((OUT_F,), dtype=jnp.float32)
    W_res = jax.random.uniform(ks[5], (IN_F, OUT_F), dtype=jnp.float32, minval=-s_b, maxval=s_b)
    b_res = jax.random.uniform(ks[6], (OUT_F,), dtype=jnp.float32, minval=-s_b, maxval=s_b)
    ln_gamma = jnp.ones((OUT_F,), dtype=jnp.float32)
    ln_beta = jnp.zeros((OUT_F,), dtype=jnp.float32)
    return {"x": x, "edge_index": edge_index, "W_bases": W_bases, "W_comb": W_comb, "b_comb": b_comb, "bias_conv": bias_conv, "W_res": W_res, "b_res": b_res, "ln_gamma": ln_gamma, "ln_beta": ln_beta}

def reference(x, edge_index, W_bases, W_comb, b_comb, bias_conv, W_res, b_res, ln_gamma, ln_beta):
    Nn = x.shape[0]
    row = edge_index[0]
    col = edge_index[1]
    # gcn_norm with add_self_loops=True ('symnorm' aggregator)
    loop = jnp.arange(Nn, dtype=row.dtype)
    row = jnp.concatenate([row, loop])
    col = jnp.concatenate([col, loop])
    ew = jnp.ones(row.shape[0], dtype=x.dtype)
    deg = jax.ops.segment_sum(ew, col, num_segments=Nn)
    dis = jnp.where(deg > 0, jax.lax.rsqrt(jnp.maximum(deg, 1e-12)), 0.0)
    norm = dis[row] * ew * dis[col]
    # EGConv core
    bases = x @ W_bases                       # [N, BASES*F_H]
    weightings = x @ W_comb + b_comb          # [N, HEADS*BASES]
    msgs = bases[row] * norm[:, None]         # gather + scale
    agg = jax.ops.segment_sum(msgs, col, num_segments=Nn)  # scatter-add [N, BASES*F_H]
    weightings = weightings.reshape(Nn, HEADS, BASES)
    agg = agg.reshape(Nn, BASES, F_H)
    out = jnp.einsum('nhb,nbf->nhf', weightings, agg).reshape(Nn, OUT_F)
    out = out + bias_conv
    # residual + layernorm + relu (dropout p=0 is identity)
    out = out + (x @ W_res + b_res)
    mean = jnp.mean(out, axis=-1, keepdims=True)
    var = jnp.var(out, axis=-1, keepdims=True)
    out = (out - mean) / jnp.sqrt(var + 1e-5) * ln_gamma + ln_beta
    out = jax.nn.relu(out)
    return out

if __name__ == "__main__":
    import jax
    _d = setup_inputs()
    print(jax.jit(kernel)(*tuple(_d.values())))

</pallas_src>

<mosaic_0001>
#map = affine_map<(d0, d1) -> (0, 0)>
#map1 = affine_map<(d0, d1) -> (0, 0, 0)>
module attributes {stable_mosaic.version = 14 : i64} {
  func.func @_sc_degree(%arg0: i32, %arg1: i32, %arg2: memref<2560x128xi32, #tpu.memory_space<hbm>>, %arg3: memref<2x80x128xf32, #tpu.memory_space<hbm>>, %arg4: memref<80x128xi32, #tpu.memory_space<vmem>>, %arg5: memref<128x16xf32, #tpu.memory_space<vmem>>, %arg6: memref<640x16xf32, #tpu.memory_space<vmem>>, %arg7: memref<5x128xf32, #tpu.memory_space<vmem>>, %arg8: memref<10240x16xf32, #tpu.memory_space<vmem_shared>>, %arg9: memref<!tpu.dma_semaphore, #tpu.memory_space<semaphore_mem>>) attributes {dimension_semantics = [#tpu.dimension_semantics<core_parallel>, #tpu.dimension_semantics<subcore_parallel>], iteration_bounds = array<i64: 2, 16>, scalar_prefetch = 0 : i64, scratch_operands = 6 : i64, tpu.core_type = #tpu.core_type<sc_vector_subcore>, window_params = [{transform_indices = #map}, {transform_indices = #map1}]} {
    %mul3A = arith.constant 2 : i32
    %mul3A_0 = arith.muli %arg1, %mul3A : i32
    %add3A = arith.addi %mul3A_0, %arg0 : i32
    %broadcast_in_dim3A = arith.constant 0.000000e+00 : f32
    %broadcast_in_dim3A_1 = vector.broadcast %broadcast_in_dim3A : f32 to vector<16xf32>
    %scan3A = arith.constant 0 : i32
    %scan3A_2 = arith.constant 128 : i32
    %scan3A_3 = arith.addi %scan3A, %scan3A_2 : i32
    %scan3A_4 = arith.constant 1 : i32
    scf.for %scan3A_42 = %scan3A to %scan3A_3 step %scan3A_4  : i32 {
      %mul3A_43 = arith.constant 1 : i32
      %mul3A_44 = arith.muli %scan3A_42, %mul3A_43 : i32
      %add3A_45 = arith.constant 0 : i32
      %add3A_46 = arith.addi %add3A_45, %mul3A_44 : i32
      %swap3A = arith.index_cast %add3A_46 : i32 to index
      %swap3A_47 = arith.constant 0 : index
      %swap3A_48 = tpu.vector_load %arg5[%swap3A, %swap3A_47] {strides = array<i32>} : memref<128x16xf32, #tpu.memory_space<vmem>>, vector<16xf32>,
      tpu.vector_store %arg5[%swap3A, %swap3A_47], %broadcast_in_dim3A_1 {strides = array<i32>} : memref<128x16xf32, #tpu.memory_space<vmem>>, vector<16xf32>,
    }
    %scan3A_5 = arith.constant 128 : i32
    %scan3A_6 = arith.constant 0 : i32
    %scan3A_7 = arith.constant 5 : i32
    %scan3A_8 = arith.addi %scan3A_6, %scan3A_7 : i32
    %scan3A_9 = arith.constant 1 : i32
    scf.for %scan3A_42 = %scan3A_6 to %scan3A_8 step %scan3A_9  : i32 {
      %mul3A_43 = arith.constant 1 : i32
      %mul3A_44 = arith.muli %scan3A_42, %mul3A_43 : i32
      %add3A_45 = arith.constant 0 : i32
      %add3A_46 = arith.addi %add3A_45, %mul3A_44 : i32
      %mul3A_47 = arith.constant 640 : i32
      %mul3A_48 = arith.muli %arg1, %mul3A_47 : i32
      %mul3A_49 = arith.constant 128 : i32
      %mul3A_50 = arith.muli %add3A_46, %mul3A_49 : i32
      %add3A_51 = arith.addi %mul3A_48, %mul3A_50 : i32
      "tpu.region"() ({
        %run_scoped3A = tpu.sem_alloc : memref<!tpu.dma_semaphore, #tpu.memory_space<semaphore_mem>>
        %dma_start3A = arith.constant 0 : i32
        %dma_start3A_52 = tpu.memref_slice %arg8[%add3A_51, %dma_start3A] : memref<10240x16xf32, #tpu.memory_space<vmem_shared>> -> memref<128x16xf32, #tpu.memory_space<vmem_shared>>
        %dma_start3A_53 = arith.constant 0 : i32
        %dma_start3A_54 = tpu.memref_slice %arg8[%add3A_51, %dma_start3A_53] : memref<10240x16xf32, #tpu.memory_space<vmem_shared>> -> memref<128x16xf32, #tpu.memory_space<vmem_shared>>
        tpu.enqueue_dma source(%arg5 : memref<128x16xf32, #tpu.memory_space<vmem>>) target(%dma_start3A_54 : memref<128x16xf32, #tpu.memory_space<vmem_shared>>) target_semaphore(%run_scoped3A : memref<!tpu.dma_semaphore, #tpu.memory_space<semaphore_mem>>)
        %dma_wait3A = arith.constant 0 : i32
        %dma_wait3A_55 = tpu.memref_slice %arg8[%add3A_51, %dma_wait3A] : memref<10240x16xf32, #tpu.memory_space<vmem_shared>> -> memref<128x16xf32, #tpu.memory_space<vmem_shared>>
        %dma_wait3A_56 = arith.constant 0 : i32
        %dma_wait3A_57 = tpu.memref_slice %arg8[%add3A_51, %dma_wait3A_56] : memref<10240x16xf32, #tpu.memory_space<vmem_shared>> -> memref<128x16xf32, #tpu.memory_space<vmem_shared>>
        tpu.wait_dma2 semaphore(%run_scoped3A : memref<!tpu.dma_semaphore, #tpu.memory_space<semaphore_mem>>) src(%arg5 : memref<128x16xf32, #tpu.memory_space<vmem>>) dst(%dma_wait3A_57 : memref<128x16xf32, #tpu.memory_space<vmem_shared>>)
        tpu.yield
      }) : () -> ()
    }
    %scan3A_10 = arith.constant 5 : i32
    %broadcast_in_dim3A_11 = arith.constant 1.000000e+00 : f32
    %broadcast_in_dim3A_12 = vector.broadcast %broadcast_in_dim3A_11 : f32 to vector<16xf32>
    %scan3A_13 = arith.constant 0 : i32
    %scan3A_14 = arith.constant 128 : i32
    %scan3A_15 = arith.addi %scan3A_13, %scan3A_14 : i32
    %scan3A_16 = arith.constant 1 : i32
    scf.for %scan3A_42 = %scan3A_13 to %scan3A_15 step %scan3A_16  : i32 {
      %mul3A_43 = arith.constant 1 : i32
      %mul3A_44 = arith.muli %scan3A_42, %mul3A_43 : i32
      %add3A_45 = arith.constant 0 : i32
      %add3A_46 = arith.addi %add3A_45, %mul3A_44 : i32
      %swap3A = arith.index_cast %add3A_46 : i32 to index
      %swap3A_47 = arith.constant 0 : index
      %swap3A_48 = tpu.vector_load %arg5[%swap3A, %swap3A_47] {strides = array<i32>} : memref<128x16xf32, #tpu.memory_space<vmem>>, vector<16xf32>,
      tpu.vector_store %arg5[%swap3A, %swap3A_47], %broadcast_in_dim3A_12 {strides = array<i32>} : memref<128x16xf32, #tpu.memory_space<vmem>>, vector<16xf32>,
    }
    %scan3A_17 = arith.constant 128 : i32
    %mul3A_18 = arith.constant 80 : i32
    %mul3A_19 = arith.muli %add3A, %mul3A_18 : i32
    "tpu.region"() ({
      %run_scoped3A = tpu.sem_alloc : memref<!tpu.dma_semaphore, #tpu.memory_space<semaphore_mem>>
      %dma_start3A = arith.constant 0 : i32
      %dma_start3A_42 = tpu.memref_slice %arg2[%mul3A_19, %dma_start3A] : memref<2560x128xi32, #tpu.memory_space<hbm>> -> memref<80x128xi32, #tpu.memory_space<hbm>>
      %dma_start3A_43 = arith.constant 0 : i32
      %dma_start3A_44 = tpu.memref_slice %arg2[%mul3A_19, %dma_start3A_43] : memref<2560x128xi32, #tpu.memory_space<hbm>> -> memref<80x128xi32, #tpu.memory_space<hbm>>
      tpu.enqueue_dma source(%dma_start3A_44 : memref<80x128xi32, #tpu.memory_space<hbm>>) target(%arg4 : memref<80x128xi32, #tpu.memory_space<vmem>>) target_semaphore(%run_scoped3A : memref<!tpu.dma_semaphore, #tpu.memory_space<semaphore_mem>>)
      %dma_wait3A = arith.constant 0 : i32
      %dma_wait3A_45 = tpu.memref_slice %arg2[%mul3A_19, %dma_wait3A] : memref<2560x128xi32, #tpu.memory_space<hbm>> -> memref<80x128xi32, #tpu.memory_space<hbm>>
      %dma_wait3A_46 = arith.constant 0 : i32
      %dma_wait3A_47 = tpu.memref_slice %arg2[%mul3A_19, %dma_wait3A_46] : memref<2560x128xi32, #tpu.memory_space<hbm>> -> memref<80x128xi32, #tpu.memory_space<hbm>>
      tpu.wait_dma2 semaphore(%run_scoped3A : memref<!tpu.dma_semaphore, #tpu.memory_space<semaphore_mem>>) src(%dma_wait3A_47 : memref<80x128xi32, #tpu.memory_space<hbm>>) dst(%arg4 : memref<80x128xi32, #tpu.memory_space<vmem>>)
      tpu.yield
    }) : () -> ()
    %barrier3A = arith.constant 0 : index
    tpu.barrier barrier_id(%barrier3A)
    %scan3A_20 = arith.constant 0 : i32
    %scan3A_21 = arith.constant 80 : i32
    %scan3A_22 = arith.addi %scan3A_20, %scan3A_21 : i32
    %scan3A_23 = arith.constant 1 : i32
    scf.for %scan3A_42 = %scan3A_20 to %scan3A_22 step %scan3A_23  : i32 {
      %mul3A_43 = arith.constant 1 : i32
      %mul3A_44 = arith.muli %scan3A_42, %mul3A_43 : i32
      %add3A_45 = arith.constant 0 : i32
      %add3A_46 = arith.addi %add3A_45, %mul3A_44 : i32
      %dma_start3A = arith.constant 0 : i32
      %dma_start3A_47 = tpu.memref_slice %arg4[%add3A_46, %dma_start3A] : memref<80x128xi32, #tpu.memory_space<vmem>> -> memref<1x128xi32, #tpu.memory_space<vmem>>
      %dma_start3A_48 = tpu.memref_squeeze %dma_start3A_47 : memref<1x128xi32, #tpu.memory_space<vmem>> -> memref<128xi32, #tpu.memory_space<vmem>>
      %dma_start3A_49 = arith.constant 0 : i32
      %dma_start3A_50 = arith.constant 0 : i32
      %dma_start3A_51 = tpu.memref_slice %arg8[%dma_start3A_49, %dma_start3A_50] : memref<10240x16xf32, #tpu.memory_space<vmem_shared>> -> memref<10240x16xf32, #tpu.memory_space<vmem_shared>>
      tpu.enqueue_indirect_dma source(%arg5 : memref<128x16xf32, #tpu.memory_space<vmem>>) target(%dma_start3A_51 : memref<10240x16xf32, #tpu.memory_space<vmem_shared>>) offsets(%dma_start3A_48 : memref<128xi32, #tpu.memory_space<vmem>>) semaphore(%arg9 : memref<!tpu.dma_semaphore, #tpu.memory_space<semaphore_mem>>) {add = true}
    }
    %scan3A_24 = arith.constant 80 : i32
    %scan3A_25 = arith.constant 0 : i32
    %scan3A_26 = arith.constant 80 : i32
    %scan3A_27 = arith.addi %scan3A_25, %scan3A_26 : i32
    %scan3A_28 = arith.constant 1 : i32
    scf.for %scan3A_42 = %scan3A_25 to %scan3A_27 step %scan3A_28  : i32 {
      %mul3A_43 = arith.constant 1 : i32
      %mul3A_44 = arith.muli %scan3A_42, %mul3A_43 : i32
      %add3A_45 = arith.constant 0 : i32
      %add3A_46 = arith.addi %add3A_45, %mul3A_44 : i32
      %dma_wait3A = arith.constant 0 : i32
      %dma_wait3A_47 = tpu.memref_slice %arg4[%add3A_46, %dma_wait3A] : memref<80x128xi32, #tpu.memory_space<vmem>> -> memref<1x128xi32, #tpu.memory_space<vmem>>
      %dma_wait3A_48 = tpu.memref_squeeze %dma_wait3A_47 : memref<1x128xi32, #tpu.memory_space<vmem>> -> memref<128xi32, #tpu.memory_space<vmem>>
      %dma_wait3A_49 = arith.constant 0 : i32
      %dma_wait3A_50 = arith.constant 0 : i32
      %dma_wait3A_51 = tpu.memref_slice %arg8[%dma_wait3A_49, %dma_wait3A_50] : memref<10240x16xf32, #tpu.memory_space<vmem_shared>> -> memref<10240x16xf32, #tpu.memory_space<vmem_shared>>
      tpu.wait_indirect_dma semaphore(%arg9 : memref<!tpu.dma_semaphore, #tpu.memory_space<semaphore_mem>>) src(%arg5 : memref<128x16xf32, #tpu.memory_space<vmem>>) dst(%dma_wait3A_51 : memref<10240x16xf32, #tpu.memory_space<vmem_shared>>)
    }
    %scan3A_29 = arith.constant 80 : i32
    %barrier3A_30 = arith.constant 0 : index
    tpu.barrier barrier_id(%barrier3A_30)
    %mul3A_31 = arith.constant 640 : i32
    %mul3A_32 = arith.muli %arg1, %mul3A_31 : i32
    "tpu.region"() ({
      %run_scoped3A = tpu.sem_alloc : memref<!tpu.dma_semaphore, #tpu.memory_space<semaphore_mem>>
      %dma_start3A = arith.constant 0 : i32
      %dma_start3A_42 = tpu.memref_slice %arg8[%mul3A_32, %dma_start3A] : memref<10240x16xf32, #tpu.memory_space<vmem_shared>> -> memref<640x16xf32, #tpu.memory_space<vmem_shared>>
      %dma_start3A_43 = arith.constant 0 : i32
      %dma_start3A_44 = tpu.memref_slice %arg8[%mul3A_32, %dma_start3A_43] : memref<10240x16xf32, #tpu.memory_space<vmem_shared>> -> memref<640x16xf32, #tpu.memory_space<vmem_shared>>
      tpu.enqueue_dma source(%dma_start3A_44 : memref<640x16xf32, #tpu.memory_space<vmem_shared>>) target(%arg6 : memref<640x16xf32, #tpu.memory_space<vmem>>) target_semaphore(%run_scoped3A : memref<!tpu.dma_semaphore, #tpu.memory_space<semaphore_mem>>)
      %dma_wait3A = arith.constant 0 : i32
      %dma_wait3A_45 = tpu.memref_slice %arg8[%mul3A_32, %dma_wait3A] : memref<10240x16xf32, #tpu.memory_space<vmem_shared>> -> memref<640x16xf32, #tpu.memory_space<vmem_shared>>
      %dma_wait3A_46 = arith.constant 0 : i32
      %dma_wait3A_47 = tpu.memref_slice %arg8[%mul3A_32, %dma_wait3A_46] : memref<10240x16xf32, #tpu.memory_space<vmem_shared>> -> memref<640x16xf32, #tpu.memory_space<vmem_shared>>
      tpu.wait_dma2 semaphore(%run_scoped3A : memref<!tpu.dma_semaphore, #tpu.memory_space<semaphore_mem>>) src(%dma_wait3A_47 : memref<640x16xf32, #tpu.memory_space<vmem_shared>>) dst(%arg6 : memref<640x16xf32, #tpu.memory_space<vmem>>)
      tpu.yield
    }) : () -> ()
    %iota3A = tpu.iota {dimensions = array<i32: 0>} : vector<16xi32>
    %broadcast_in_dim3A_33 = arith.constant 0 : i32
    %broadcast_in_dim3A_34 = vector.broadcast %broadcast_in_dim3A_33 : i32 to vector<16xi32>
    %scan3A_35 = arith.constant 0 : i32
    %scan3A_36 = arith.constant 5 : i32
    %scan3A_37 = arith.addi %scan3A_35, %scan3A_36 : i32
    %scan3A_38 = arith.constant 1 : i32
    scf.for %scan3A_42 = %scan3A_35 to %scan3A_37 step %scan3A_38  : i32 {
      %mul3A_43 = arith.constant 1 : i32
      %mul3A_44 = arith.muli %scan3A_42, %mul3A_43 : i32
      %add3A_45 = arith.constant 0 : i32
      %add3A_46 = arith.addi %add3A_45, %mul3A_44 : i32
      %mul3A_47 = arith.constant 128 : i32
      %mul3A_48 = arith.muli %add3A_46, %mul3A_47 : i32
      %add3A_49 = arith.constant 0 : i32
      %add3A_50 = arith.addi %mul3A_48, %add3A_49 : i32
      %add3A_51 = vector.broadcast %add3A_50 : i32 to vector<16xi32>
      %add3A_52 = arith.addi %iota3A, %add3A_51 : vector<16xi32>
      %gather3A = tpu.vector_load_idx %arg6[%add3A_52, %broadcast_in_dim3A_34] : memref<640x16xf32, #tpu.memory_space<vmem>>[vector<16xi32>, vector<16xi32>], vector<16xf32>,
      %swap3A = arith.index_cast %add3A_46 : i32 to index
      %swap3A_53 = arith.constant 0 : index
      %swap3A_54 = tpu.vector_load %arg7[%swap3A, %swap3A_53] {strides = array<i32>} : memref<5x128xf32, #tpu.memory_space<vmem>>, vector<16xf32>,
      tpu.vector_store %arg7[%swap3A, %swap3A_53], %gather3A {strides = array<i32>} : memref<5x128xf32, #tpu.memory_space<vmem>>, vector<16xf32>,
      %mul3A_55 = arith.constant 128 : i32
      %mul3A_56 = arith.muli %add3A_46, %mul3A_55 : i32
      %add3A_57 = arith.constant 16 : i32
      %add3A_58 = arith.addi %mul3A_56, %add3A_57 : i32
      %add3A_59 = vector.broadcast %add3A_58 : i32 to vector<16xi32>
      %add3A_60 = arith.addi %iota3A, %add3A_59 : vector<16xi32>
      %gather3A_61 = tpu.vector_load_idx %arg6[%add3A_60, %broadcast_in_dim3A_34] : memref<640x16xf32, #tpu.memory_space<vmem>>[vector<16xi32>, vector<16xi32>], vector<16xf32>,
      %swap3A_62 = arith.index_cast %add3A_46 : i32 to index
      %swap3A_63 = arith.constant 16 : index
      %swap3A_64 = tpu.vector_load %arg7[%swap3A_62, %swap3A_63] {strides = array<i32>} : memref<5x128xf32, #tpu.memory_space<vmem>>, vector<16xf32>,
      tpu.vector_store %arg7[%swap3A_62, %swap3A_63], %gather3A_61 {strides = array<i32>} : memref<5x128xf32, #tpu.memory_space<vmem>>, vector<16xf32>,
      %mul3A_65 = arith.constant 128 : i32
      %mul3A_66 = arith.muli %add3A_46, %mul3A_65 : i32
      %add3A_67 = arith.constant 32 : i32
      %add3A_68 = arith.addi %mul3A_66, %add3A_67 : i32
      %add3A_69 = vector.broadcast %add3A_68 : i32 to vector<16xi32>
      %add3A_70 = arith.addi %iota3A, %add3A_69 : vector<16xi32>
      %gather3A_71 = tpu.vector_load_idx %arg6[%add3A_70, %broadcast_in_dim3A_34] : memref<640x16xf32, #tpu.memory_space<vmem>>[vector<16xi32>, vector<16xi32>], vector<16xf32>,
      %swap3A_72 = arith.index_cast %add3A_46 : i32 to index
      %swap3A_73 = arith.constant 32 : index
      %swap3A_74 = tpu.vector_load %arg7[%swap3A_72, %swap3A_73] {strides = array<i32>} : memref<5x128xf32, #tpu.memory_space<vmem>>, vector<16xf32>,
      tpu.vector_store %arg7[%swap3A_72, %swap3A_73], %gather3A_71 {strides = array<i32>} : memref<5x128xf32, #tpu.memory_space<vmem>>, vector<16xf32>,
      %mul3A_75 = arith.constant 128 : i32
      %mul3A_76 = arith.muli %add3A_46, %mul3A_75 : i32
      %add3A_77 = arith.constant 48 : i32
      %add3A_78 = arith.addi %mul3A_76, %add3A_77 : i32
      %add3A_79 = vector.broadcast %add3A_78 : i32 to vector<16xi32>
      %add3A_80 = arith.addi %iota3A, %add3A_79 : vector<16xi32>
      %gather3A_81 = tpu.vector_load_idx %arg6[%add3A_80, %broadcast_in_dim3A_34] : memref<640x16xf32, #tpu.memory_space<vmem>>[vector<16xi32>, vector<16xi32>], vector<16xf32>,
      %swap3A_82 = arith.index_cast %add3A_46 : i32 to index
      %swap3A_83 = arith.constant 48 : index
      %swap3A_84 = tpu.vector_load %arg7[%swap3A_82, %swap3A_83] {strides = array<i32>} : memref<5x128xf32, #tpu.memory_space<vmem>>, vector<16xf32>,
      tpu.vector_store %arg7[%swap3A_82, %swap3A_83], %gather3A_81 {strides = array<i32>} : memref<5x128xf32, #tpu.memory_space<vmem>>, vector<16xf32>,
      %mul3A_85 = arith.constant 128 : i32
      %mul3A_86 = arith.muli %add3A_46, %mul3A_85 : i32
      %add3A_87 = arith.constant 64 : i32
      %add3A_88 = arith.addi %mul3A_86, %add3A_87 : i32
      %add3A_89 = vector.broadcast %add3A_88 : i32 to vector<16xi32>
      %add3A_90 = arith.addi %iota3A, %add3A_89 : vector<16xi32>
      %gather3A_91 = tpu.vector_load_idx %arg6[%add3A_90, %broadcast_in_dim3A_34] : memref<640x16xf32, #tpu.memory_space<vmem>>[vector<16xi32>, vector<16xi32>], vector<16xf32>,
      %swap3A_92 = arith.index_cast %add3A_46 : i32 to index
      %swap3A_93 = arith.constant 64 : index
      %swap3A_94 = tpu.vector_load %arg7[%swap3A_92, %swap3A_93] {strides = array<i32>} : memref<5x128xf32, #tpu.memory_space<vmem>>, vector<16xf32>,
      tpu.vector_store %arg7[%swap3A_92, %swap3A_93], %gather3A_91 {strides = array<i32>} : memref<5x128xf32, #tpu.memory_space<vmem>>, vector<16xf32>,
      %mul3A_95 = arith.constant 128 : i32
      %mul3A_96 = arith.muli %add3A_46, %mul3A_95 : i32
      %add3A_97 = arith.constant 80 : i32
      %add3A_98 = arith.addi %mul3A_96, %add3A_97 : i32
      %add3A_99 = vector.broadcast %add3A_98 : i32 to vector<16xi32>
      %add3A_100 = arith.addi %iota3A, %add3A_99 : vector<16xi32>
      %gather3A_101 = tpu.vector_load_idx %arg6[%add3A_100, %broadcast_in_dim3A_34] : memref<640x16xf32, #tpu.memory_space<vmem>>[vector<16xi32>, vector<16xi32>], vector<16xf32>,
      %swap3A_102 = arith.index_cast %add3A_46 : i32 to index
      %swap3A_103 = arith.constant 80 : index
      %swap3A_104 = tpu.vector_load %arg7[%swap3A_102, %swap3A_103] {strides = array<i32>} : memref<5x128xf32, #tpu.memory_space<vmem>>, vector<16xf32>,
      tpu.vector_store %arg7[%swap3A_102, %swap3A_103], %gather3A_101 {strides = array<i32>} : memref<5x128xf32, #tpu.memory_space<vmem>>, vector<16xf32>,
      %mul3A_105 = arith.constant 128 : i32
      %mul3A_106 = arith.muli %add3A_46, %mul3A_105 : i32
      %add3A_107 = arith.constant 96 : i32
      %add3A_108 = arith.addi %mul3A_106, %add3A_107 : i32
      %add3A_109 = vector.broadcast %add3A_108 : i32 to vector<16xi32>
      %add3A_110 = arith.addi %iota3A, %add3A_109 : vector<16xi32>
      %gather3A_111 = tpu.vector_load_idx %arg6[%add3A_110, %broadcast_in_dim3A_34] : memref<640x16xf32, #tpu.memory_space<vmem>>[vector<16xi32>, vector<16xi32>], vector<16xf32>,
      %swap3A_112 = arith.index_cast %add3A_46 : i32 to index
      %swap3A_113 = arith.constant 96 : index
      %swap3A_114 = tpu.vector_load %arg7[%swap3A_112, %swap3A_113] {strides = array<i32>} : memref<5x128xf32, #tpu.memory_space<vmem>>, vector<16xf32>,
      tpu.vector_store %arg7[%swap3A_112, %swap3A_113], %gather3A_111 {strides = array<i32>} : memref<5x128xf32, #tpu.memory_space<vmem>>, vector<16xf32>,
      %mul3A_115 = arith.constant 128 : i32
      %mul3A_116 = arith.muli %add3A_46, %mul3A_115 : i32
      %add3A_117 = arith.constant 112 : i32
      %add3A_118 = arith.addi %mul3A_116, %add3A_117 : i32
      %add3A_119 = vector.broadcast %add3A_118 : i32 to vector<16xi32>
      %add3A_120 = arith.addi %iota3A, %add3A_119 : vector<16xi32>
      %gather3A_121 = tpu.vector_load_idx %arg6[%add3A_120, %broadcast_in_dim3A_34] : memref<640x16xf32, #tpu.memory_space<vmem>>[vector<16xi32>, vector<16xi32>], vector<16xf32>,
      %swap3A_122 = arith.index_cast %add3A_46 : i32 to index
      %swap3A_123 = arith.constant 112 : index
      %swap3A_124 = tpu.vector_load %arg7[%swap3A_122, %swap3A_123] {strides = array<i32>} : memref<5x128xf32, #tpu.memory_space<vmem>>, vector<16xf32>,
      tpu.vector_store %arg7[%swap3A_122, %swap3A_123], %gather3A_121 {strides = array<i32>} : memref<5x128xf32, #tpu.memory_space<vmem>>, vector<16xf32>,
    }
    %scan3A_39 = arith.constant 5 : i32
    %mul3A_40 = arith.constant 5 : i32
    %mul3A_41 = arith.muli %arg1, %mul3A_40 : i32
    "tpu.region"() ({
      %run_scoped3A = tpu.sem_alloc : memref<!tpu.dma_semaphore, #tpu.memory_space<semaphore_mem>>
      %dma_start3A = arith.constant 0 : i32
      %dma_start3A_42 = tpu.memref_slice %arg3[%arg0, %mul3A_41, %dma_start3A] : memref<2x80x128xf32, #tpu.memory_space<hbm>> -> memref<1x5x128xf32, #tpu.memory_space<hbm>>
      %dma_start3A_43 = tpu.memref_squeeze %dma_start3A_42 : memref<1x5x128xf32, #tpu.memory_space<hbm>> -> memref<5x128xf32, #tpu.memory_space<hbm>>
      %dma_start3A_44 = arith.constant 0 : i32
      %dma_start3A_45 = tpu.memref_slice %arg3[%arg0, %mul3A_41, %dma_start3A_44] : memref<2x80x128xf32, #tpu.memory_space<hbm>> -> memref<1x5x128xf32, #tpu.memory_space<hbm>>
      %dma_start3A_46 = tpu.memref_squeeze %dma_start3A_45 : memref<1x5x128xf32, #tpu.memory_space<hbm>> -> memref<5x128xf32, #tpu.memory_space<hbm>>
      tpu.enqueue_dma source(%arg7 : memref<5x128xf32, #tpu.memory_space<vmem>>) target(%dma_start3A_46 : memref<5x128xf32, #tpu.memory_space<hbm>>) target_semaphore(%run_scoped3A : memref<!tpu.dma_semaphore, #tpu.memory_space<semaphore_mem>>)
      %dma_wait3A = arith.constant 0 : i32
      %dma_wait3A_47 = tpu.memref_slice %arg3[%arg0, %mul3A_41, %dma_wait3A] : memref<2x80x128xf32, #tpu.memory_space<hbm>> -> memref<1x5x128xf32, #tpu.memory_space<hbm>>
      %dma_wait3A_48 = tpu.memref_squeeze %dma_wait3A_47 : memref<1x5x128xf32, #tpu.memory_space<hbm>> -> memref<5x128xf32, #tpu.memory_space<hbm>>
      %dma_wait3A_49 = arith.constant 0 : i32
      %dma_wait3A_50 = tpu.memref_slice %arg3[%arg0, %mul3A_41, %dma_wait3A_49] : memref<2x80x128xf32, #tpu.memory_space<hbm>> -> memref<1x5x128xf32, #tpu.memory_space<hbm>>
      %dma_wait3A_51 = tpu.memref_squeeze %dma_wait3A_50 : memref<1x5x128xf32, #tpu.memory_space<hbm>> -> memref<5x128xf32, #tpu.memory_space<hbm>>
      tpu.wait_dma2 semaphore(%run_scoped3A : memref<!tpu.dma_semaphore, #tpu.memory_space<semaphore_mem>>) src(%arg7 : memref<5x128xf32, #tpu.memory_space<vmem>>) dst(%dma_wait3A_51 : memref<5x128xf32, #tpu.memory_space<hbm>>)
      tpu.yield
    }) : () -> ()
    return
  }
}

#map = affine_map<(d0, d1) -> (0, 0)>
#map1 = affine_map<(d0, d1) -> (0, 0, 0)>
module attributes {stable_mosaic.version = 14 : i64} {
  func.func @_sc_agg(%arg0: i32, %arg1: i32, %arg2: memref<64x10240xf32, #tpu.memory_space<hbm>>, %arg3: memref<2560x128xi32, #tpu.memory_space<hbm>>, %arg4: memref<2560x128xi32, #tpu.memory_space<hbm>>, %arg5: memref<2x64x10240xf32, #tpu.memory_space<hbm>>, %arg6: memref<4x10240xf32, #tpu.memory_space<vmem>>, %arg7: memref<4x10240xf32, #tpu.memory_space<vmem>>, %arg8: memref<2x16x128xi32, #tpu.memory_space<vmem>>, %arg9: memref<2x16x128xi32, #tpu.memory_space<vmem>>, %arg10: memref<!tpu.dma_semaphore, #tpu.memory_space<semaphore_mem>>, %arg11: memref<!tpu.dma_semaphore, #tpu.memory_space<semaphore_mem>>, %arg12: memref<!tpu.dma_semaphore, #tpu.memory_space<semaphore_mem>>) attributes {dimension_semantics = [#tpu.dimension_semantics<core_parallel>, #tpu.dimension_semantics<subcore_parallel>], iteration_bounds = array<i64: 2, 16>, scalar_prefetch = 0 : i64, scratch_operands = 7 : i64, tpu.core_type = #tpu.core_type<sc_vector_subcore>, window_params = [{transform_indices = #map}, {transform_indices = #map}, {transform_indices = #map}, {transform_indices = #map1}]} {
    %mul3A = arith.constant 4 : i32
    %mul3A_0 = arith.muli %mul3A, %arg1 : i32
    %dma_start3A = arith.constant 0 : i32
    %dma_start3A_1 = tpu.memref_slice %arg2[%mul3A_0, %dma_start3A] : memref<64x10240xf32, #tpu.memory_space<hbm>> -> memref<4x10240xf32, #tpu.memory_space<hbm>>
    %dma_start3A_2 = arith.constant 0 : i32
    %dma_start3A_3 = tpu.memref_slice %arg2[%mul3A_0, %dma_start3A_2] : memref<64x10240xf32, #tpu.memory_space<hbm>> -> memref<4x10240xf32, #tpu.memory_space<hbm>>
    tpu.enqueue_dma source(%dma_start3A_3 : memref<4x10240xf32, #tpu.memory_space<hbm>>) target(%arg6 : memref<4x10240xf32, #tpu.memory_space<vmem>>) target_semaphore(%arg12 : memref<!tpu.dma_semaphore, #tpu.memory_space<semaphore_mem>>)
    %broadcast_in_dim3A = arith.constant 0.000000e+00 : f32
    %broadcast_in_dim3A_4 = vector.broadcast %broadcast_in_dim3A : f32 to vector<16xf32>
    %scan3A = arith.constant 0 : i32
    %scan3A_5 = arith.constant 640 : i32
    %scan3A_6 = arith.addi %scan3A, %scan3A_5 : i32
    %scan3A_7 = arith.constant 1 : i32
    scf.for %scan3A_73 = %scan3A to %scan3A_6 step %scan3A_7  : i32 {
      %mul3A_74 = arith.constant 16 : i32
      %mul3A_75 = arith.muli %scan3A_73, %mul3A_74 : i32
      %add3A_76 = arith.constant 0 : i32
      %add3A_77 = arith.addi %add3A_76, %mul3A_75 : i32
      %swap3A = arith.constant 0 : i32
      %swap3A_78 = arith.index_cast %swap3A : i32 to index
      %swap3A_79 = arith.index_cast %add3A_77 : i32 to index
      %swap3A_80 = tpu.vector_load %arg7[%swap3A_78, %swap3A_79] {strides = array<i32>} : memref<4x10240xf32, #tpu.memory_space<vmem>>, vector<16xf32>,
      tpu.vector_store %arg7[%swap3A_78, %swap3A_79], %broadcast_in_dim3A_4 {strides = array<i32>} : memref<4x10240xf32, #tpu.memory_space<vmem>>, vector<16xf32>,
    }
    %scan3A_8 = arith.constant 640 : i32
    %scan3A_9 = arith.constant 0 : i32
    %scan3A_10 = arith.constant 640 : i32
    %scan3A_11 = arith.addi %scan3A_9, %scan3A_10 : i32
    %scan3A_12 = arith.constant 1 : i32
    scf.for %scan3A_73 = %scan3A_9 to %scan3A_11 step %scan3A_12  : i32 {
      %mul3A_74 = arith.constant 16 : i32
      %mul3A_75 = arith.muli %scan3A_73, %mul3A_74 : i32
      %add3A_76 = arith.constant 0 : i32
      %add3A_77 = arith.addi %add3A_76, %mul3A_75 : i32
      %swap3A = arith.constant 1 : i32
      %swap3A_78 = arith.index_cast %swap3A : i32 to index
      %swap3A_79 = arith.index_cast %add3A_77 : i32 to index
      %swap3A_80 = tpu.vector_load %arg7[%swap3A_78, %swap3A_79] {strides = array<i32>} : memref<4x10240xf32, #tpu.memory_space<vmem>>, vector<16xf32>,
      tpu.vector_store %arg7[%swap3A_78, %swap3A_79], %broadcast_in_dim3A_4 {strides = array<i32>} : memref<4x10240xf32, #tpu.memory_space<vmem>>, vector<16xf32>,
    }
    %scan3A_13 = arith.constant 640 : i32
    %scan3A_14 = arith.constant 0 : i32
    %scan3A_15 = arith.constant 640 : i32
    %scan3A_16 = arith.addi %scan3A_14, %scan3A_15 : i32
    %scan3A_17 = arith.constant 1 : i32
    scf.for %scan3A_73 = %scan3A_14 to %scan3A_16 step %scan3A_17  : i32 {
      %mul3A_74 = arith.constant 16 : i32
      %mul3A_75 = arith.muli %scan3A_73, %mul3A_74 : i32
      %add3A_76 = arith.constant 0 : i32
      %add3A_77 = arith.addi %add3A_76, %mul3A_75 : i32
      %swap3A = arith.constant 2 : i32
      %swap3A_78 = arith.index_cast %swap3A : i32 to index
      %swap3A_79 = arith.index_cast %add3A_77 : i32 to index
      %swap3A_80 = tpu.vector_load %arg7[%swap3A_78, %swap3A_79] {strides = array<i32>} : memref<4x10240xf32, #tpu.memory_space<vmem>>, vector<16xf32>,
      tpu.vector_store %arg7[%swap3A_78, %swap3A_79], %broadcast_in_dim3A_4 {strides = array<i32>} : memref<4x10240xf32, #tpu.memory_space<vmem>>, vector<16xf32>,
    }
    %scan3A_18 = arith.constant 640 : i32
    %scan3A_19 = arith.constant 0 : i32
    %scan3A_20 = arith.constant 640 : i32
    %scan3A_21 = arith.addi %scan3A_19, %scan3A_20 : i32
    %scan3A_22 = arith.constant 1 : i32
    scf.for %scan3A_73 = %scan3A_19 to %scan3A_21 step %scan3A_22  : i32 {
      %mul3A_74 = arith.constant 16 : i32
      %mul3A_75 = arith.muli %scan3A_73, %mul3A_74 : i32
      %add3A_76 = arith.constant 0 : i32
      %add3A_77 = arith.addi %add3A_76, %mul3A_75 : i32
      %swap3A = arith.constant 3 : i32
      %swap3A_78 = arith.index_cast %swap3A : i32 to index
      %swap3A_79 = arith.index_cast %add3A_77 : i32 to index
      %swap3A_80 = tpu.vector_load %arg7[%swap3A_78, %swap3A_79] {strides = array<i32>} : memref<4x10240xf32, #tpu.memory_space<vmem>>, vector<16xf32>,
      tpu.vector_store %arg7[%swap3A_78, %swap3A_79], %broadcast_in_dim3A_4 {strides = array<i32>} : memref<4x10240xf32, #tpu.memory_space<vmem>>, vector<16xf32>,
    }
    %scan3A_23 = arith.constant 640 : i32
    %mul3A_24 = arith.constant 1280 : i32
    %mul3A_25 = arith.muli %arg0, %mul3A_24 : i32
    %broadcast_in_dim3A_26 = arith.constant 0 : i32
    %broadcast_in_dim3A_27 = vector.broadcast %broadcast_in_dim3A_26 : i32 to vector<16xi32>
    %broadcast_in_dim3A_28 = arith.constant 1 : i32
    %broadcast_in_dim3A_29 = vector.broadcast %broadcast_in_dim3A_28 : i32 to vector<16xi32>
    %broadcast_in_dim3A_30 = arith.constant 2 : i32
    %broadcast_in_dim3A_31 = vector.broadcast %broadcast_in_dim3A_30 : i32 to vector<16xi32>
    %broadcast_in_dim3A_32 = arith.constant 3 : i32
    %broadcast_in_dim3A_33 = vector.broadcast %broadcast_in_dim3A_32 : i32 to vector<16xi32>
    %add3A = arith.constant 0 : i32
    %add3A_34 = arith.addi %mul3A_25, %add3A : i32
    %dma_start3A_35 = arith.constant 0 : i32
    %dma_start3A_36 = arith.constant 0 : i32
    %dma_start3A_37 = arith.constant 0 : i32
    %dma_start3A_38 = tpu.memref_slice %arg8[%dma_start3A_35, %dma_start3A_36, %dma_start3A_37] : memref<2x16x128xi32, #tpu.memory_space<vmem>> -> memref<1x16x128xi32, #tpu.memory_space<vmem>>
    %dma_start3A_39 = tpu.memref_squeeze %dma_start3A_38 : memref<1x16x128xi32, #tpu.memory_space<vmem>> -> memref<16x128xi32, #tpu.memory_space<vmem>>
    %dma_start3A_40 = arith.constant 0 : i32
    %dma_start3A_41 = tpu.memref_slice %arg3[%add3A_34, %dma_start3A_40] : memref<2560x128xi32, #tpu.memory_space<hbm>> -> memref<16x128xi32, #tpu.memory_space<hbm>>
    %dma_start3A_42 = arith.constant 0 : i32
    %dma_start3A_43 = arith.constant 0 : i32
    %dma_start3A_44 = tpu.memref_slice %arg8[%dma_start3A_35, %dma_start3A_42, %dma_start3A_43] : memref<2x16x128xi32, #tpu.memory_space<vmem>> -> memref<1x16x128xi32, #tpu.memory_space<vmem>>
    %dma_start3A_45 = tpu.memref_squeeze %dma_start3A_44 : memref<1x16x128xi32, #tpu.memory_space<vmem>> -> memref<16x128xi32, #tpu.memory_space<vmem>>
    %dma_start3A_46 = arith.constant 0 : i32
    %dma_start3A_47 = tpu.memref_slice %arg3[%add3A_34, %dma_start3A_46] : memref<2560x128xi32, #tpu.memory_space<hbm>> -> memref<16x128xi32, #tpu.memory_space<hbm>>
    tpu.enqueue_dma source(%dma_start3A_47 : memref<16x128xi32, #tpu.memory_space<hbm>>) target(%dma_start3A_45 : memref<16x128xi32, #tpu.memory_space<vmem>>) target_semaphore(%arg10 : memref<!tpu.dma_semaphore, #tpu.memory_space<semaphore_mem>>)
    %add3A_48 = arith.constant 0 : i32
    %add3A_49 = arith.addi %mul3A_25, %add3A_48 : i32
    %dma_start3A_50 = arith.constant 0 : i32
    %dma_start3A_51 = arith.constant 0 : i32
    %dma_start3A_52 = arith.constant 0 : i32
    %dma_start3A_53 = tpu.memref_slice %arg9[%dma_start3A_50, %dma_start3A_51, %dma_start3A_52] : memref<2x16x128xi32, #tpu.memory_space<vmem>> -> memref<1x16x128xi32, #tpu.memory_space<vmem>>
    %dma_start3A_54 = tpu.memref_squeeze %dma_start3A_53 : memref<1x16x128xi32, #tpu.memory_space<vmem>> -> memref<16x128xi32, #tpu.memory_space<vmem>>
    %dma_start3A_55 = arith.constant 0 : i32
    %dma_start3A_56 = tpu.memref_slice %arg4[%add3A_49, %dma_start3A_55] : memref<2560x128xi32, #tpu.memory_space<hbm>> -> memref<16x128xi32, #tpu.memory_space<hbm>>
    %dma_start3A_57 = arith.constant 0 : i32
    %dma_start3A_58 = arith.constant 0 : i32
    %dma_start3A_59 = tpu.memref_slice %arg9[%dma_start3A_50, %dma_start3A_57, %dma_start3A_58] : memref<2x16x128xi32, #tpu.memory_space<vmem>> -> memref<1x16x128xi32, #tpu.memory_space<vmem>>
    %dma_start3A_60 = tpu.memref_squeeze %dma_start3A_59 : memref<1x16x128xi32, #tpu.memory_space<vmem>> -> memref<16x128xi32, #tpu.memory_space<vmem>>
    %dma_start3A_61 = arith.constant 0 : i32
    %dma_start3A_62 = tpu.memref_slice %arg4[%add3A_49, %dma_start3A_61] : memref<2560x128xi32, #tpu.memory_space<hbm>> -> memref<16x128xi32, #tpu.memory_space<hbm>>
    tpu.enqueue_dma source(%dma_start3A_62 : memref<16x128xi32, #tpu.memory_space<hbm>>) target(%dma_start3A_60 : memref<16x128xi32, #tpu.memory_space<vmem>>) target_semaphore(%arg11 : memref<!tpu.dma_semaphore, #tpu.memory_space<semaphore_mem>>)
    %dma_wait3A = arith.constant 0 : i32
    %dma_wait3A_63 = tpu.memref_slice %arg2[%mul3A_0, %dma_wait3A] : memref<64x10240xf32, #tpu.memory_space<hbm>> -> memref<4x10240xf32, #tpu.memory_space<hbm>>
    %dma_wait3A_64 = arith.constant 0 : i32
    %dma_wait3A_65 = tpu.memref_slice %arg2[%mul3A_0, %dma_wait3A_64] : memref<64x10240xf32, #tpu.memory_space<hbm>> -> memref<4x10240xf32, #tpu.memory_space<hbm>>
    tpu.wait_dma2 semaphore(%arg12 : memref<!tpu.dma_semaphore, #tpu.memory_space<semaphore_mem>>) src(%dma_wait3A_65 : memref<4x10240xf32, #tpu.memory_space<hbm>>) dst(%arg6 : memref<4x10240xf32, #tpu.memory_space<vmem>>)
    %scan3A_66 = arith.constant 0 : i32
    %scan3A_67 = arith.constant 40 : i32
    %scan3A_68 = arith.addi %scan3A_66, %scan3A_67 : i32
    %scan3A_69 = arith.constant 1 : i32
    scf.for %scan3A_73 = %scan3A_66 to %scan3A_68 step %scan3A_69  : i32 {
      %mul3A_74 = arith.constant 2 : i32
      %mul3A_75 = arith.muli %scan3A_73, %mul3A_74 : i32
      %add3A_76 = arith.constant 0 : i32
      %add3A_77 = arith.addi %add3A_76, %mul3A_75 : i32
      %mul3A_78 = arith.constant 16 : i32
      %mul3A_79 = arith.muli %add3A_77, %mul3A_78 : i32
      %add3A_80 = arith.addi %mul3A_25, %mul3A_79 : i32
      %dma_wait3A_81 = arith.constant 0 : i32
      %dma_wait3A_82 = arith.constant 0 : i32
      %dma_wait3A_83 = arith.constant 0 : i32
      %dma_wait3A_84 = tpu.memref_slice %arg8[%dma_wait3A_81, %dma_wait3A_82, %dma_wait3A_83] : memref<2x16x128xi32, #tpu.memory_space<vmem>> -> memref<1x16x128xi32, #tpu.memory_space<vmem>>
      %dma_wait3A_85 = tpu.memref_squeeze %dma_wait3A_84 : memref<1x16x128xi32, #tpu.memory_space<vmem>> -> memref<16x128xi32, #tpu.memory_space<vmem>>
      %dma_wait3A_86 = arith.constant 0 : i32
      %dma_wait3A_87 = tpu.memref_slice %arg3[%add3A_80, %dma_wait3A_86] : memref<2560x128xi32, #tpu.memory_space<hbm>> -> memref<16x128xi32, #tpu.memory_space<hbm>>
      %dma_wait3A_88 = arith.constant 0 : i32
      %dma_wait3A_89 = arith.constant 0 : i32
      %dma_wait3A_90 = tpu.memref_slice %arg8[%dma_wait3A_81, %dma_wait3A_88, %dma_wait3A_89] : memref<2x16x128xi32, #tpu.memory_space<vmem>> -> memref<1x16x128xi32, #tpu.memory_space<vmem>>
      %dma_wait3A_91 = tpu.memref_squeeze %dma_wait3A_90 : memref<1x16x128xi32, #tpu.memory_space<vmem>> -> memref<16x128xi32, #tpu.memory_space<vmem>>
      %dma_wait3A_92 = arith.constant 0 : i32
      %dma_wait3A_93 = tpu.memref_slice %arg3[%add3A_80, %dma_wait3A_92] : memref<2560x128xi32, #tpu.memory_space<hbm>> -> memref<16x128xi32, #tpu.memory_space<hbm>>
      tpu.wait_dma2 semaphore(%arg10 : memref<!tpu.dma_semaphore, #tpu.memory_space<semaphore_mem>>) src(%dma_wait3A_93 : memref<16x128xi32, #tpu.memory_space<hbm>>) dst(%dma_wait3A_91 : memref<16x128xi32, #tpu.memory_space<vmem>>)
      %mul3A_94 = arith.constant 16 : i32
      %mul3A_95 = arith.muli %add3A_77, %mul3A_94 : i32
      %add3A_96 = arith.addi %mul3A_25, %mul3A_95 : i32
      %dma_wait3A_97 = arith.constant 0 : i32
      %dma_wait3A_98 = arith.constant 0 : i32
      %dma_wait3A_99 = arith.constant 0 : i32
      %dma_wait3A_100 = tpu.memref_slice %arg9[%dma_wait3A_97, %dma_wait3A_98, %dma_wait3A_99] : memref<2x16x128xi32, #tpu.memory_space<vmem>> -> memref<1x16x128xi32, #tpu.memory_space<vmem>>
      %dma_wait3A_101 = tpu.memref_squeeze %dma_wait3A_100 : memref<1x16x128xi32, #tpu.memory_space<vmem>> -> memref<16x128xi32, #tpu.memory_space<vmem>>
      %dma_wait3A_102 = arith.constant 0 : i32
      %dma_wait3A_103 = tpu.memref_slice %arg4[%add3A_96, %dma_wait3A_102] : memref<2560x128xi32, #tpu.memory_space<hbm>> -> memref<16x128xi32, #tpu.memory_space<hbm>>
      %dma_wait3A_104 = arith.constant 0 : i32
      %dma_wait3A_105 = arith.constant 0 : i32
      %dma_wait3A_106 = tpu.memref_slice %arg9[%dma_wait3A_97, %dma_wait3A_104, %dma_wait3A_105] : memref<2x16x128xi32, #tpu.memory_space<vmem>> -> memref<1x16x128xi32, #tpu.memory_space<vmem>>
      %dma_wait3A_107 = tpu.memref_squeeze %dma_wait3A_106 : memref<1x16x128xi32, #tpu.memory_space<vmem>> -> memref<16x128xi32, #tpu.memory_space<vmem>>
      %dma_wait3A_108 = arith.constant 0 : i32
      %dma_wait3A_109 = tpu.memref_slice %arg4[%add3A_96, %dma_wait3A_108] : memref<2560x128xi32, #tpu.memory_space<hbm>> -> memref<16x128xi32, #tpu.memory_space<hbm>>
      tpu.wait_dma2 semaphore(%arg11 : memref<!tpu.dma_semaphore, #tpu.memory_space<semaphore_mem>>) src(%dma_wait3A_109 : memref<16x128xi32, #tpu.memory_space<hbm>>) dst(%dma_wait3A_107 : memref<16x128xi32, #tpu.memory_space<vmem>>)
      %add3A_110 = arith.constant 1 : i32
      %add3A_111 = arith.addi %add3A_77, %add3A_110 : i32
      %mul3A_112 = arith.constant 16 : i32
      %mul3A_113 = arith.muli %add3A_111, %mul3A_112 : i32
      %add3A_114 = arith.addi %mul3A_25, %mul3A_113 : i32
      %dma_start3A_115 = arith.constant 1 : i32
      %dma_start3A_116 = arith.constant 0 : i32
      %dma_start3A_117 = arith.constant 0 : i32
      %dma_start3A_118 = tpu.memref_slice %arg8[%dma_start3A_115, %dma_start3A_116, %dma_start3A_117] : memref<2x16x128xi32, #tpu.memory_space<vmem>> -> memref<1x16x128xi32, #tpu.memory_space<vmem>>
      %dma_start3A_119 = tpu.memref_squeeze %dma_start3A_118 : memref<1x16x128xi32, #tpu.memory_space<vmem>> -> memref<16x128xi32, #tpu.memory_space<vmem>>
      %dma_start3A_120 = arith.constant 0 : i32
      %dma_start3A_121 = tpu.memref_slice %arg3[%add3A_114, %dma_start3A_120] : memref<2560x128xi32, #tpu.memory_space<hbm>> -> memref<16x128xi32, #tpu.memory_space<hbm>>
      %dma_start3A_122 = arith.constant 0 : i32
      %dma_start3A_123 = arith.constant 0 : i32
      %dma_start3A_124 = tpu.memref_slice %arg8[%dma_start3A_115, %dma_start3A_122, %dma_start3A_123] : memref<2x16x128xi32, #tpu.memory_space<vmem>> -> memref<1x16x128xi32, #tpu.memory_space<vmem>>
      %dma_start3A_125 = tpu.memref_squeeze %dma_start3A_124 : memref<1x16x128xi32, #tpu.memory_space<vmem>> -> memref<16x128xi32, #tpu.memory_space<vmem>>
      %dma_start3A_126 = arith.constant 0 : i32
      %dma_start3A_127 = tpu.memref_slice %arg3[%add3A_114, %dma_start3A_126] : memref<2560x128xi32, #tpu.memory_space<hbm>> -> memref<16x128xi32, #tpu.memory_space<hbm>>
      tpu.enqueue_dma source(%dma_start3A_127 : memref<16x128xi32, #tpu.memory_space<hbm>>) target(%dma_start3A_125 : memref<16x128xi32, #tpu.memory_space<vmem>>) target_semaphore(%arg10 : memref<!tpu.dma_semaphore, #tpu.memory_space<semaphore_mem>>)
      %mul3A_128 = arith.constant 16 : i32
      %mul3A_129 = arith.muli %add3A_111, %mul3A_128 : i32
      %add3A_130 = arith.addi %mul3A_25, %mul3A_129 : i32
      %dma_start3A_131 = arith.constant 1 : i32
      %dma_start3A_132 = arith.constant 0 : i32
      %dma_start3A_133 = arith.constant 0 : i32
      %dma_start3A_134 = tpu.memref_slice %arg9[%dma_start3A_131, %dma_start3A_132, %dma_start3A_133] : memref<2x16x128xi32, #tpu.memory_space<vmem>> -> memref<1x16x128xi32, #tpu.memory_space<vmem>>
      %dma_start3A_135 = tpu.memref_squeeze %dma_start3A_134 : memref<1x16x128xi32, #tpu.memory_space<vmem>> -> memref<16x128xi32, #tpu.memory_space<vmem>>
      %dma_start3A_136 = arith.constant 0 : i32
      %dma_start3A_137 = tpu.memref_slice %arg4[%add3A_130, %dma_start3A_136] : memref<2560x128xi32, #tpu.memory_space<hbm>> -> memref<16x128xi32, #tpu.memory_space<hbm>>
      %dma_start3A_138 = arith.constant 0 : i32
      %dma_start3A_139 = arith.constant 0 : i32
      %dma_start3A_140 = tpu.memref_slice %arg9[%dma_start3A_131, %dma_start3A_138, %dma_start3A_139] : memref<2x16x128xi32, #tpu.memory_space<vmem>> -> memref<1x16x128xi32, #tpu.memory_space<vmem>>
      %dma_start3A_141 = tpu.memref_squeeze %dma_start3A_140 : memref<1x16x128xi32, #tpu.memory_space<vmem>> -> memref<16x128xi32, #tpu.memory_space<vmem>>
      %dma_start3A_142 = arith.constant 0 : i32
      %dma_start3A_143 = tpu.memref_slice %arg4[%add3A_130, %dma_start3A_142] : memref<2560x128xi32, #tpu.memory_space<hbm>> -> memref<16x128xi32, #tpu.memory_space<hbm>>
      tpu.enqueue_dma source(%dma_start3A_143 : memref<16x128xi32, #tpu.memory_space<hbm>>) target(%dma_start3A_141 : memref<16x128xi32, #tpu.memory_space<vmem>>) target_semaphore(%arg11 : memref<!tpu.dma_semaphore, #tpu.memory_space<semaphore_mem>>)
      %parallel_loop3A = arith.constant 0 : i32
      %parallel_loop3A_144 = arith.constant 16 : i32
      %parallel_loop3A_145 = arith.constant 1 : i32
      scf.for %parallel_loop3A_187 = %parallel_loop3A to %parallel_loop3A_144 step %parallel_loop3A_145  : i32 {
        %parallel_loop3A_188 = arith.constant 0 : i32
        %parallel_loop3A_189 = arith.index_cast %parallel_loop3A_188 : i32 to index
        %parallel_loop3A_190 = arith.index_cast %parallel_loop3A_187 : i32 to index
        %parallel_loop3A_191 = arith.constant 0 : index
        %parallel_loop3A_192 = tpu.vector_load %arg8[%parallel_loop3A_189, %parallel_loop3A_190, %parallel_loop3A_191] {strides = array<i32>} : memref<2x16x128xi32, #tpu.memory_space<vmem>>, vector<16xi32>,
        %parallel_loop3A_193 = arith.constant 0 : i32
        %parallel_loop3A_194 = arith.index_cast %parallel_loop3A_193 : i32 to index
        %parallel_loop3A_195 = arith.index_cast %parallel_loop3A_187 : i32 to index
        %parallel_loop3A_196 = arith.constant 0 : index
        %parallel_loop3A_197 = tpu.vector_load %arg9[%parallel_loop3A_194, %parallel_loop3A_195, %parallel_loop3A_196] {strides = array<i32>} : memref<2x16x128xi32, #tpu.memory_space<vmem>>, vector<16xi32>,
        %parallel_loop3A_198 = tpu.vector_load_idx %arg6[%broadcast_in_dim3A_27, %parallel_loop3A_192] : memref<4x10240xf32, #tpu.memory_space<vmem>>[vector<16xi32>, vector<16xi32>], vector<16xf32>,
        tpu.vector_store_idx %arg7[%broadcast_in_dim3A_27, %parallel_loop3A_197], %parallel_loop3A_198 {add = true} : memref<4x10240xf32, #tpu.memory_space<vmem>>[vector<16xi32>, vector<16xi32>], vector<16xf32>,
        %parallel_loop3A_199 = tpu.vector_load_idx %arg6[%broadcast_in_dim3A_29, %parallel_loop3A_192] : memref<4x10240xf32, #tpu.memory_space<vmem>>[vector<16xi32>, vector<16xi32>], vector<16xf32>,
        tpu.vector_store_idx %arg7[%broadcast_in_dim3A_29, %parallel_loop3A_197], %parallel_loop3A_199 {add = true} : memref<4x10240xf32, #tpu.memory_space<vmem>>[vector<16xi32>, vector<16xi32>], vector<16xf32>,
        %parallel_loop3A_200 = tpu.vector_load_idx %arg6[%broadcast_in_dim3A_31, %parallel_loop3A_192] : memref<4x10240xf32, #tpu.memory_space<vmem>>[vector<16xi32>, vector<16xi32>], vector<16xf32>,
        tpu.vector_store_idx %arg7[%broadcast_in_dim3A_31, %parallel_loop3A_197], %parallel_loop3A_200 {add = true} : memref<4x10240xf32, #tpu.memory_space<vmem>>[vector<16xi32>, vector<16xi32>], vector<16xf32>,
        %parallel_loop3A_201 = tpu.vector_load_idx %arg6[%broadcast_in_dim3A_33, %parallel_loop3A_192] : memref<4x10240xf32, #tpu.memory_space<vmem>>[vector<16xi32>, vector<16xi32>], vector<16xf32>,
        tpu.vector_store_idx %arg7[%broadcast_in_dim3A_33, %parallel_loop3A_197], %parallel_loop3A_201 {add = true} : memref<4x10240xf32, #tpu.memory_space<vmem>>[vector<16xi32>, vector<16xi32>], vector<16xf32>,
        %parallel_loop3A_202 = arith.constant 0 : i32
        %parallel_loop3A_203 = arith.index_cast %parallel_loop3A_202 : i32 to index
        %parallel_loop3A_204 = arith.index_cast %parallel_loop3A_187 : i32 to index
        %parallel_loop3A_205 = arith.constant 16 : index
        %parallel_loop3A_206 = tpu.vector_load %arg8[%parallel_loop3A_203, %parallel_loop3A_204, %parallel_loop3A_205] {strides = array<i32>} : memref<2x16x128xi32, #tpu.memory_space<vmem>>, vector<16xi32>,
        %parallel_loop3A_207 = arith.constant 0 : i32
        %parallel_loop3A_208 = arith.index_cast %parallel_loop3A_207 : i32 to index
        %parallel_loop3A_209 = arith.index_cast %parallel_loop3A_187 : i32 to index
        %parallel_loop3A_210 = arith.constant 16 : index
        %parallel_loop3A_211 = tpu.vector_load %arg9[%parallel_loop3A_208, %parallel_loop3A_209, %parallel_loop3A_210] {strides = array<i32>} : memref<2x16x128xi32, #tpu.memory_space<vmem>>, vector<16xi32>,
        %parallel_loop3A_212 = tpu.vector_load_idx %arg6[%broadcast_in_dim3A_27, %parallel_loop3A_206] : memref<4x10240xf32, #tpu.memory_space<vmem>>[vector<16xi32>, vector<16xi32>], vector<16xf32>,
        tpu.vector_store_idx %arg7[%broadcast_in_dim3A_27, %parallel_loop3A_211], %parallel_loop3A_212 {add = true} : memref<4x10240xf32, #tpu.memory_space<vmem>>[vector<16xi32>, vector<16xi32>], vector<16xf32>,
        %parallel_loop3A_213 = tpu.vector_load_idx %arg6[%broadcast_in_dim3A_29, %parallel_loop3A_206] : memref<4x10240xf32, #tpu.memory_space<vmem>>[vector<16xi32>, vector<16xi32>], vector<16xf32>,
        tpu.vector_store_idx %arg7[%broadcast_in_dim3A_29, %parallel_loop3A_211], %parallel_loop3A_213 {add = true} : memref<4x10240xf32, #tpu.memory_space<vmem>>[vector<16xi32>, vector<16xi32>], vector<16xf32>,
        %parallel_loop3A_214 = tpu.vector_load_idx %arg6[%broadcast_in_dim3A_31, %parallel_loop3A_206] : memref<4x10240xf32, #tpu.memory_space<vmem>>[vector<16xi32>, vector<16xi32>], vector<16xf32>,
        tpu.vector_store_idx %arg7[%broadcast_in_dim3A_31, %parallel_loop3A_211], %parallel_loop3A_214 {add = true} : memref<4x10240xf32, #tpu.memory_space<vmem>>[vector<16xi32>, vector<16xi32>], vector<16xf32>,
        %parallel_loop3A_215 = tpu.vector_load_idx %arg6[%broadcast_in_dim3A_33, %parallel_loop3A_206] : memref<4x10240xf32, #tpu.memory_space<vmem>>[vector<16xi32>, vector<16xi32>], vector<16xf32>,
        tpu.vector_store_idx %arg7[%broadcast_in_dim3A_33, %parallel_loop3A_211], %parallel_loop3A_215 {add = true} : memref<4x10240xf32, #tpu.memory_space<vmem>>[vector<16xi32>, vector<16xi32>], vector<16xf32>,
        %parallel_loop3A_216 = arith.constant 0 : i32
        %parallel_loop3A_217 = arith.index_cast %parallel_loop3A_216 : i32 to index
        %parallel_loop3A_218 = arith.index_cast %parallel_loop3A_187 : i32 to index
        %parallel_loop3A_219 = arith.constant 32 : index
        %parallel_loop3A_220 = tpu.vector_load %arg8[%parallel_loop3A_217, %parallel_loop3A_218, %parallel_loop3A_219] {strides = array<i32>} : memref<2x16x128xi32, #tpu.memory_space<vmem>>, vector<16xi32>,
        %parallel_loop3A_221 = arith.constant 0 : i32
        %parallel_loop3A_222 = arith.index_cast %parallel_loop3A_221 : i32 to index
        %parallel_loop3A_223 = arith.index_cast %parallel_loop3A_187 : i32 to index
        %parallel_loop3A_224 = arith.constant 32 : index
        %parallel_loop3A_225 = tpu.vector_load %arg9[%parallel_loop3A_222, %parallel_loop3A_223, %parallel_loop3A_224] {strides = array<i32>} : memref<2x16x128xi32, #tpu.memory_space<vmem>>, vector<16xi32>,
        %parallel_loop3A_226 = tpu.vector_load_idx %arg6[%broadcast_in_dim3A_27, %parallel_loop3A_220] : memref<4x10240xf32, #tpu.memory_space<vmem>>[vector<16xi32>, vector<16xi32>], vector<16xf32>,
        tpu.vector_store_idx %arg7[%broadcast_in_dim3A_27, %parallel_loop3A_225], %parallel_loop3A_226 {add = true} : memref<4x10240xf32, #tpu.memory_space<vmem>>[vector<16xi32>, vector<16xi32>], vector<16xf32>,
        %parallel_loop3A_227 = tpu.vector_load_idx %arg6[%broadcast_in_dim3A_29, %parallel_loop3A_220] : memref<4x10240xf32, #tpu.memory_space<vmem>>[vector<16xi32>, vector<16xi32>], vector<16xf32>,
        tpu.vector_store_idx %arg7[%broadcast_in_dim3A_29, %parallel_loop3A_225], %parallel_loop3A_227 {add = true} : memref<4x10240xf32, #tpu.memory_space<vmem>>[vector<16xi32>, vector<16xi32>], vector<16xf32>,
        %parallel_loop3A_228 = tpu.vector_load_idx %arg6[%broadcast_in_dim3A_31, %parallel_loop3A_220] : memref<4x10240xf32, #tpu.memory_space<vmem>>[vector<16xi32>, vector<16xi32>], vector<16xf32>,
        tpu.vector_store_idx %arg7[%broadcast_in_dim3A_31, %parallel_loop3A_225], %parallel_loop3A_228 {add = true} : memref<4x10240xf32, #tpu.memory_space<vmem>>[vector<16xi32>, vector<16xi32>], vector<16xf32>,
        %parallel_loop3A_229 = tpu.vector_load_idx %arg6[%broadcast_in_dim3A_33, %parallel_loop3A_220] : memref<4x10240xf32, #tpu.memory_space<vmem>>[vector<16xi32>, vector<16xi32>], vector<16xf32>,
        tpu.vector_store_idx %arg7[%broadcast_in_dim3A_33, %parallel_loop3A_225], %parallel_loop3A_229 {add = true} : memref<4x10240xf32, #tpu.memory_space<vmem>>[vector<16xi32>, vector<16xi32>], vector<16xf32>,
        %parallel_loop3A_230 = arith.constant 0 : i32
        %parallel_loop3A_231 = arith.index_cast %parallel_loop3A_230 : i32 to index
        %parallel_loop3A_232 = arith.index_cast %parallel_loop3A_187 : i32 to index
        %parallel_loop3A_233 = arith.constant 48 : index
        %parallel_loop3A_234 = tpu.vector_load %arg8[%parallel_loop3A_231, %parallel_loop3A_232, %parallel_loop3A_233] {strides = array<i32>} : memref<2x16x128xi32, #tpu.memory_space<vmem>>, vector<16xi32>,
        %parallel_loop3A_235 = arith.constant 0 : i32
        %parallel_loop3A_236 = arith.index_cast %parallel_loop3A_235 : i32 to index
        %parallel_loop3A_237 = arith.index_cast %parallel_loop3A_187 : i32 to index
        %parallel_loop3A_238 = arith.constant 48 : index
        %parallel_loop3A_239 = tpu.vector_load %arg9[%parallel_loop3A_236, %parallel_loop3A_237, %parallel_loop3A_238] {strides = array<i32>} : memref<2x16x128xi32, #tpu.memory_space<vmem>>, vector<16xi32>,
        %parallel_loop3A_240 = tpu.vector_load_idx %arg6[%broadcast_in_dim3A_27, %parallel_loop3A_234] : memref<4x10240xf32, #tpu.memory_space<vmem>>[vector<16xi32>, vector<16xi32>], vector<16xf32>,
        tpu.vector_store_idx %arg7[%broadcast_in_dim3A_27, %parallel_loop3A_239], %parallel_loop3A_240 {add = true} : memref<4x10240xf32, #tpu.memory_space<vmem>>[vector<16xi32>, vector<16xi32>], vector<16xf32>,
        %parallel_loop3A_241 = tpu.vector_load_idx %arg6[%broadcast_in_dim3A_29, %parallel_loop3A_234] : memref<4x10240xf32, #tpu.memory_space<vmem>>[vector<16xi32>, vector<16xi32>], vector<16xf32>,
        tpu.vector_store_idx %arg7[%broadcast_in_dim3A_29, %parallel_loop3A_239], %parallel_loop3A_241 {add = true} : memref<4x10240xf32, #tpu.memory_space<vmem>>[vector<16xi32>, vector<16xi32>], vector<16xf32>,
        %parallel_loop3A_242 = tpu.vector_load_idx %arg6[%broadcast_in_dim3A_31, %parallel_loop3A_234] : memref<4x10240xf32, #tpu.memory_space<vmem>>[vector<16xi32>, vector<16xi32>], vector<16xf32>,
        tpu.vector_store_idx %arg7[%broadcast_in_dim3A_31, %parallel_loop3A_239], %parallel_loop3A_242 {add = true} : memref<4x10240xf32, #tpu.memory_space<vmem>>[vector<16xi32>, vector<16xi32>], vector<16xf32>,
        %parallel_loop3A_243 = tpu.vector_load_idx %arg6[%broadcast_in_dim3A_33, %parallel_loop3A_234] : memref<4x10240xf32, #tpu.memory_space<vmem>>[vector<16xi32>, vector<16xi32>], vector<16xf32>,
        tpu.vector_store_idx %arg7[%broadcast_in_dim3A_33, %parallel_loop3A_239], %parallel_loop3A_243 {add = true} : memref<4x10240xf32, #tpu.memory_space<vmem>>[vector<16xi32>, vector<16xi32>], vector<16xf32>,
        %parallel_loop3A_244 = arith.constant 0 : i32
        %parallel_loop3A_245 = arith.index_cast %parallel_loop3A_244 : i32 to index
        %parallel_loop3A_246 = arith.index_cast %parallel_loop3A_187 : i32 to index
        %parallel_loop3A_247 = arith.constant 64 : index
        %parallel_loop3A_248 = tpu.vector_load %arg8[%parallel_loop3A_245, %parallel_loop3A_246, %parallel_loop3A_247] {strides = array<i32>} : memref<2x16x128xi32, #tpu.memory_space<vmem>>, vector<16xi32>,
        %parallel_loop3A_249 = arith.constant 0 : i32
        %parallel_loop3A_250 = arith.index_cast %parallel_loop3A_249 : i32 to index
        %parallel_loop3A_251 = arith.index_cast %parallel_loop3A_187 : i32 to index
        %parallel_loop3A_252 = arith.constant 64 : index
        %parallel_loop3A_253 = tpu.vector_load %arg9[%parallel_loop3A_250, %parallel_loop3A_251, %parallel_loop3A_252] {strides = array<i32>} : memref<2x16x128xi32, #tpu.memory_space<vmem>>, vector<16xi32>,
        %parallel_loop3A_254 = tpu.vector_load_idx %arg6[%broadcast_in_dim3A_27, %parallel_loop3A_248] : memref<4x10240xf32, #tpu.memory_space<vmem>>[vector<16xi32>, vector<16xi32>], vector<16xf32>,
        tpu.vector_store_idx %arg7[%broadcast_in_dim3A_27, %parallel_loop3A_253], %parallel_loop3A_254 {add = true} : memref<4x10240xf32, #tpu.memory_space<vmem>>[vector<16xi32>, vector<16xi32>], vector<16xf32>,
        %parallel_loop3A_255 = tpu.vector_load_idx %arg6[%broadcast_in_dim3A_29, %parallel_loop3A_248] : memref<4x10240xf32, #tpu.memory_space<vmem>>[vector<16xi32>, vector<16xi32>], vector<16xf32>,
        tpu.vector_store_idx %arg7[%broadcast_in_dim3A_29, %parallel_loop3A_253], %parallel_loop3A_255 {add = true} : memref<4x10240xf32, #tpu.memory_space<vmem>>[vector<16xi32>, vector<16xi32>], vector<16xf32>,
        %parallel_loop3A_256 = tpu.vector_load_idx %arg6[%broadcast_in_dim3A_31, %parallel_loop3A_248] : memref<4x10240xf32, #tpu.memory_space<vmem>>[vector<16xi32>, vector<16xi32>], vector<16xf32>,
        tpu.vector_store_idx %arg7[%broadcast_in_dim3A_31, %parallel_loop3A_253], %parallel_loop3A_256 {add = true} : memref<4x10240xf32, #tpu.memory_space<vmem>>[vector<16xi32>, vector<16xi32>], vector<16xf32>,
        %parallel_loop3A_257 = tpu.vector_load_idx %arg6[%broadcast_in_dim3A_33, %parallel_loop3A_248] : memref<4x10240xf32, #tpu.memory_space<vmem>>[vector<16xi32>, vector<16xi32>], vector<16xf32>,
        tpu.vector_store_idx %arg7[%broadcast_in_dim3A_33, %parallel_loop3A_253], %parallel_loop3A_257 {add = true} : memref<4x10240xf32, #tpu.memory_space<vmem>>[vector<16xi32>, vector<16xi32>], vector<16xf32>,
        %parallel_loop3A_258 = arith.constant 0 : i32
        %parallel_loop3A_259 = arith.index_cast %parallel_loop3A_258 : i32 to index
        %parallel_loop3A_260 = arith.index_cast %parallel_loop3A_187 : i32 to index
        %parallel_loop3A_261 = arith.constant 80 : index
        %parallel_loop3A_262 = tpu.vector_load %arg8[%parallel_loop3A_259, %parallel_loop3A_260, %parallel_loop3A_261] {strides = array<i32>} : memref<2x16x128xi32, #tpu.memory_space<vmem>>, vector<16xi32>,
        %parallel_loop3A_263 = arith.constant 0 : i32
        %parallel_loop3A_264 = arith.index_cast %parallel_loop3A_263 : i32 to index
        %parallel_loop3A_265 = arith.index_cast %parallel_loop3A_187 : i32 to index
        %parallel_loop3A_266 = arith.constant 80 : index
        %parallel_loop3A_267 = tpu.vector_load %arg9[%parallel_loop3A_264, %parallel_loop3A_265, %parallel_loop3A_266] {strides = array<i32>} : memref<2x16x128xi32, #tpu.memory_space<vmem>>, vector<16xi32>,
        %parallel_loop3A_268 = tpu.vector_load_idx %arg6[%broadcast_in_dim3A_27, %parallel_loop3A_262] : memref<4x10240xf32, #tpu.memory_space<vmem>>[vector<16xi32>, vector<16xi32>], vector<16xf32>,
        tpu.vector_store_idx %arg7[%broadcast_in_dim3A_27, %parallel_loop3A_267], %parallel_loop3A_268 {add = true} : memref<4x10240xf32, #tpu.memory_space<vmem>>[vector<16xi32>, vector<16xi32>], vector<16xf32>,
        %parallel_loop3A_269 = tpu.vector_load_idx %arg6[%broadcast_in_dim3A_29, %parallel_loop3A_262] : memref<4x10240xf32, #tpu.memory_space<vmem>>[vector<16xi32>, vector<16xi32>], vector<16xf32>,
        tpu.vector_store_idx %arg7[%broadcast_in_dim3A_29, %parallel_loop3A_267], %parallel_loop3A_269 {add = true} : memref<4x10240xf32, #tpu.memory_space<vmem>>[vector<16xi32>, vector<16xi32>], vector<16xf32>,
        %parallel_loop3A_270 = tpu.vector_load_idx %arg6[%broadcast_in_dim3A_31, %parallel_loop3A_262] : memref<4x10240xf32, #tpu.memory_space<vmem>>[vector<16xi32>, vector<16xi32>], vector<16xf32>,
        tpu.vector_store_idx %arg7[%broadcast_in_dim3A_31, %parallel_loop3A_267], %parallel_loop3A_270 {add = true} : memref<4x10240xf32, #tpu.memory_space<vmem>>[vector<16xi32>, vector<16xi32>], vector<16xf32>,
        %parallel_loop3A_271 = tpu.vector_load_idx %arg6[%broadcast_in_dim3A_33, %parallel_loop3A_262] : memref<4x10240xf32, #tpu.memory_space<vmem>>[vector<16xi32>, vector<16xi32>], vector<16xf32>,
        tpu.vector_store_idx %arg7[%broadcast_in_dim3A_33, %parallel_loop3A_267], %parallel_loop3A_271 {add = true} : memref<4x10240xf32, #tpu.memory_space<vmem>>[vector<16xi32>, vector<16xi32>], vector<16xf32>,
        %parallel_loop3A_272 = arith.constant 0 : i32
        %parallel_loop3A_273 = arith.index_cast %parallel_loop3A_272 : i32 to index
        %parallel_loop3A_274 = arith.index_cast %parallel_loop3A_187 : i32 to index
        %parallel_loop3A_275 = arith.constant 96 : index
        %parallel_loop3A_276 = tpu.vector_load %arg8[%parallel_loop3A_273, %parallel_loop3A_274, %parallel_loop3A_275] {strides = array<i32>} : memref<2x16x128xi32, #tpu.memory_space<vmem>>, vector<16xi32>,
        %parallel_loop3A_277 = arith.constant 0 : i32
        %parallel_loop3A_278 = arith.index_cast %parallel_loop3A_277 : i32 to index
        %parallel_loop3A_279 = arith.index_cast %parallel_loop3A_187 : i32 to index
        %parallel_loop3A_280 = arith.constant 96 : index
        %parallel_loop3A_281 = tpu.vector_load %arg9[%parallel_loop3A_278, %parallel_loop3A_279, %parallel_loop3A_280] {strides = array<i32>} : memref<2x16x128xi32, #tpu.memory_space<vmem>>, vector<16xi32>,
        %parallel_loop3A_282 = tpu.vector_load_idx %arg6[%broadcast_in_dim3A_27, %parallel_loop3A_276] : memref<4x10240xf32, #tpu.memory_space<vmem>>[vector<16xi32>, vector<16xi32>], vector<16xf32>,
        tpu.vector_store_idx %arg7[%broadcast_in_dim3A_27, %parallel_loop3A_281], %parallel_loop3A_282 {add = true} : memref<4x10240xf32, #tpu.memory_space<vmem>>[vector<16xi32>, vector<16xi32>], vector<16xf32>,
        %parallel_loop3A_283 = tpu.vector_load_idx %arg6[%broadcast_in_dim3A_29, %parallel_loop3A_276] : memref<4x10240xf32, #tpu.memory_space<vmem>>[vector<16xi32>, vector<16xi32>], vector<16xf32>,
        tpu.vector_store_idx %arg7[%broadcast_in_dim3A_29, %parallel_loop3A_281], %parallel_loop3A_283 {add = true} : memref<4x10240xf32, #tpu.memory_space<vmem>>[vector<16xi32>, vector<16xi32>], vector<16xf32>,
        %parallel_loop3A_284 = tpu.vector_load_idx %arg6[%broadcast_in_dim3A_31, %parallel_loop3A_276] : memref<4x10240xf32, #tpu.memory_space<vmem>>[vector<16xi32>, vector<16xi32>], vector<16xf32>,
        tpu.vector_store_idx %arg7[%broadcast_in_dim3A_31, %parallel_loop3A_281], %parallel_loop3A_284 {add = true} : memref<4x10240xf32, #tpu.memory_space<vmem>>[vector<16xi32>, vector<16xi32>], vector<16xf32>,
        %parallel_loop3A_285 = tpu.vector_load_idx %arg6[%broadcast_in_dim3A_33, %parallel_loop3A_276] : memref<4x10240xf32, #tpu.memory_space<vmem>>[vector<16xi32>, vector<16xi32>], vector<16xf32>,
        tpu.vector_store_idx %arg7[%broadcast_in_dim3A_33, %parallel_loop3A_281], %parallel_loop3A_285 {add = true} : memref<4x10240xf32, #tpu.memory_space<vmem>>[vector<16xi32>, vector<16xi32>], vector<16xf32>,
        %parallel_loop3A_286 = arith.constant 0 : i32
        %parallel_loop3A_287 = arith.index_cast %parallel_loop3A_286 : i32 to index
        %parallel_loop3A_288 = arith.index_cast %parallel_loop3A_187 : i32 to index
        %parallel_loop3A_289 = arith.constant 112 : index
        %parallel_loop3A_290 = tpu.vector_load %arg8[%parallel_loop3A_287, %parallel_loop3A_288, %parallel_loop3A_289] {strides = array<i32>} : memref<2x16x128xi32, #tpu.memory_space<vmem>>, vector<16xi32>,
        %parallel_loop3A_291 = arith.constant 0 : i32
        %parallel_loop3A_292 = arith.index_cast %parallel_loop3A_291 : i32 to index
        %parallel_loop3A_293 = arith.index_cast %parallel_loop3A_187 : i32 to index
        %parallel_loop3A_294 = arith.constant 112 : index
        %parallel_loop3A_295 = tpu.vector_load %arg9[%parallel_loop3A_292, %parallel_loop3A_293, %parallel_loop3A_294] {strides = array<i32>} : memref<2x16x128xi32, #tpu.memory_space<vmem>>, vector<16xi32>,
        %parallel_loop3A_296 = tpu.vector_load_idx %arg6[%broadcast_in_dim3A_27, %parallel_loop3A_290] : memref<4x10240xf32, #tpu.memory_space<vmem>>[vector<16xi32>, vector<16xi32>], vector<16xf32>,
        tpu.vector_store_idx %arg7[%broadcast_in_dim3A_27, %parallel_loop3A_295], %parallel_loop3A_296 {add = true} : memref<4x10240xf32, #tpu.memory_space<vmem>>[vector<16xi32>, vector<16xi32>], vector<16xf32>,
        %parallel_loop3A_297 = tpu.vector_load_idx %arg6[%broadcast_in_dim3A_29, %parallel_loop3A_290] : memref<4x10240xf32, #tpu.memory_space<vmem>>[vector<16xi32>, vector<16xi32>], vector<16xf32>,
        tpu.vector_store_idx %arg7[%broadcast_in_dim3A_29, %parallel_loop3A_295], %parallel_loop3A_297 {add = true} : memref<4x10240xf32, #tpu.memory_space<vmem>>[vector<16xi32>, vector<16xi32>], vector<16xf32>,
        %parallel_loop3A_298 = tpu.vector_load_idx %arg6[%broadcast_in_dim3A_31, %parallel_loop3A_290] : memref<4x10240xf32, #tpu.memory_space<vmem>>[vector<16xi32>, vector<16xi32>], vector<16xf32>,
        tpu.vector_store_idx %arg7[%broadcast_in_dim3A_31, %parallel_loop3A_295], %parallel_loop3A_298 {add = true} : memref<4x10240xf32, #tpu.memory_space<vmem>>[vector<16xi32>, vector<16xi32>], vector<16xf32>,
        %parallel_loop3A_299 = tpu.vector_load_idx %arg6[%broadcast_in_dim3A_33, %parallel_loop3A_290] : memref<4x10240xf32, #tpu.memory_space<vmem>>[vector<16xi32>, vector<16xi32>], vector<16xf32>,
        tpu.vector_store_idx %arg7[%broadcast_in_dim3A_33, %parallel_loop3A_295], %parallel_loop3A_299 {add = true} : memref<4x10240xf32, #tpu.memory_space<vmem>>[vector<16xi32>, vector<16xi32>], vector<16xf32>,
      } {sc.loop_unroll_factor = 4 : i64, sc.parallel_access}
      %add3A_146 = arith.constant 1 : i32
      %add3A_147 = arith.addi %add3A_77, %add3A_146 : i32
      %mul3A_148 = arith.constant 16 : i32
      %mul3A_149 = arith.muli %add3A_147, %mul3A_148 : i32
      %add3A_150 = arith.addi %mul3A_25, %mul3A_149 : i32
      %dma_wait3A_151 = arith.constant 1 : i32
      %dma_wait3A_152 = arith.constant 0 : i32
      %dma_wait3A_153 = arith.constant 0 : i32
      %dma_wait3A_154 = tpu.memref_slice %arg8[%dma_wait3A_151, %dma_wait3A_152, %dma_wait3A_153] : memref<2x16x128xi32, #tpu.memory_space<vmem>> -> memref<1x16x128xi32, #tpu.memory_space<vmem>>
      %dma_wait3A_155 = tpu.memref_squeeze %dma_wait3A_154 : memref<1x16x128xi32, #tpu.memory_space<vmem>> -> memref<16x128xi32, #tpu.memory_space<vmem>>
      %dma_wait3A_156 = arith.constant 0 : i32
      %dma_wait3A_157 = tpu.memref_slice %arg3[%add3A_150, %dma_wait3A_156] : memref<2560x128xi32, #tpu.memory_space<hbm>> -> memref<16x128xi32, #tpu.memory_space<hbm>>
      %dma_wait3A_158 = arith.constant 0 : i32
      %dma_wait3A_159 = arith.constant 0 : i32
      %dma_wait3A_160 = tpu.memref_slice %arg8[%dma_wait3A_151, %dma_wait3A_158, %dma_wait3A_159] : memref<2x16x128xi32, #tpu.memory_space<vmem>> -> memref<1x16x128xi32, #tpu.memory_space<vmem>>
      %dma_wait3A_161 = tpu.memref_squeeze %dma_wait3A_160 : memref<1x16x128xi32, #tpu.memory_space<vmem>> -> memref<16x128xi32, #tpu.memory_space<vmem>>
      %dma_wait3A_162 = arith.constant 0 : i32
      %dma_wait3A_163 = tpu.memref_slice %arg3[%add3A_150, %dma_wait3A_162] : memref<2560x128xi32, #tpu.memory_space<hbm>> -> memref<16x128xi32, #tpu.memory_space<hbm>>
      tpu.wait_dma2 semaphore(%arg10 : memref<!tpu.dma_semaphore, #tpu.memory_space<semaphore_mem>>) src(%dma_wait3A_163 : memref<16x128xi32, #tpu.memory_space<hbm>>) dst(%dma_wait3A_161 : memref<16x128xi32, #tpu.memory_space<vmem>>)
      %mul3A_164 = arith.constant 16 : i32
      %mul3A_165 = arith.muli %add3A_147, %mul3A_164 : i32
      %add3A_166 = arith.addi %mul3A_25, %mul3A_165 : i32
      %dma_wait3A_167 = arith.constant 1 : i32
      %dma_wait3A_168 = arith.constant 0 : i32
      %dma_wait3A_169 = arith.constant 0 : i32
      %dma_wait3A_170 = tpu.memref_slice %arg9[%dma_wait3A_167, %dma_wait3A_168, %dma_wait3A_169] : memref<2x16x128xi32, #tpu.memory_space<vmem>> -> memref<1x16x128xi32, #tpu.memory_space<vmem>>
      %dma_wait3A_171 = tpu.memref_squeeze %dma_wait3A_170 : memref<1x16x128xi32, #tpu.memory_space<vmem>> -> memref<16x128xi32, #tpu.memory_space<vmem>>
      %dma_wait3A_172 = arith.constant 0 : i32
      %dma_wait3A_173 = tpu.memref_slice %arg4[%add3A_166, %dma_wait3A_172] : memref<2560x128xi32, #tpu.memory_space<hbm>> -> memref<16x128xi32, #tpu.memory_space<hbm>>
      %dma_wait3A_174 = arith.constant 0 : i32
      %dma_wait3A_175 = arith.constant 0 : i32
      %dma_wait3A_176 = tpu.memref_slice %arg9[%dma_wait3A_167, %dma_wait3A_174, %dma_wait3A_175] : memref<2x16x128xi32, #tpu.memory_space<vmem>> -> memref<1x16x128xi32, #tpu.memory_space<vmem>>
      %dma_wait3A_177 = tpu.memref_squeeze %dma_wait3A_176 : memref<1x16x128xi32, #tpu.memory_space<vmem>> -> memref<16x128xi32, #tpu.memory_space<vmem>>
      %dma_wait3A_178 = arith.constant 0 : i32
      %dma_wait3A_179 = tpu.memref_slice %arg4[%add3A_166, %dma_wait3A_178] : memref<2560x128xi32, #tpu.memory_space<hbm>> -> memref<16x128xi32, #tpu.memory_space<hbm>>
      tpu.wait_dma2 semaphore(%arg11 : memref<!tpu.dma_semaphore, #tpu.memory_space<semaphore_mem>>) src(%dma_wait3A_179 : memref<16x128xi32, #tpu.memory_space<hbm>>) dst(%dma_wait3A_177 : memref<16x128xi32, #tpu.memory_space<vmem>>)
      %add3A_180 = arith.constant 2 : i32
      %add3A_181 = arith.addi %add3A_77, %add3A_180 : i32
      %lt3A = arith.constant 80 : i32
      %lt3A_182 = arith.cmpi slt, %add3A_181, %lt3A : i32
      %convert_element_type3A = arith.extui %lt3A_182 : i1 to i32
      %cond3A = arith.constant 0 : i32
      %cond3A_183 = arith.cmpi ne, %convert_element_type3A, %cond3A : i32
      scf.if %cond3A_183 {
        %add3A_187 = arith.constant 2 : i32
        %add3A_188 = arith.addi %add3A_77, %add3A_187 : i32
        %mul3A_189 = arith.constant 16 : i32
        %mul3A_190 = arith.muli %add3A_188, %mul3A_189 : i32
        %add3A_191 = arith.addi %mul3A_25, %mul3A_190 : i32
        %dma_start3A_192 = arith.constant 0 : i32
        %dma_start3A_193 = arith.constant 0 : i32
        %dma_start3A_194 = arith.constant 0 : i32
        %dma_start3A_195 = tpu.memref_slice %arg8[%dma_start3A_192, %dma_start3A_193, %dma_start3A_194] : memref<2x16x128xi32, #tpu.memory_space<vmem>> -> memref<1x16x128xi32, #tpu.memory_space<vmem>>
        %dma_start3A_196 = tpu.memref_squeeze %dma_start3A_195 : memref<1x16x128xi32, #tpu.memory_space<vmem>> -> memref<16x128xi32, #tpu.memory_space<vmem>>
        %dma_start3A_197 = arith.constant 0 : i32
        %dma_start3A_198 = tpu.memref_slice %arg3[%add3A_191, %dma_start3A_197] : memref<2560x128xi32, #tpu.memory_space<hbm>> -> memref<16x128xi32, #tpu.memory_space<hbm>>
        %dma_start3A_199 = arith.constant 0 : i32
        %dma_start3A_200 = arith.constant 0 : i32
        %dma_start3A_201 = tpu.memref_slice %arg8[%dma_start3A_192, %dma_start3A_199, %dma_start3A_200] : memref<2x16x128xi32, #tpu.memory_space<vmem>> -> memref<1x16x128xi32, #tpu.memory_space<vmem>>
        %dma_start3A_202 = tpu.memref_squeeze %dma_start3A_201 : memref<1x16x128xi32, #tpu.memory_space<vmem>> -> memref<16x128xi32, #tpu.memory_space<vmem>>
        %dma_start3A_203 = arith.constant 0 : i32
        %dma_start3A_204 = tpu.memref_slice %arg3[%add3A_191, %dma_start3A_203] : memref<2560x128xi32, #tpu.memory_space<hbm>> -> memref<16x128xi32, #tpu.memory_space<hbm>>
        tpu.enqueue_dma source(%dma_start3A_204 : memref<16x128xi32, #tpu.memory_space<hbm>>) target(%dma_start3A_202 : memref<16x128xi32, #tpu.memory_space<vmem>>) target_semaphore(%arg10 : memref<!tpu.dma_semaphore, #tpu.memory_space<semaphore_mem>>)
        %mul3A_205 = arith.constant 16 : i32
        %mul3A_206 = arith.muli %add3A_188, %mul3A_205 : i32
        %add3A_207 = arith.addi %mul3A_25, %mul3A_206 : i32
        %dma_start3A_208 = arith.constant 0 : i32
        %dma_start3A_209 = arith.constant 0 : i32
        %dma_start3A_210 = arith.constant 0 : i32
        %dma_start3A_211 = tpu.memref_slice %arg9[%dma_start3A_208, %dma_start3A_209, %dma_start3A_210] : memref<2x16x128xi32, #tpu.memory_space<vmem>> -> memref<1x16x128xi32, #tpu.memory_space<vmem>>
        %dma_start3A_212 = tpu.memref_squeeze %dma_start3A_211 : memref<1x16x128xi32, #tpu.memory_space<vmem>> -> memref<16x128xi32, #tpu.memory_space<vmem>>
        %dma_start3A_213 = arith.constant 0 : i32
        %dma_start3A_214 = tpu.memref_slice %arg4[%add3A_207, %dma_start3A_213] : memref<2560x128xi32, #tpu.memory_space<hbm>> -> memref<16x128xi32, #tpu.memory_space<hbm>>
        %dma_start3A_215 = arith.constant 0 : i32
        %dma_start3A_216 = arith.constant 0 : i32
        %dma_start3A_217 = tpu.memref_slice %arg9[%dma_start3A_208, %dma_start3A_215, %dma_start3A_216] : memref<2x16x128xi32, #tpu.memory_space<vmem>> -> memref<1x16x128xi32, #tpu.memory_space<vmem>>
        %dma_start3A_218 = tpu.memref_squeeze %dma_start3A_217 : memref<1x16x128xi32, #tpu.memory_space<vmem>> -> memref<16x128xi32, #tpu.memory_space<vmem>>
        %dma_start3A_219 = arith.constant 0 : i32
        %dma_start3A_220 = tpu.memref_slice %arg4[%add3A_207, %dma_start3A_219] : memref<2560x128xi32, #tpu.memory_space<hbm>> -> memref<16x128xi32, #tpu.memory_space<hbm>>
        tpu.enqueue_dma source(%dma_start3A_220 : memref<16x128xi32, #tpu.memory_space<hbm>>) target(%dma_start3A_218 : memref<16x128xi32, #tpu.memory_space<vmem>>) target_semaphore(%arg11 : memref<!tpu.dma_semaphore, #tpu.memory_space<semaphore_mem>>)
      } else {
      }
      %parallel_loop3A_184 = arith.constant 0 : i32
      %parallel_loop3A_185 = arith.constant 16 : i32
      %parallel_loop3A_186 = arith.constant 1 : i32
      scf.for %parallel_loop3A_187 = %parallel_loop3A_184 to %parallel_loop3A_185 step %parallel_loop3A_186  : i32 {
        %parallel_loop3A_188 = arith.constant 1 : i32
        %parallel_loop3A_189 = arith.index_cast %parallel_loop3A_188 : i32 to index
        %parallel_loop3A_190 = arith.index_cast %parallel_loop3A_187 : i32 to index
        %parallel_loop3A_191 = arith.constant 0 : index
        %parallel_loop3A_192 = tpu.vector_load %arg8[%parallel_loop3A_189, %parallel_loop3A_190, %parallel_loop3A_191] {strides = array<i32>} : memref<2x16x128xi32, #tpu.memory_space<vmem>>, vector<16xi32>,
        %parallel_loop3A_193 = arith.constant 1 : i32
        %parallel_loop3A_194 = arith.index_cast %parallel_loop3A_193 : i32 to index
        %parallel_loop3A_195 = arith.index_cast %parallel_loop3A_187 : i32 to index
        %parallel_loop3A_196 = arith.constant 0 : index
        %parallel_loop3A_197 = tpu.vector_load %arg9[%parallel_loop3A_194, %parallel_loop3A_195, %parallel_loop3A_196] {strides = array<i32>} : memref<2x16x128xi32, #tpu.memory_space<vmem>>, vector<16xi32>,
        %parallel_loop3A_198 = tpu.vector_load_idx %arg6[%broadcast_in_dim3A_27, %parallel_loop3A_192] : memref<4x10240xf32, #tpu.memory_space<vmem>>[vector<16xi32>, vector<16xi32>], vector<16xf32>,
        tpu.vector_store_idx %arg7[%broadcast_in_dim3A_27, %parallel_loop3A_197], %parallel_loop3A_198 {add = true} : memref<4x10240xf32, #tpu.memory_space<vmem>>[vector<16xi32>, vector<16xi32>], vector<16xf32>,
        %parallel_loop3A_199 = tpu.vector_load_idx %arg6[%broadcast_in_dim3A_29, %parallel_loop3A_192] : memref<4x10240xf32, #tpu.memory_space<vmem>>[vector<16xi32>, vector<16xi32>], vector<16xf32>,
        tpu.vector_store_idx %arg7[%broadcast_in_dim3A_29, %parallel_loop3A_197], %parallel_loop3A_199 {add = true} : memref<4x10240xf32, #tpu.memory_space<vmem>>[vector<16xi32>, vector<16xi32>], vector<16xf32>,
        %parallel_loop3A_200 = tpu.vector_load_idx %arg6[%broadcast_in_dim3A_31, %parallel_loop3A_192] : memref<4x10240xf32, #tpu.memory_space<vmem>>[vector<16xi32>, vector<16xi32>], vector<16xf32>,
        tpu.vector_store_idx %arg7[%broadcast_in_dim3A_31, %parallel_loop3A_197], %parallel_loop3A_200 {add = true} : memref<4x10240xf32, #tpu.memory_space<vmem>>[vector<16xi32>, vector<16xi32>], vector<16xf32>,
        %parallel_loop3A_201 = tpu.vector_load_idx %arg6[%broadcast_in_dim3A_33, %parallel_loop3A_192] : memref<4x10240xf32, #tpu.memory_space<vmem>>[vector<16xi32>, vector<16xi32>], vector<16xf32>,
        tpu.vector_store_idx %arg7[%broadcast_in_dim3A_33, %parallel_loop3A_197], %parallel_loop3A_201 {add = true} : memref<4x10240xf32, #tpu.memory_space<vmem>>[vector<16xi32>, vector<16xi32>], vector<16xf32>,
        %parallel_loop3A_202 = arith.constant 1 : i32
        %parallel_loop3A_203 = arith.index_cast %parallel_loop3A_202 : i32 to index
        %parallel_loop3A_204 = arith.index_cast %parallel_loop3A_187 : i32 to index
        %parallel_loop3A_205 = arith.constant 16 : index
        %parallel_loop3A_206 = tpu.vector_load %arg8[%parallel_loop3A_203, %parallel_loop3A_204, %parallel_loop3A_205] {strides = array<i32>} : memref<2x16x128xi32, #tpu.memory_space<vmem>>, vector<16xi32>,
        %parallel_loop3A_207 = arith.constant 1 : i32
        %parallel_loop3A_208 = arith.index_cast %parallel_loop3A_207 : i32 to index
        %parallel_loop3A_209 = arith.index_cast %parallel_loop3A_187 : i32 to index
        %parallel_loop3A_210 = arith.constant 16 : index
        %parallel_loop3A_211 = tpu.vector_load %arg9[%parallel_loop3A_208, %parallel_loop3A_209, %parallel_loop3A_210] {strides = array<i32>} : memref<2x16x128xi32, #tpu.memory_space<vmem>>, vector<16xi32>,
        %parallel_loop3A_212 = tpu.vector_load_idx %arg6[%broadcast_in_dim3A_27, %parallel_loop3A_206] : memref<4x10240xf32, #tpu.memory_space<vmem>>[vector<16xi32>, vector<16xi32>], vector<16xf32>,
        tpu.vector_store_idx %arg7[%broadcast_in_dim3A_27, %parallel_loop3A_211], %parallel_loop3A_212 {add = true} : memref<4x10240xf32, #tpu.memory_space<vmem>>[vector<16xi32>, vector<16xi32>], vector<16xf32>,
        %parallel_loop3A_213 = tpu.vector_load_idx %arg6[%broadcast_in_dim3A_29, %parallel_loop3A_206] : memref<4x10240xf32, #tpu.memory_space<vmem>>[vector<16xi32>, vector<16xi32>], vector<16xf32>,
        tpu.vector_store_idx %arg7[%broadcast_in_dim3A_29, %parallel_loop3A_211], %parallel_loop3A_213 {add = true} : memref<4x10240xf32, #tpu.memory_space<vmem>>[vector<16xi32>, vector<16xi32>], vector<16xf32>,
        %parallel_loop3A_214 = tpu.vector_load_idx %arg6[%broadcast_in_dim3A_31, %parallel_loop3A_206] : memref<4x10240xf32, #tpu.memory_space<vmem>>[vector<16xi32>, vector<16xi32>], vector<16xf32>,
        tpu.vector_store_idx %arg7[%broadcast_in_dim3A_31, %parallel_loop3A_211], %parallel_loop3A_214 {add = true} : memref<4x10240xf32, #tpu.memory_space<vmem>>[vector<16xi32>, vector<16xi32>], vector<16xf32>,
        %parallel_loop3A_215 = tpu.vector_load_idx %arg6[%broadcast_in_dim3A_33, %parallel_loop3A_206] : memref<4x10240xf32, #tpu.memory_space<vmem>>[vector<16xi32>, vector<16xi32>], vector<16xf32>,
        tpu.vector_store_idx %arg7[%broadcast_in_dim3A_33, %parallel_loop3A_211], %parallel_loop3A_215 {add = true} : memref<4x10240xf32, #tpu.memory_space<vmem>>[vector<16xi32>, vector<16xi32>], vector<16xf32>,
        %parallel_loop3A_216 = arith.constant 1 : i32
        %parallel_loop3A_217 = arith.index_cast %parallel_loop3A_216 : i32 to index
        %parallel_loop3A_218 = arith.index_cast %parallel_loop3A_187 : i32 to index
        %parallel_loop3A_219 = arith.constant 32 : index
        %parallel_loop3A_220 = tpu.vector_load %arg8[%parallel_loop3A_217, %parallel_loop3A_218, %parallel_loop3A_219] {strides = array<i32>} : memref<2x16x128xi32, #tpu.memory_space<vmem>>, vector<16xi32>,
        %parallel_loop3A_221 = arith.constant 1 : i32
        %parallel_loop3A_222 = arith.index_cast %parallel_loop3A_221 : i32 to index
        %parallel_loop3A_223 = arith.index_cast %parallel_loop3A_187 : i32 to index
        %parallel_loop3A_224 = arith.constant 32 : index
        %parallel_loop3A_225 = tpu.vector_load %arg9[%parallel_loop3A_222, %parallel_loop3A_223, %parallel_loop3A_224] {strides = array<i32>} : memref<2x16x128xi32, #tpu.memory_space<vmem>>, vector<16xi32>,
        %parallel_loop3A_226 = tpu.vector_load_idx %arg6[%broadcast_in_dim3A_27, %parallel_loop3A_220] : memref<4x10240xf32, #tpu.memory_space<vmem>>[vector<16xi32>, vector<16xi32>], vector<16xf32>,
        tpu.vector_store_idx %arg7[%broadcast_in_dim3A_27, %parallel_loop3A_225], %parallel_loop3A_226 {add = true} : memref<4x10240xf32, #tpu.memory_space<vmem>>[vector<16xi32>, vector<16xi32>], vector<16xf32>,
        %parallel_loop3A_227 = tpu.vector_load_idx %arg6[%broadcast_in_dim3A_29, %parallel_loop3A_220] : memref<4x10240xf32, #tpu.memory_space<vmem>>[vector<16xi32>, vector<16xi32>], vector<16xf32>,
        tpu.vector_store_idx %arg7[%broadcast_in_dim3A_29, %parallel_loop3A_225], %parallel_loop3A_227 {add = true} : memref<4x10240xf32, #tpu.memory_space<vmem>>[vector<16xi32>, vector<16xi32>], vector<16xf32>,
        %parallel_loop3A_228 = tpu.vector_load_idx %arg6[%broadcast_in_dim3A_31, %parallel_loop3A_220] : memref<4x10240xf32, #tpu.memory_space<vmem>>[vector<16xi32>, vector<16xi32>], vector<16xf32>,
        tpu.vector_store_idx %arg7[%broadcast_in_dim3A_31, %parallel_loop3A_225], %parallel_loop3A_228 {add = true} : memref<4x10240xf32, #tpu.memory_space<vmem>>[vector<16xi32>, vector<16xi32>], vector<16xf32>,
        %parallel_loop3A_229 = tpu.vector_load_idx %arg6[%broadcast_in_dim3A_33, %parallel_loop3A_220] : memref<4x10240xf32, #tpu.memory_space<vmem>>[vector<16xi32>, vector<16xi32>], vector<16xf32>,
        tpu.vector_store_idx %arg7[%broadcast_in_dim3A_33, %parallel_loop3A_225], %parallel_loop3A_229 {add = true} : memref<4x10240xf32, #tpu.memory_space<vmem>>[vector<16xi32>, vector<16xi32>], vector<16xf32>,
        %parallel_loop3A_230 = arith.constant 1 : i32
        %parallel_loop3A_231 = arith.index_cast %parallel_loop3A_230 : i32 to index
        %parallel_loop3A_232 = arith.index_cast %parallel_loop3A_187 : i32 to index
        %parallel_loop3A_233 = arith.constant 48 : index
        %parallel_loop3A_234 = tpu.vector_load %arg8[%parallel_loop3A_231, %parallel_loop3A_232, %parallel_loop3A_233] {strides = array<i32>} : memref<2x16x128xi32, #tpu.memory_space<vmem>>, vector<16xi32>,
        %parallel_loop3A_235 = arith.constant 1 : i32
        %parallel_loop3A_236 = arith.index_cast %parallel_loop3A_235 : i32 to index
        %parallel_loop3A_237 = arith.index_cast %parallel_loop3A_187 : i32 to index
        %parallel_loop3A_238 = arith.constant 48 : index
        %parallel_loop3A_239 = tpu.vector_load %arg9[%parallel_loop3A_236, %parallel_loop3A_237, %parallel_loop3A_238] {strides = array<i32>} : memref<2x16x128xi32, #tpu.memory_space<vmem>>, vector<16xi32>,
        %parallel_loop3A_240 = tpu.vector_load_idx %arg6[%broadcast_in_dim3A_27, %parallel_loop3A_234] : memref<4x10240xf32, #tpu.memory_space<vmem>>[vector<16xi32>, vector<16xi32>], vector<16xf32>,
        tpu.vector_store_idx %arg7[%broadcast_in_dim3A_27, %parallel_loop3A_239], %parallel_loop3A_240 {add = true} : memref<4x10240xf32, #tpu.memory_space<vmem>>[vector<16xi32>, vector<16xi32>], vector<16xf32>,
        %parallel_loop3A_241 = tpu.vector_load_idx %arg6[%broadcast_in_dim3A_29, %parallel_loop3A_234] : memref<4x10240xf32, #tpu.memory_space<vmem>>[vector<16xi32>, vector<16xi32>], vector<16xf32>,
        tpu.vector_store_idx %arg7[%broadcast_in_dim3A_29, %parallel_loop3A_239], %parallel_loop3A_241 {add = true} : memref<4x10240xf32, #tpu.memory_space<vmem>>[vector<16xi32>, vector<16xi32>], vector<16xf32>,
        %parallel_loop3A_242 = tpu.vector_load_idx %arg6[%broadcast_in_dim3A_31, %parallel_loop3A_234] : memref<4x10240xf32, #tpu.memory_space<vmem>>[vector<16xi32>, vector<16xi32>], vector<16xf32>,
        tpu.vector_store_idx %arg7[%broadcast_in_dim3A_31, %parallel_loop3A_239], %parallel_loop3A_242 {add = true} : memref<4x10240xf32, #tpu.memory_space<vmem>>[vector<16xi32>, vector<16xi32>], vector<16xf32>,
        %parallel_loop3A_243 = tpu.vector_load_idx %arg6[%broadcast_in_dim3A_33, %parallel_loop3A_234] : memref<4x10240xf32, #tpu.memory_space<vmem>>[vector<16xi32>, vector<16xi32>], vector<16xf32>,
        tpu.vector_store_idx %arg7[%broadcast_in_dim3A_33, %parallel_loop3A_239], %parallel_loop3A_243 {add = true} : memref<4x10240xf32, #tpu.memory_space<vmem>>[vector<16xi32>, vector<16xi32>], vector<16xf32>,
        %parallel_loop3A_244 = arith.constant 1 : i32
        %parallel_loop3A_245 = arith.index_cast %parallel_loop3A_244 : i32 to index
        %parallel_loop3A_246 = arith.index_cast %parallel_loop3A_187 : i32 to index
        %parallel_loop3A_247 = arith.constant 64 : index
        %parallel_loop3A_248 = tpu.vector_load %arg8[%parallel_loop3A_245, %parallel_loop3A_246, %parallel_loop3A_247] {strides = array<i32>} : memref<2x16x128xi32, #tpu.memory_space<vmem>>, vector<16xi32>,
        %parallel_loop3A_249 = arith.constant 1 : i32
        %parallel_loop3A_250 = arith.index_cast %parallel_loop3A_249 : i32 to index
        %parallel_loop3A_251 = arith.index_cast %parallel_loop3A_187 : i32 to index
        %parallel_loop3A_252 = arith.constant 64 : index
        %parallel_loop3A_253 = tpu.vector_load %arg9[%parallel_loop3A_250, %parallel_loop3A_251, %parallel_loop3A_252] {strides = array<i32>} : memref<2x16x128xi32, #tpu.memory_space<vmem>>, vector<16xi32>,
        %parallel_loop3A_254 = tpu.vector_load_idx %arg6[%broadcast_in_dim3A_27, %parallel_loop3A_248] : memref<4x10240xf32, #tpu.memory_space<vmem>>[vector<16xi32>, vector<16xi32>], vector<16xf32>,
        tpu.vector_store_idx %arg7[%broadcast_in_dim3A_27, %parallel_loop3A_253], %parallel_loop3A_254 {add = true} : memref<4x10240xf32, #tpu.memory_space<vmem>>[vector<16xi32>, vector<16xi32>], vector<16xf32>,
        %parallel_loop3A_255 = tpu.vector_load_idx %arg6[%broadcast_in_dim3A_29, %parallel_loop3A_248] : memref<4x10240xf32, #tpu.memory_space<vmem>>[vector<16xi32>, vector<16xi32>], vector<16xf32>,
        tpu.vector_store_idx %arg7[%broadcast_in_dim3A_29, %parallel_loop3A_253], %parallel_loop3A_255 {add = true} : memref<4x10240xf32, #tpu.memory_space<vmem>>[vector<16xi32>, vector<16xi32>], vector<16xf32>,
        %parallel_loop3A_256 = tpu.vector_load_idx %arg6[%broadcast_in_dim3A_31, %parallel_loop3A_248] : memref<4x10240xf32, #tpu.memory_space<vmem>>[vector<16xi32>, vector<16xi32>], vector<16xf32>,
        tpu.vector_store_idx %arg7[%broadcast_in_dim3A_31, %parallel_loop3A_253], %parallel_loop3A_256 {add = true} : memref<4x10240xf32, #tpu.memory_space<vmem>>[vector<16xi32>, vector<16xi32>], vector<16xf32>,
        %parallel_loop3A_257 = tpu.vector_load_idx %arg6[%broadcast_in_dim3A_33, %parallel_loop3A_248] : memref<4x10240xf32, #tpu.memory_space<vmem>>[vector<16xi32>, vector<16xi32>], vector<16xf32>,
        tpu.vector_store_idx %arg7[%broadcast_in_dim3A_33, %parallel_loop3A_253], %parallel_loop3A_257 {add = true} : memref<4x10240xf32, #tpu.memory_space<vmem>>[vector<16xi32>, vector<16xi32>], vector<16xf32>,
        %parallel_loop3A_258 = arith.constant 1 : i32
        %parallel_loop3A_259 = arith.index_cast %parallel_loop3A_258 : i32 to index
        %parallel_loop3A_260 = arith.index_cast %parallel_loop3A_187 : i32 to index
        %parallel_loop3A_261 = arith.constant 80 : index
        %parallel_loop3A_262 = tpu.vector_load %arg8[%parallel_loop3A_259, %parallel_loop3A_260, %parallel_loop3A_261] {strides = array<i32>} : memref<2x16x128xi32, #tpu.memory_space<vmem>>, vector<16xi32>,
        %parallel_loop3A_263 = arith.constant 1 : i32
        %parallel_loop3A_264 = arith.index_cast %parallel_loop3A_263 : i32 to index
        %parallel_loop3A_265 = arith.index_cast %parallel_loop3A_187 : i32 to index
        %parallel_loop3A_266 = arith.constant 80 : index
        %parallel_loop3A_267 = tpu.vector_load %arg9[%parallel_loop3A_264, %parallel_loop3A_265, %parallel_loop3A_266] {strides = array<i32>} : memref<2x16x128xi32, #tpu.memory_space<vmem>>, vector<16xi32>,
        %parallel_loop3A_268 = tpu.vector_load_idx %arg6[%broadcast_in_dim3A_27, %parallel_loop3A_262] : memref<4x10240xf32, #tpu.memory_space<vmem>>[vector<16xi32>, vector<16xi32>], vector<16xf32>,
        tpu.vector_store_idx %arg7[%broadcast_in_dim3A_27, %parallel_loop3A_267], %parallel_loop3A_268 {add = true} : memref<4x10240xf32, #tpu.memory_space<vmem>>[vector<16xi32>, vector<16xi32>], vector<16xf32>,
        %parallel_loop3A_269 = tpu.vector_load_idx %arg6[%broadcast_in_dim3A_29, %parallel_loop3A_262] : memref<4x10240xf32, #tpu.memory_space<vmem>>[vector<16xi32>, vector<16xi32>], vector<16xf32>,
        tpu.vector_store_idx %arg7[%broadcast_in_dim3A_29, %parallel_loop3A_267], %parallel_loop3A_269 {add = true} : memref<4x10240xf32, #tpu.memory_space<vmem>>[vector<16xi32>, vector<16xi32>], vector<16xf32>,
        %parallel_loop3A_270 = tpu.vector_load_idx %arg6[%broadcast_in_dim3A_31, %parallel_loop3A_262] : memref<4x10240xf32, #tpu.memory_space<vmem>>[vector<16xi32>, vector<16xi32>], vector<16xf32>,
        tpu.vector_store_idx %arg7[%broadcast_in_dim3A_31, %parallel_loop3A_267], %parallel_loop3A_270 {add = true} : memref<4x10240xf32, #tpu.memory_space<vmem>>[vector<16xi32>, vector<16xi32>], vector<16xf32>,
        %parallel_loop3A_271 = tpu.vector_load_idx %arg6[%broadcast_in_dim3A_33, %parallel_loop3A_262] : memref<4x10240xf32, #tpu.memory_space<vmem>>[vector<16xi32>, vector<16xi32>], vector<16xf32>,
        tpu.vector_store_idx %arg7[%broadcast_in_dim3A_33, %parallel_loop3A_267], %parallel_loop3A_271 {add = true} : memref<4x10240xf32, #tpu.memory_space<vmem>>[vector<16xi32>, vector<16xi32>], vector<16xf32>,
        %parallel_loop3A_272 = arith.constant 1 : i32
        %parallel_loop3A_273 = arith.index_cast %parallel_loop3A_272 : i32 to index
        %parallel_loop3A_274 = arith.index_cast %parallel_loop3A_187 : i32 to index
        %parallel_loop3A_275 = arith.constant 96 : index
        %parallel_loop3A_276 = tpu.vector_load %arg8[%parallel_loop3A_273, %parallel_loop3A_274, %parallel_loop3A_275] {strides = array<i32>} : memref<2x16x128xi32, #tpu.memory_space<vmem>>, vector<16xi32>,
        %parallel_loop3A_277 = arith.constant 1 : i32
        %parallel_loop3A_278 = arith.index_cast %parallel_loop3A_277 : i32 to index
        %parallel_loop3A_279 = arith.index_cast %parallel_loop3A_187 : i32 to index
        %parallel_loop3A_280 = arith.constant 96 : index
        %parallel_loop3A_281 = tpu.vector_load %arg9[%parallel_loop3A_278, %parallel_loop3A_279, %parallel_loop3A_280] {strides = array<i32>} : memref<2x16x128xi32, #tpu.memory_space<vmem>>, vector<16xi32>,
        %parallel_loop3A_282 = tpu.vector_load_idx %arg6[%broadcast_in_dim3A_27, %parallel_loop3A_276] : memref<4x10240xf32, #tpu.memory_space<vmem>>[vector<16xi32>, vector<16xi32>], vector<16xf32>,
        tpu.vector_store_idx %arg7[%broadcast_in_dim3A_27, %parallel_loop3A_281], %parallel_loop3A_282 {add = true} : memref<4x10240xf32, #tpu.memory_space<vmem>>[vector<16xi32>, vector<16xi32>], vector<16xf32>,
        %parallel_loop3A_283 = tpu.vector_load_idx %arg6[%broadcast_in_dim3A_29, %parallel_loop3A_276] : memref<4x10240xf32, #tpu.memory_space<vmem>>[vector<16xi32>, vector<16xi32>], vector<16xf32>,
        tpu.vector_store_idx %arg7[%broadcast_in_dim3A_29, %parallel_loop3A_281], %parallel_loop3A_283 {add = true} : memref<4x10240xf32, #tpu.memory_space<vmem>>[vector<16xi32>, vector<16xi32>], vector<16xf32>,
        %parallel_loop3A_284 = tpu.vector_load_idx %arg6[%broadcast_in_dim3A_31, %parallel_loop3A_276] : memref<4x10240xf32, #tpu.memory_space<vmem>>[vector<16xi32>, vector<16xi32>], vector<16xf32>,
        tpu.vector_store_idx %arg7[%broadcast_in_dim3A_31, %parallel_loop3A_281], %parallel_loop3A_284 {add = true} : memref<4x10240xf32, #tpu.memory_space<vmem>>[vector<16xi32>, vector<16xi32>], vector<16xf32>,
        %parallel_loop3A_285 = tpu.vector_load_idx %arg6[%broadcast_in_dim3A_33, %parallel_loop3A_276] : memref<4x10240xf32, #tpu.memory_space<vmem>>[vector<16xi32>, vector<16xi32>], vector<16xf32>,
        tpu.vector_store_idx %arg7[%broadcast_in_dim3A_33, %parallel_loop3A_281], %parallel_loop3A_285 {add = true} : memref<4x10240xf32, #tpu.memory_space<vmem>>[vector<16xi32>, vector<16xi32>], vector<16xf32>,
        %parallel_loop3A_286 = arith.constant 1 : i32
        %parallel_loop3A_287 = arith.index_cast %parallel_loop3A_286 : i32 to index
        %parallel_loop3A_288 = arith.index_cast %parallel_loop3A_187 : i32 to index
        %parallel_loop3A_289 = arith.constant 112 : index
        %parallel_loop3A_290 = tpu.vector_load %arg8[%parallel_loop3A_287, %parallel_loop3A_288, %parallel_loop3A_289] {strides = array<i32>} : memref<2x16x128xi32, #tpu.memory_space<vmem>>, vector<16xi32>,
        %parallel_loop3A_291 = arith.constant 1 : i32
        %parallel_loop3A_292 = arith.index_cast %parallel_loop3A_291 : i32 to index
        %parallel_loop3A_293 = arith.index_cast %parallel_loop3A_187 : i32 to index
        %parallel_loop3A_294 = arith.constant 112 : index
        %parallel_loop3A_295 = tpu.vector_load %arg9[%parallel_loop3A_292, %parallel_loop3A_293, %parallel_loop3A_294] {strides = array<i32>} : memref<2x16x128xi32, #tpu.memory_space<vmem>>, vector<16xi32>,
        %parallel_loop3A_296 = tpu.vector_load_idx %arg6[%broadcast_in_dim3A_27, %parallel_loop3A_290] : memref<4x10240xf32, #tpu.memory_space<vmem>>[vector<16xi32>, vector<16xi32>], vector<16xf32>,
        tpu.vector_store_idx %arg7[%broadcast_in_dim3A_27, %parallel_loop3A_295], %parallel_loop3A_296 {add = true} : memref<4x10240xf32, #tpu.memory_space<vmem>>[vector<16xi32>, vector<16xi32>], vector<16xf32>,
        %parallel_loop3A_297 = tpu.vector_load_idx %arg6[%broadcast_in_dim3A_29, %parallel_loop3A_290] : memref<4x10240xf32, #tpu.memory_space<vmem>>[vector<16xi32>, vector<16xi32>], vector<16xf32>,
        tpu.vector_store_idx %arg7[%broadcast_in_dim3A_29, %parallel_loop3A_295], %parallel_loop3A_297 {add = true} : memref<4x10240xf32, #tpu.memory_space<vmem>>[vector<16xi32>, vector<16xi32>], vector<16xf32>,
        %parallel_loop3A_298 = tpu.vector_load_idx %arg6[%broadcast_in_dim3A_31, %parallel_loop3A_290] : memref<4x10240xf32, #tpu.memory_space<vmem>>[vector<16xi32>, vector<16xi32>], vector<16xf32>,
        tpu.vector_store_idx %arg7[%broadcast_in_dim3A_31, %parallel_loop3A_295], %parallel_loop3A_298 {add = true} : memref<4x10240xf32, #tpu.memory_space<vmem>>[vector<16xi32>, vector<16xi32>], vector<16xf32>,
        %parallel_loop3A_299 = tpu.vector_load_idx %arg6[%broadcast_in_dim3A_33, %parallel_loop3A_290] : memref<4x10240xf32, #tpu.memory_space<vmem>>[vector<16xi32>, vector<16xi32>], vector<16xf32>,
        tpu.vector_store_idx %arg7[%broadcast_in_dim3A_33, %parallel_loop3A_295], %parallel_loop3A_299 {add = true} : memref<4x10240xf32, #tpu.memory_space<vmem>>[vector<16xi32>, vector<16xi32>], vector<16xf32>,
      } {sc.loop_unroll_factor = 4 : i64, sc.parallel_access}
    }
    %scan3A_70 = arith.constant 40 : i32
    %mul3A_71 = arith.constant 4 : i32
    %mul3A_72 = arith.muli %mul3A_71, %arg1 : i32
    "tpu.region"() ({
      %run_scoped3A = tpu.sem_alloc : memref<!tpu.dma_semaphore, #tpu.memory_space<semaphore_mem>>
      %dma_start3A_73 = arith.constant 0 : i32
      %dma_start3A_74 = tpu.memref_slice %arg5[%arg0, %mul3A_72, %dma_start3A_73] : memref<2x64x10240xf32, #tpu.memory_space<hbm>> -> memref<1x4x10240xf32, #tpu.memory_space<hbm>>
      %dma_start3A_75 = tpu.memref_squeeze %dma_start3A_74 : memref<1x4x10240xf32, #tpu.memory_space<hbm>> -> memref<4x10240xf32, #tpu.memory_space<hbm>>
      %dma_start3A_76 = arith.constant 0 : i32
      %dma_start3A_77 = tpu.memref_slice %arg5[%arg0, %mul3A_72, %dma_start3A_76] : memref<2x64x10240xf32, #tpu.memory_space<hbm>> -> memref<1x4x10240xf32, #tpu.memory_space<hbm>>
      %dma_start3A_78 = tpu.memref_squeeze %dma_start3A_77 : memref<1x4x10240xf32, #tpu.memory_space<hbm>> -> memref<4x10240xf32, #tpu.memory_space<hbm>>
      tpu.enqueue_dma source(%arg7 : memref<4x10240xf32, #tpu.memory_space<vmem>>) target(%dma_start3A_78 : memref<4x10240xf32, #tpu.memory_space<hbm>>) target_semaphore(%run_scoped3A : memref<!tpu.dma_semaphore, #tpu.memory_space<semaphore_mem>>)
      %dma_wait3A_79 = arith.constant 0 : i32
      %dma_wait3A_80 = tpu.memref_slice %arg5[%arg0, %mul3A_72, %dma_wait3A_79] : memref<2x64x10240xf32, #tpu.memory_space<hbm>> -> memref<1x4x10240xf32, #tpu.memory_space<hbm>>
      %dma_wait3A_81 = tpu.memref_squeeze %dma_wait3A_80 : memref<1x4x10240xf32, #tpu.memory_space<hbm>> -> memref<4x10240xf32, #tpu.memory_space<hbm>>
      %dma_wait3A_82 = arith.constant 0 : i32
      %dma_wait3A_83 = tpu.memref_slice %arg5[%arg0, %mul3A_72, %dma_wait3A_82] : memref<2x64x10240xf32, #tpu.memory_space<hbm>> -> memref<1x4x10240xf32, #tpu.memory_space<hbm>>
      %dma_wait3A_84 = tpu.memref_squeeze %dma_wait3A_83 : memref<1x4x10240xf32, #tpu.memory_space<hbm>> -> memref<4x10240xf32, #tpu.memory_space<hbm>>
      tpu.wait_dma2 semaphore(%run_scoped3A : memref<!tpu.dma_semaphore, #tpu.memory_space<semaphore_mem>>) src(%arg7 : memref<4x10240xf32, #tpu.memory_space<vmem>>) dst(%dma_wait3A_84 : memref<4x10240xf32, #tpu.memory_space<hbm>>)
      tpu.yield
    }) : () -> ()
    return
  }
}

module attributes {stable_mosaic.version = 14 : i64} {
  func.func @_scale_body(%arg0: i32, %arg1: memref<1x8x128xf32, #tpu.memory_space<vmem>>, %arg2: memref<1x8x128xf32, #tpu.memory_space<vmem>>, %arg3: memref<64x1024xf32, #tpu.memory_space<vmem>>, %arg4: memref<64x1024xf32, #tpu.memory_space<vmem>>, %arg5: memref<1x1024xf32, #tpu.memory_space<vmem>>) attributes {dimension_semantics = [#tpu.dimension_semantics<arbitrary>], iteration_bounds = array<i64: 10>, scalar_prefetch = 0 : i64, scratch_operands = 0 : i64, tpu.core_type = #tpu.core_type<tc>, window_params = [{transform_indices = @transform_0, window_bounds = array<i64: 1, 8, 128>}, {transform_indices = @transform_1, window_bounds = array<i64: 1, 8, 128>}, {transform_indices = @transform_2, window_bounds = array<i64: 64, 1024>}, {transform_indices = @transform_3, window_bounds = array<i64: 64, 1024>}, {transform_indices = @transform_4, window_bounds = array<i64: 1, 1024>}]} {
    %get3A = arith.constant 0 : index
    %get3A_0 = arith.constant 0 : index
    %get3A_1 = arith.constant 0 : index
    %get3A_2 = vector.load %arg1[%get3A, %get3A_0, %get3A_1] : memref<1x8x128xf32, #tpu.memory_space<vmem>>, vector<1x8x128xf32>
    %squeeze3A = vector.shape_cast %get3A_2 : vector<1x8x128xf32> to vector<8x128xf32>
    %get3A_3 = arith.constant 0 : index
    %get3A_4 = arith.constant 0 : index
    %get3A_5 = arith.constant 0 : index
    %get3A_6 = vector.load %arg2[%get3A_3, %get3A_4, %get3A_5] : memref<1x8x128xf32, #tpu.memory_space<vmem>>, vector<1x8x128xf32>
    %squeeze3A_7 = vector.shape_cast %get3A_6 : vector<1x8x128xf32> to vector<8x128xf32>
    %add3A = arith.addf %squeeze3A, %squeeze3A_7 : vector<8x128xf32>
    %slice3A = vector.extract_strided_slice %add3A {offsets = [0, 0], sizes = [1, 128], strides = [1, 1]} : vector<8x128xf32> to vector<1x128xf32>
    %slice3A_8 = vector.extract_strided_slice %add3A {offsets = [1, 0], sizes = [1, 128], strides = [1, 1]} : vector<8x128xf32> to vector<1x128xf32>
    %slice3A_9 = vector.extract_strided_slice %add3A {offsets = [2, 0], sizes = [1, 128], strides = [1, 1]} : vector<8x128xf32> to vector<1x128xf32>
    %slice3A_10 = vector.extract_strided_slice %add3A {offsets = [3, 0], sizes = [1, 128], strides = [1, 1]} : vector<8x128xf32> to vector<1x128xf32>
    %slice3A_11 = vector.extract_strided_slice %add3A {offsets = [4, 0], sizes = [1, 128], strides = [1, 1]} : vector<8x128xf32> to vector<1x128xf32>
    %slice3A_12 = vector.extract_strided_slice %add3A {offsets = [5, 0], sizes = [1, 128], strides = [1, 1]} : vector<8x128xf32> to vector<1x128xf32>
    %slice3A_13 = vector.extract_strided_slice %add3A {offsets = [6, 0], sizes = [1, 128], strides = [1, 1]} : vector<8x128xf32> to vector<1x128xf32>
    %slice3A_14 = vector.extract_strided_slice %add3A {offsets = [7, 0], sizes = [1, 128], strides = [1, 1]} : vector<8x128xf32> to vector<1x128xf32>
    %concatenate3A = tpu.concatenate %slice3A, %slice3A_8, %slice3A_9, %slice3A_10, %slice3A_11, %slice3A_12, %slice3A_13, %slice3A_14 in 1 : vector<1x128xf32>, vector<1x128xf32>, vector<1x128xf32>, vector<1x128xf32>, vector<1x128xf32>, vector<1x128xf32>, vector<1x128xf32>, vector<1x128xf32> -> vector<1x1024xf32>
    %add3A_15 = arith.constant 1.000000e+00 : f32
    %add3A_16 = vector.broadcast %add3A_15 : f32 to vector<1x1024xf32>
    %add3A_17 = arith.addf %concatenate3A, %add3A_16 : vector<1x1024xf32>
    %rsqrt3A = math.rsqrt %add3A_17 : vector<1x1024xf32>
    %swap3A = arith.constant 0 : index
    %swap3A_18 = arith.constant 0 : index
    %swap3A_19 = vector.load %arg5[%swap3A, %swap3A_18] : memref<1x1024xf32, #tpu.memory_space<vmem>>, vector<1x1024xf32>
    tpu.vector_store %arg5[%swap3A, %swap3A_18], %rsqrt3A {strides = array<i32>} : memref<1x1024xf32, #tpu.memory_space<vmem>>, vector<1x1024xf32>,
    %get3A_20 = arith.constant 0 : index
    %get3A_21 = arith.constant 0 : index
    %get3A_22 = vector.load %arg3[%get3A_20, %get3A_21] : memref<64x1024xf32, #tpu.memory_space<vmem>>, vector<64x1024xf32>
    %mul3A = vector.broadcast %rsqrt3A : vector<1x1024xf32> to vector<64x1024xf32>
    %mul3A_23 = arith.mulf %get3A_22, %mul3A : vector<64x1024xf32>
    %swap3A_24 = arith.constant 0 : index
    %swap3A_25 = arith.constant 0 : index
    %swap3A_26 = vector.load %arg4[%swap3A_24, %swap3A_25] : memref<64x1024xf32, #tpu.memory_space<vmem>>, vector<64x1024xf32>
    tpu.vector_store %arg4[%swap3A_24, %swap3A_25], %mul3A_23 {strides = array<i32>} : memref<64x1024xf32, #tpu.memory_space<vmem>>, vector<64x1024xf32>,
    return
  }
  func.func @transform_0(%arg0: i32) -> (i32, i32, i32) {
    %c0_i32 = arith.constant 0 : i32
    %c0_i32_0 = arith.constant 0 : i32
    %c0_i32_1 = arith.constant 0 : i32
    return %c0_i32, %arg0, %c0_i32_0 : i32, i32, i32
  }
  func.func @transform_1(%arg0: i32) -> (i32, i32, i32) {
    %c1_i32 = arith.constant 1 : i32
    %c0_i32 = arith.constant 0 : i32
    %c0_i32_0 = arith.constant 0 : i32
    return %c1_i32, %arg0, %c0_i32 : i32, i32, i32
  }
  func.func @transform_2(%arg0: i32) -> (i32, i32) {
    %c0_i32 = arith.constant 0 : i32
    %c0_i32_0 = arith.constant 0 : i32
    return %c0_i32, %arg0 : i32, i32
  }
  func.func @transform_3(%arg0: i32) -> (i32, i32) {
    %c0_i32 = arith.constant 0 : i32
    %c0_i32_0 = arith.constant 0 : i32
    return %c0_i32, %arg0 : i32, i32
  }
  func.func @transform_4(%arg0: i32) -> (i32, i32) {
    %c0_i32 = arith.constant 0 : i32
    %c0_i32_0 = arith.constant 0 : i32
    return %c0_i32, %arg0 : i32, i32
  }
}

module attributes {stable_mosaic.version = 14 : i64} {
  func.func @_dense_body(%arg0: i32, %arg1: memref<512x128xf32, #tpu.memory_space<vmem>>, %arg2: memref<128x64xf32, #tpu.memory_space<vmem>>, %arg3: memref<128x32xf32, #tpu.memory_space<vmem>>, %arg4: memref<1x32xf32, #tpu.memory_space<vmem>>, %arg5: memref<128x128xf32, #tpu.memory_space<vmem>>, %arg6: memref<1x128xf32, #tpu.memory_space<vmem>>, %arg7: memref<64x512xf32, #tpu.memory_space<vmem>>, %arg8: memref<512x32xf32, #tpu.memory_space<vmem>>, %arg9: memref<512x128xf32, #tpu.memory_space<vmem>>) attributes {dimension_semantics = [#tpu.dimension_semantics<arbitrary>], iteration_bounds = array<i64: 20>, scalar_prefetch = 0 : i64, scratch_operands = 0 : i64, tpu.core_type = #tpu.core_type<tc>, window_params = [{transform_indices = @transform_0, window_bounds = array<i64: 512, 128>}, {pipeline_mode = #tpu.pipeline_mode<synchronous>, transform_indices = @transform_1, window_bounds = array<i64: 128, 64>}, {pipeline_mode = #tpu.pipeline_mode<synchronous>, transform_indices = @transform_2, window_bounds = array<i64: 128, 32>}, {pipeline_mode = #tpu.pipeline_mode<synchronous>, transform_indices = @transform_3, window_bounds = array<i64: 1, 32>}, {pipeline_mode = #tpu.pipeline_mode<synchronous>, transform_indices = @transform_4, window_bounds = array<i64: 128, 128>}, {pipeline_mode = #tpu.pipeline_mode<synchronous>, transform_indices = @transform_5, window_bounds = array<i64: 1, 128>}, {transform_indices = @transform_6, window_bounds = array<i64: 64, 512>}, {transform_indices = @transform_7, window_bounds = array<i64: 512, 32>}, {transform_indices = @transform_8, window_bounds = array<i64: 512, 128>}]} {
    %get3A = arith.constant 0 : index
    %get3A_0 = arith.constant 0 : index
    %get3A_1 = vector.load %arg1[%get3A, %get3A_0] : memref<512x128xf32, #tpu.memory_space<vmem>>, vector<512x128xf32>
    %get3A_2 = arith.constant 0 : index
    %get3A_3 = arith.constant 0 : index
    %get3A_4 = vector.load %arg2[%get3A_2, %get3A_3] : memref<128x64xf32, #tpu.memory_space<vmem>>, vector<128x64xf32>
    %dot_general3A = arith.constant dense<0.000000e+00> : vector<64x512xf32>
    %dot_general3A_5 = tpu.matmul %get3A_4, %get3A_1, %dot_general3A {dimension_numbers = #tpu.dot_dimension_numbers<[0], [1], [1], [0], [0, 1, 1, 0], [], []>, transpose_lhs_hint = false} : vector<128x64xf32>, vector<512x128xf32>, vector<64x512xf32> -> vector<64x512xf32>
    %swap3A = arith.constant 0 : index
    %swap3A_6 = arith.constant 0 : index
    %swap3A_7 = vector.load %arg7[%swap3A, %swap3A_6] : memref<64x512xf32, #tpu.memory_space<vmem>>, vector<64x512xf32>
    tpu.vector_store %arg7[%swap3A, %swap3A_6], %dot_general3A_5 {strides = array<i32>} : memref<64x512xf32, #tpu.memory_space<vmem>>, vector<64x512xf32>,
    %get3A_8 = arith.constant 0 : index
    %get3A_9 = arith.constant 0 : index
    %get3A_10 = vector.load %arg3[%get3A_8, %get3A_9] : memref<128x32xf32, #tpu.memory_space<vmem>>, vector<128x32xf32>
    %dot_general3A_11 = arith.constant dense<0.000000e+00> : vector<512x32xf32>
    %dot_general3A_12 = tpu.matmul %get3A_1, %get3A_10, %dot_general3A_11 {dimension_numbers = #tpu.dot_dimension_numbers<[1], [0], [0], [1], [0, 0, 1, 1], [], []>, transpose_lhs_hint = false} : vector<512x128xf32>, vector<128x32xf32>, vector<512x32xf32> -> vector<512x32xf32>
    %get3A_13 = arith.constant 0 : index
    %get3A_14 = arith.constant 0 : index
    %get3A_15 = vector.load %arg4[%get3A_13, %get3A_14] : memref<1x32xf32, #tpu.memory_space<vmem>>, vector<1x32xf32>
    %add3A = vector.broadcast %get3A_15 : vector<1x32xf32> to vector<512x32xf32>
    %add3A_16 = arith.addf %dot_general3A_12, %add3A : vector<512x32xf32>
    %swap3A_17 = arith.constant 0 : index
    %swap3A_18 = arith.constant 0 : index
    %swap3A_19 = vector.load %arg8[%swap3A_17, %swap3A_18] : memref<512x32xf32, #tpu.memory_space<vmem>>, vector<512x32xf32>
    tpu.vector_store %arg8[%swap3A_17, %swap3A_18], %add3A_16 {strides = array<i32>} : memref<512x32xf32, #tpu.memory_space<vmem>>, vector<512x32xf32>,
    %get3A_20 = arith.constant 0 : index
    %get3A_21 = arith.constant 0 : index
    %get3A_22 = vector.load %arg5[%get3A_20, %get3A_21] : memref<128x128xf32, #tpu.memory_space<vmem>>, vector<128x128xf32>
    %dot_general3A_23 = arith.constant dense<0.000000e+00> : vector<512x128xf32>
    %dot_general3A_24 = tpu.matmul %get3A_1, %get3A_22, %dot_general3A_23 {dimension_numbers = #tpu.dot_dimension_numbers<[1], [0], [0], [1], [0, 0, 1, 1], [], []>, transpose_lhs_hint = false} : vector<512x128xf32>, vector<128x128xf32>, vector<512x128xf32> -> vector<512x128xf32>
    %get3A_25 = arith.constant 0 : index
    %get3A_26 = arith.constant 0 : index
    %get3A_27 = vector.load %arg6[%get3A_25, %get3A_26] : memref<1x128xf32, #tpu.memory_space<vmem>>, vector<1x128xf32>
    %add3A_28 = vector.broadcast %get3A_27 : vector<1x128xf32> to vector<512x128xf32>
    %add3A_29 = arith.addf %dot_general3A_24, %add3A_28 : vector<512x128xf32>
    %swap3A_30 = arith.constant 0 : index
    %swap3A_31 = arith.constant 0 : index
    %swap3A_32 = vector.load %arg9[%swap3A_30, %swap3A_31] : memref<512x128xf32, #tpu.memory_space<vmem>>, vector<512x128xf32>
    tpu.vector_store %arg9[%swap3A_30, %swap3A_31], %add3A_29 {strides = array<i32>} : memref<512x128xf32, #tpu.memory_space<vmem>>, vector<512x128xf32>,
    return
  }
  func.func @transform_0(%arg0: i32) -> (i32, i32) {
    %c0_i32 = arith.constant 0 : i32
    %c0_i32_0 = arith.constant 0 : i32
    return %arg0, %c0_i32 : i32, i32
  }
  func.func @transform_1(%arg0: i32) -> (i32, i32) {
    %c0_i32 = arith.constant 0 : i32
    %c0_i32_0 = arith.constant 0 : i32
    %c0_i32_1 = arith.constant 0 : i32
    return %c0_i32, %c0_i32_0 : i32, i32
  }
  func.func @transform_2(%arg0: i32) -> (i32, i32) {
    %c0_i32 = arith.constant 0 : i32
    %c0_i32_0 = arith.constant 0 : i32
    %c0_i32_1 = arith.constant 0 : i32
    return %c0_i32, %c0_i32_0 : i32, i32
  }
  func.func @transform_3(%arg0: i32) -> (i32, i32) {
    %c0_i32 = arith.constant 0 : i32
    %c0_i32_0 = arith.constant 0 : i32
    %c0_i32_1 = arith.constant 0 : i32
    return %c0_i32, %c0_i32_0 : i32, i32
  }
  func.func @transform_4(%arg0: i32) -> (i32, i32) {
    %c0_i32 = arith.constant 0 : i32
    %c0_i32_0 = arith.constant 0 : i32
    %c0_i32_1 = arith.constant 0 : i32
    return %c0_i32, %c0_i32_0 : i32, i32
  }
  func.func @transform_5(%arg0: i32) -> (i32, i32) {
    %c0_i32 = arith.constant 0 : i32
    %c0_i32_0 = arith.constant 0 : i32
    %c0_i32_1 = arith.constant 0 : i32
    return %c0_i32, %c0_i32_0 : i32, i32
  }
  func.func @transform_6(%arg0: i32) -> (i32, i32) {
    %c0_i32 = arith.constant 0 : i32
    %c0_i32_0 = arith.constant 0 : i32
    return %c0_i32, %arg0 : i32, i32
  }
  func.func @transform_7(%arg0: i32) -> (i32, i32) {
    %c0_i32 = arith.constant 0 : i32
    %c0_i32_0 = arith.constant 0 : i32
    return %arg0, %c0_i32 : i32, i32
  }
  func.func @transform_8(%arg0: i32) -> (i32, i32) {
    %c0_i32 = arith.constant 0 : i32
    %c0_i32_0 = arith.constant 0 : i32
    return %arg0, %c0_i32 : i32, i32
  }
}

module attributes {stable_mosaic.version = 14 : i64} {
  func.func @_finish_body(%arg0: i32, %arg1: memref<1x64x512xf32, #tpu.memory_space<vmem>>, %arg2: memref<1x64x512xf32, #tpu.memory_space<vmem>>, %arg3: memref<1x512xf32, #tpu.memory_space<vmem>>, %arg4: memref<64x512xf32, #tpu.memory_space<vmem>>, %arg5: memref<512x32xf32, #tpu.memory_space<vmem>>, %arg6: memref<512x128xf32, #tpu.memory_space<vmem>>, %arg7: memref<1x128xf32, #tpu.memory_space<vmem>>, %arg8: memref<1x128xf32, #tpu.memory_space<vmem>>, %arg9: memref<1x128xf32, #tpu.memory_space<vmem>>, %arg10: memref<4x32x128xf32, #tpu.memory_space<vmem>>, %arg11: memref<4x64x128xf32, #tpu.memory_space<vmem>>, %arg12: memref<512x128xf32, #tpu.memory_space<vmem>>) attributes {dimension_semantics = [#tpu.dimension_semantics<arbitrary>], iteration_bounds = array<i64: 20>, scalar_prefetch = 0 : i64, scratch_operands = 0 : i64, tpu.core_type = #tpu.core_type<tc>, window_params = [{transform_indices = @transform_0, window_bounds = array<i64: 1, 64, 512>}, {transform_indices = @transform_1, window_bounds = array<i64: 1, 64, 512>}, {transform_indices = @transform_2, window_bounds = array<i64: 1, 512>}, {transform_indices = @transform_3, window_bounds = array<i64: 64, 512>}, {transform_indices = @transform_4, window_bounds = array<i64: 512, 32>}, {transform_indices = @transform_5, window_bounds = array<i64: 512, 128>}, {pipeline_mode = #tpu.pipeline_mode<synchronous>, transform_indices = @transform_6, window_bounds = array<i64: 1, 128>}, {pipeline_mode = #tpu.pipeline_mode<synchronous>, transform_indices = @transform_7, window_bounds = array<i64: 1, 128>}, {pipeline_mode = #tpu.pipeline_mode<synchronous>, transform_indices = @transform_8, window_bounds = array<i64: 1, 128>}, {pipeline_mode = #tpu.pipeline_mode<synchronous>, transform_indices = @transform_9, window_bounds = array<i64: 4, 32, 128>}, {pipeline_mode = #tpu.pipeline_mode<synchronous>, transform_indices = @transform_10, window_bounds = array<i64: 4, 64, 128>}, {transform_indices = @transform_11, window_bounds = array<i64: 512, 128>}]} {
    %get3A = arith.constant 0 : index
    %get3A_0 = arith.constant 0 : index
    %get3A_1 = vector.load %arg3[%get3A, %get3A_0] : memref<1x512xf32, #tpu.memory_space<vmem>>, vector<1x512xf32>
    %get3A_2 = arith.constant 0 : index
    %get3A_3 = arith.constant 0 : index
    %get3A_4 = arith.constant 0 : index
    %get3A_5 = vector.load %arg1[%get3A_2, %get3A_3, %get3A_4] : memref<1x64x512xf32, #tpu.memory_space<vmem>>, vector<1x64x512xf32>
    %squeeze3A = vector.shape_cast %get3A_5 : vector<1x64x512xf32> to vector<64x512xf32>
    %get3A_6 = arith.constant 0 : index
    %get3A_7 = arith.constant 0 : index
    %get3A_8 = arith.constant 0 : index
    %get3A_9 = vector.load %arg2[%get3A_6, %get3A_7, %get3A_8] : memref<1x64x512xf32, #tpu.memory_space<vmem>>, vector<1x64x512xf32>
    %squeeze3A_10 = vector.shape_cast %get3A_9 : vector<1x64x512xf32> to vector<64x512xf32>
    %add3A = arith.addf %squeeze3A, %squeeze3A_10 : vector<64x512xf32>
    %mul3A = vector.broadcast %get3A_1 : vector<1x512xf32> to vector<64x512xf32>
    %mul3A_11 = arith.mulf %mul3A, %add3A : vector<64x512xf32>
    %mul3A_12 = arith.mulf %get3A_1, %get3A_1 : vector<1x512xf32>
    %get3A_13 = arith.constant 0 : index
    %get3A_14 = arith.constant 0 : index
    %get3A_15 = vector.load %arg4[%get3A_13, %get3A_14] : memref<64x512xf32, #tpu.memory_space<vmem>>, vector<64x512xf32>
    %mul3A_16 = vector.broadcast %mul3A_12 : vector<1x512xf32> to vector<64x512xf32>
    %mul3A_17 = arith.mulf %mul3A_16, %get3A_15 : vector<64x512xf32>
    %add3A_18 = arith.addf %mul3A_11, %mul3A_17 : vector<64x512xf32>
    %get3A_19 = arith.constant 0 : index
    %get3A_20 = arith.constant 0 : index
    %get3A_21 = vector.load %arg5[%get3A_19, %get3A_20] : memref<512x32xf32, #tpu.memory_space<vmem>>, vector<512x32xf32>
    %get3A_22 = arith.constant 0 : index
    %get3A_23 = arith.constant 0 : index
    %get3A_24 = arith.constant 0 : index
    %get3A_25 = vector.load %arg10[%get3A_22, %get3A_23, %get3A_24] : memref<4x32x128xf32, #tpu.memory_space<vmem>>, vector<1x32x128xf32>
    %get3A_26 = vector.shape_cast %get3A_25 : vector<1x32x128xf32> to vector<32x128xf32>
    %dot_general3A = arith.constant dense<0.000000e+00> : vector<512x128xf32>
    %dot_general3A_27 = tpu.matmul %get3A_21, %get3A_26, %dot_general3A {dimension_numbers = #tpu.dot_dimension_numbers<[1], [0], [0], [1], [0, 0, 1, 1], [], []>, transpose_lhs_hint = false} : vector<512x32xf32>, vector<32x128xf32>, vector<512x128xf32> -> vector<512x128xf32>
    %get3A_28 = arith.constant 0 : index
    %get3A_29 = arith.constant 0 : index
    %get3A_30 = arith.constant 0 : index
    %get3A_31 = vector.load %arg11[%get3A_28, %get3A_29, %get3A_30] : memref<4x64x128xf32, #tpu.memory_space<vmem>>, vector<1x64x128xf32>
    %get3A_32 = vector.shape_cast %get3A_31 : vector<1x64x128xf32> to vector<64x128xf32>
    %dot_general3A_33 = arith.constant dense<0.000000e+00> : vector<512x128xf32>
    %dot_general3A_34 = tpu.matmul %add3A_18, %get3A_32, %dot_general3A_33 {dimension_numbers = #tpu.dot_dimension_numbers<[0], [0], [1], [1], [0, 1, 1, 1], [], []>, transpose_lhs_hint = false} : vector<64x512xf32>, vector<64x128xf32>, vector<512x128xf32> -> vector<512x128xf32>
    %mul3A_35 = arith.mulf %dot_general3A_27, %dot_general3A_34 : vector<512x128xf32>
    %get3A_36 = arith.constant 1 : index
    %get3A_37 = arith.constant 0 : index
    %get3A_38 = arith.constant 0 : index
    %get3A_39 = vector.load %arg10[%get3A_36, %get3A_37, %get3A_38] : memref<4x32x128xf32, #tpu.memory_space<vmem>>, vector<1x32x128xf32>
    %get3A_40 = vector.shape_cast %get3A_39 : vector<1x32x128xf32> to vector<32x128xf32>
    %dot_general3A_41 = arith.constant dense<0.000000e+00> : vector<512x128xf32>
    %dot_general3A_42 = tpu.matmul %get3A_21, %get3A_40, %dot_general3A_41 {dimension_numbers = #tpu.dot_dimension_numbers<[1], [0], [0], [1], [0, 0, 1, 1], [], []>, transpose_lhs_hint = false} : vector<512x32xf32>, vector<32x128xf32>, vector<512x128xf32> -> vector<512x128xf32>
    %get3A_43 = arith.constant 1 : index
    %get3A_44 = arith.constant 0 : index
    %get3A_45 = arith.constant 0 : index
    %get3A_46 = vector.load %arg11[%get3A_43, %get3A_44, %get3A_45] : memref<4x64x128xf32, #tpu.memory_space<vmem>>, vector<1x64x128xf32>
    %get3A_47 = vector.shape_cast %get3A_46 : vector<1x64x128xf32> to vector<64x128xf32>
    %dot_general3A_48 = arith.constant dense<0.000000e+00> : vector<512x128xf32>
    %dot_general3A_49 = tpu.matmul %add3A_18, %get3A_47, %dot_general3A_48 {dimension_numbers = #tpu.dot_dimension_numbers<[0], [0], [1], [1], [0, 1, 1, 1], [], []>, transpose_lhs_hint = false} : vector<64x512xf32>, vector<64x128xf32>, vector<512x128xf32> -> vector<512x128xf32>
    %mul3A_50 = arith.mulf %dot_general3A_42, %dot_general3A_49 : vector<512x128xf32>
    %add3A_51 = arith.addf %mul3A_35, %mul3A_50 : vector<512x128xf32>
    %get3A_52 = arith.constant 2 : index
    %get3A_53 = arith.constant 0 : index
    %get3A_54 = arith.constant 0 : index
    %get3A_55 = vector.load %arg10[%get3A_52, %get3A_53, %get3A_54] : memref<4x32x128xf32, #tpu.memory_space<vmem>>, vector<1x32x128xf32>
    %get3A_56 = vector.shape_cast %get3A_55 : vector<1x32x128xf32> to vector<32x128xf32>
    %dot_general3A_57 = arith.constant dense<0.000000e+00> : vector<512x128xf32>
    %dot_general3A_58 = tpu.matmul %get3A_21, %get3A_56, %dot_general3A_57 {dimension_numbers = #tpu.dot_dimension_numbers<[1], [0], [0], [1], [0, 0, 1, 1], [], []>, transpose_lhs_hint = false} : vector<512x32xf32>, vector<32x128xf32>, vector<512x128xf32> -> vector<512x128xf32>
    %get3A_59 = arith.constant 2 : index
    %get3A_60 = arith.constant 0 : index
    %get3A_61 = arith.constant 0 : index
    %get3A_62 = vector.load %arg11[%get3A_59, %get3A_60, %get3A_61] : memref<4x64x128xf32, #tpu.memory_space<vmem>>, vector<1x64x128xf32>
    %get3A_63 = vector.shape_cast %get3A_62 : vector<1x64x128xf32> to vector<64x128xf32>
    %dot_general3A_64 = arith.constant dense<0.000000e+00> : vector<512x128xf32>
    %dot_general3A_65 = tpu.matmul %add3A_18, %get3A_63, %dot_general3A_64 {dimension_numbers = #tpu.dot_dimension_numbers<[0], [0], [1], [1], [0, 1, 1, 1], [], []>, transpose_lhs_hint = false} : vector<64x512xf32>, vector<64x128xf32>, vector<512x128xf32> -> vector<512x128xf32>
    %mul3A_66 = arith.mulf %dot_general3A_58, %dot_general3A_65 : vector<512x128xf32>
    %add3A_67 = arith.addf %add3A_51, %mul3A_66 : vector<512x128xf32>
    %get3A_68 = arith.constant 3 : index
    %get3A_69 = arith.constant 0 : index
    %get3A_70 = arith.constant 0 : index
    %get3A_71 = vector.load %arg10[%get3A_68, %get3A_69, %get3A_70] : memref<4x32x128xf32, #tpu.memory_space<vmem>>, vector<1x32x128xf32>
    %get3A_72 = vector.shape_cast %get3A_71 : vector<1x32x128xf32> to vector<32x128xf32>
    %dot_general3A_73 = arith.constant dense<0.000000e+00> : vector<512x128xf32>
    %dot_general3A_74 = tpu.matmul %get3A_21, %get3A_72, %dot_general3A_73 {dimension_numbers = #tpu.dot_dimension_numbers<[1], [0], [0], [1], [0, 0, 1, 1], [], []>, transpose_lhs_hint = false} : vector<512x32xf32>, vector<32x128xf32>, vector<512x128xf32> -> vector<512x128xf32>
    %get3A_75 = arith.constant 3 : index
    %get3A_76 = arith.constant 0 : index
    %get3A_77 = arith.constant 0 : index
    %get3A_78 = vector.load %arg11[%get3A_75, %get3A_76, %get3A_77] : memref<4x64x128xf32, #tpu.memory_space<vmem>>, vector<1x64x128xf32>
    %get3A_79 = vector.shape_cast %get3A_78 : vector<1x64x128xf32> to vector<64x128xf32>
    %dot_general3A_80 = arith.constant dense<0.000000e+00> : vector<512x128xf32>
    %dot_general3A_81 = tpu.matmul %add3A_18, %get3A_79, %dot_general3A_80 {dimension_numbers = #tpu.dot_dimension_numbers<[0], [0], [1], [1], [0, 1, 1, 1], [], []>, transpose_lhs_hint = false} : vector<64x512xf32>, vector<64x128xf32>, vector<512x128xf32> -> vector<512x128xf32>
    %mul3A_82 = arith.mulf %dot_general3A_74, %dot_general3A_81 : vector<512x128xf32>
    %add3A_83 = arith.addf %add3A_67, %mul3A_82 : vector<512x128xf32>
    %get3A_84 = arith.constant 0 : index
    %get3A_85 = arith.constant 0 : index
    %get3A_86 = vector.load %arg7[%get3A_84, %get3A_85] : memref<1x128xf32, #tpu.memory_space<vmem>>, vector<1x128xf32>
    %add3A_87 = vector.broadcast %get3A_86 : vector<1x128xf32> to vector<512x128xf32>
    %add3A_88 = arith.addf %add3A_83, %add3A_87 : vector<512x128xf32>
    %get3A_89 = arith.constant 0 : index
    %get3A_90 = arith.constant 0 : index
    %get3A_91 = vector.load %arg6[%get3A_89, %get3A_90] : memref<512x128xf32, #tpu.memory_space<vmem>>, vector<512x128xf32>
    %add3A_92 = arith.addf %add3A_88, %get3A_91 : vector<512x128xf32>
    %reduce_sum3A = arith.constant dense<0.000000e+00> : vector<512xf32>
    %reduce_sum3A_93 = vector.multi_reduction <add>, %add3A_92, %reduce_sum3A [1] : vector<512x128xf32> to vector<512xf32>
    %broadcast_in_dim3A = vector.shape_cast %reduce_sum3A_93 : vector<512xf32> to vector<512x1xf32>
    %div3A = arith.constant 1.280000e+02 : f32
    %div3A_94 = vector.broadcast %div3A : f32 to vector<512x1xf32>
    %div3A_95 = arith.divf %broadcast_in_dim3A, %div3A_94 : vector<512x1xf32>
    %sub3A = vector.broadcast %div3A_95 : vector<512x1xf32> to vector<512x128xf32>
    %sub3A_96 = arith.subf %add3A_92, %sub3A : vector<512x128xf32>
    %sub3A_97 = vector.broadcast %div3A_95 : vector<512x1xf32> to vector<512x128xf32>
    %sub3A_98 = arith.subf %add3A_92, %sub3A_97 : vector<512x128xf32>
    %mul3A_99 = arith.mulf %sub3A_96, %sub3A_98 : vector<512x128xf32>
    %reduce_sum3A_100 = arith.constant dense<0.000000e+00> : vector<512xf32>
    %reduce_sum3A_101 = vector.multi_reduction <add>, %mul3A_99, %reduce_sum3A_100 [1] : vector<512x128xf32> to vector<512xf32>
    %broadcast_in_dim3A_102 = vector.shape_cast %reduce_sum3A_101 : vector<512xf32> to vector<512x1xf32>
    %div3A_103 = arith.constant 1.280000e+02 : f32
    %div3A_104 = vector.broadcast %div3A_103 : f32 to vector<512x1xf32>
    %div3A_105 = arith.divf %broadcast_in_dim3A_102, %div3A_104 : vector<512x1xf32>
    %sub3A_106 = vector.broadcast %div3A_95 : vector<512x1xf32> to vector<512x128xf32>
    %sub3A_107 = arith.subf %add3A_92, %sub3A_106 : vector<512x128xf32>
    %add3A_108 = arith.constant 9.99999974E-6 : f32
    %add3A_109 = vector.broadcast %add3A_108 : f32 to vector<512x1xf32>
    %add3A_110 = arith.addf %div3A_105, %add3A_109 : vector<512x1xf32>
    %rsqrt3A = math.rsqrt %add3A_110 : vector<512x1xf32>
    %mul3A_111 = vector.broadcast %rsqrt3A : vector<512x1xf32> to vector<512x128xf32>
    %mul3A_112 = arith.mulf %sub3A_107, %mul3A_111 : vector<512x128xf32>
    %get3A_113 = arith.constant 0 : index
    %get3A_114 = arith.constant 0 : index
    %get3A_115 = vector.load %arg8[%get3A_113, %get3A_114] : memref<1x128xf32, #tpu.memory_space<vmem>>, vector<1x128xf32>
    %mul3A_116 = vector.broadcast %get3A_115 : vector<1x128xf32> to vector<512x128xf32>
    %mul3A_117 = arith.mulf %mul3A_112, %mul3A_116 : vector<512x128xf32>
    %get3A_118 = arith.constant 0 : index
    %get3A_119 = arith.constant 0 : index
    %get3A_120 = vector.load %arg9[%get3A_118, %get3A_119] : memref<1x128xf32, #tpu.memory_space<vmem>>, vector<1x128xf32>
    %add3A_121 = vector.broadcast %get3A_120 : vector<1x128xf32> to vector<512x128xf32>
    %add3A_122 = arith.addf %mul3A_117, %add3A_121 : vector<512x128xf32>
    %max3A = arith.constant 0.000000e+00 : f32
    %max3A_123 = vector.broadcast %max3A : f32 to vector<512x128xf32>
    %max3A_124 = arith.maximumf %add3A_122, %max3A_123 : vector<512x128xf32>
    %swap3A = arith.constant 0 : index
    %swap3A_125 = arith.constant 0 : index
    %swap3A_126 = vector.load %arg12[%swap3A, %swap3A_125] : memref<512x128xf32, #tpu.memory_space<vmem>>, vector<512x128xf32>
    tpu.vector_store %arg12[%swap3A, %swap3A_125], %max3A_124 {strides = array<i32>} : memref<512x128xf32, #tpu.memory_space<vmem>>, vector<512x128xf32>,
    return
  }
  func.func @transform_0(%arg0: i32) -> (i32, i32, i32) {
    %c0_i32 = arith.constant 0 : i32
    %c0_i32_0 = arith.constant 0 : i32
    %c0_i32_1 = arith.constant 0 : i32
    return %c0_i32, %c0_i32_0, %arg0 : i32, i32, i32
  }
  func.func @transform_1(%arg0: i32) -> (i32, i32, i32) {
    %c1_i32 = arith.constant 1 : i32
    %c0_i32 = arith.constant 0 : i32
    %c0_i32_0 = arith.constant 0 : i32
    return %c1_i32, %c0_i32, %arg0 : i32, i32, i32
  }
  func.func @transform_2(%arg0: i32) -> (i32, i32) {
    %c0_i32 = arith.constant 0 : i32
    %c0_i32_0 = arith.constant 0 : i32
    return %c0_i32, %arg0 : i32, i32
  }
  func.func @transform_3(%arg0: i32) -> (i32, i32) {
    %c0_i32 = arith.constant 0 : i32
    %c0_i32_0 = arith.constant 0 : i32
    return %c0_i32, %arg0 : i32, i32
  }
  func.func @transform_4(%arg0: i32) -> (i32, i32) {
    %c0_i32 = arith.constant 0 : i32
    %c0_i32_0 = arith.constant 0 : i32
    return %arg0, %c0_i32 : i32, i32
  }
  func.func @transform_5(%arg0: i32) -> (i32, i32) {
    %c0_i32 = arith.constant 0 : i32
    %c0_i32_0 = arith.constant 0 : i32
    return %arg0, %c0_i32 : i32, i32
  }
  func.func @transform_6(%arg0: i32) -> (i32, i32) {
    %c0_i32 = arith.constant 0 : i32
    %c0_i32_0 = arith.constant 0 : i32
    %c0_i32_1 = arith.constant 0 : i32
    return %c0_i32, %c0_i32_0 : i32, i32
  }
  func.func @transform_7(%arg0: i32) -> (i32, i32) {
    %c0_i32 = arith.constant 0 : i32
    %c0_i32_0 = arith.constant 0 : i32
    %c0_i32_1 = arith.constant 0 : i32
    return %c0_i32, %c0_i32_0 : i32, i32
  }
  func.func @transform_8(%arg0: i32) -> (i32, i32) {
    %c0_i32 = arith.constant 0 : i32
    %c0_i32_0 = arith.constant 0 : i32
    %c0_i32_1 = arith.constant 0 : i32
    return %c0_i32, %c0_i32_0 : i32, i32
  }
  func.func @transform_9(%arg0: i32) -> (i32, i32, i32) {
    %c0_i32 = arith.constant 0 : i32
    %c0_i32_0 = arith.constant 0 : i32
    %c0_i32_1 = arith.constant 0 : i32
    %c0_i32_2 = arith.constant 0 : i32
    return %c0_i32, %c0_i32_0, %c0_i32_1 : i32, i32, i32
  }
  func.func @transform_10(%arg0: i32) -> (i32, i32, i32) {
    %c0_i32 = arith.constant 0 : i32
    %c0_i32_0 = arith.constant 0 : i32
    %c0_i32_1 = arith.constant 0 : i32
    %c0_i32_2 = arith.constant 0 : i32
    return %c0_i32, %c0_i32_0, %c0_i32_1 : i32, i32, i32
  }
  func.func @transform_11(%arg0: i32) -> (i32, i32) {
    %c0_i32 = arith.constant 0 : i32
    %c0_i32_0 = arith.constant 0 : i32
    return %arg0, %c0_i32 : i32, i32
  }
}

</mosaic_0001>

<sc_bundles>
// kernel: kernel.10.cloned.1.call-start
scs
__scs_entry_jumppad:
0x0: {  	(pc) =	sbr.rel $0x88, $3  }
0x1: {  	(tag) =	ssettag $0x0;
	lr =	simm.s32 $0x1  }
0x2: {  	[smem:$0x3F97] =	sst lr;
	_ =	strace $0xD0000000  }
0x3: {  	_ = 	snop  }
0x4: {  	_ = 	snop  }
0x5: {  	_ = 	snop  }
0x6: {  	_ = 	snop  }
0x7: {  	_ = 	snop  }
__scs_overlays_trampoline_lowered:
0x8: {  	[smem:$0x3FA6] =	sst s0  }
0x9: {  	[smem:$0x3FA7] =	sst s1  }
0xa: {  	[smem:$0x3FA8] =	sst s2  }
0xb: {  	[smem:$0x3FA9] =	sst s3  }
0xc: {  	[smem:$0x3FAA] =	sst s4  }
0xd: {  	[smem:$0x3FAB] =	sst s5  }
0xe: {  	[smem:$0x3FAC] =	sst s6  }
0xf: {  	[smem:$0x3FAD] =	sst s7  }
0x10: {  	[smem:$0x3FAE] =	sst s8  }
0x11: {  	[smem:$0x3FAF] =	sst s9;
	s0 =	simm.s32 @!p0 $0x0  }
0x12: {  	s1 =	sld [smem:$0x3F95];
	s0 =	simm.s32 @p0 $0x1  }
0x13: {  	[smem:$0x3FB0] =	sst s0;
	s0 =	simm.s32 @!p1 $0x0  }
0x14: {  	s2 =	sld [smem:$0x3F94];
	s0 =	simm.s32 @p1 $0x1  }
0x15: {  	[smem:$0x3FB1] =	sst s0;
	s0 =	simm.s32 @!p2 $0x0  }
0x16: {  	s3 =	sld [smem:$0x3FDB];
	s0 =	simm.s32 @p2 $0x1  }
0x17: {  	s4 =	simm.s32 $0x1BF5;
	[smem:$0x3FB3] =	sst s0  }
0x18: {  	s0 =	sld [smem:$0x3F96];
	_ =	swait.ge [sflag:s4], $0x0  }
0x19: {  	s7 =	sld [smem:$0x3F97]  }
0x1a: {  	s8 =	sadd.s32 $0xFFFFE003, lr  }
0x1b: {  	s9 =	sadd.s32 $0xFFFFFEF7, lr;
	s5 =	simm.s32 $0xFFFFFFFF;
	p2 =	slt.u32 s8, $0xFFFFF086  }
0x1c: {  	p1 =	slt.u32 s9, $0xF7A;
	s5 =	simm.s32 @!p2 $0x0  }
0x1d: {  	s5 =	simm.s32 @p1 $0x1;
	p0 =	seq.s32 s7, s2  }
0x1e: {  	s7 =	smul.u32 @!p0 $0xF7A, s2;
	p2 =	seq.s32 @!p0 s5, $0x0  }
0x1f: {  	s9 =	smul.u32 $0xF7A, s1;
	s8 =	simm.s32 @!p0 $0x1BF5;
	p2 =	por !p2, p0  }
0x20: {  	[sflag:s8] =	ssyncset.s32 @!p0 $0xFFFFF086;
	s6 =	sadd.s32 @!p0 s3, s7;
	s7 =	simm.s32 @!p0 $0x108  }
0x21: {  	s3 =	sadd.s32 s3, s9;
	s6 =	sadd.s32 @!p0 $0x88, s6;
	s7 =	simm.s32 @p2 $0x1082  }
0x22: {  	[simem:s7], [sflag:s8] =	dma.local @!p0 [hbm:s6], $0xF7A  }
0x23: {  	s9 =	sor.u32 $0xD0000000, s2;
	s6 =	simm.s32 $0x108;
	_ =	swait.ge @!p0 [sflag:s8], $0x0  }
0x24: {  	s3 =	sadd.s32 $0x88, s3;
	s6 =	simm.s32 @!p1 $0x1082;
	[sflag:s4] =	ssyncset.s32 $0xFFFFF086  }
0x25: {  	[simem:s6], [sflag:s4] =	dma.local [hbm:s3], $0xF7A  }
0x26: {  	[smem:$0x3F97] =	sst s1;
	(tag) =	ssettag s2;
	_ =	strace s9  }
0x27: {  	s1 =	sld [smem:$0x3FA7]  }
0x28: {  	s2 =	sld [smem:$0x3FA8]  }
0x29: {  	s4 =	sld [smem:$0x3FAA]  }
0x2a: {  	p0 =	seq.s32 s5, $0x0;
	s5 =	sld [smem:$0x3FAB]  }
0x2b: {  	s6 =	sld [smem:$0x3FAC]  }
0x2c: {  	s7 =	sld [smem:$0x3FAD]  }
0x2d: {  	s3 =	simm.s32 $0x108;
	s8 =	sld [smem:$0x3FAE]  }
0x2e: {  	s3 =	simm.s32 @!p0 $0x1082;
	s9 =	sld [smem:$0x3FAF]  }
0x2f: {  	lr =	sadd.s32 s0, s3;
	s0 =	sld [smem:$0x3FA6]  }
0x30: {  	s3 =	sld [smem:$0x3FA9]  }
0x31: {  	[smem:$0x3FB2] =	sst s10  }
0x32: {  	s10 =	sld [smem:$0x3FB0];
	_ =	sdelay $0x3  }
0x33: {  	p0 =	seq.s32 s10, $0x1;
	s10 =	sld [smem:$0x3FB2];
	_ =	sdelay $0x3  }
0x34: {  	[smem:$0x3FB2] =	sst s10  }
0x35: {  	s10 =	sld [smem:$0x3FB1];
	_ =	sdelay $0x3  }
0x36: {  	p1 =	seq.s32 s10, $0x1;
	s10 =	sld [smem:$0x3FB2];
	_ =	sdelay $0x3  }
0x37: {  	[smem:$0x3FB2] =	sst s10  }
0x38: {  	s10 =	sld [smem:$0x3FB3]  }
0x39: {  	_ = 	snop;
	(pc) =	sbr.ind lr, $3  }
0x3a: {  	_ = 	snop  }
0x3b: {  	_ = 	snop  }
0x3c: {  	p2 =	seq.s32 s10, $0x1;
	s10 =	sld [smem:$0x3FB2]  }
0x3d: {  	_ =	shalt  }
0x3e: {  	_ =	shalt  }
0x3f: {  	_ =	shalt  }
0x40: {  	_ =	shalt  }
0x41: {  	_ =	shalt  }
0x42: {  	_ =	shalt  }
0x43: {  	_ =	shalt  }
0x44: {  	_ =	shalt  }
0x45: {  	_ =	shalt  }
0x46: {  	_ =	shalt  }
0x47: {  	_ =	shalt  }
0x48: {  	_ =	shalt  }
0x49: {  	_ =	shalt  }
0x4a: {  	_ =	shalt  }
0x4b: {  	_ =	shalt  }
0x4c: {  	_ =	shalt  }
0x4d: {  	_ =	shalt  }
0x4e: {  	_ =	shalt  }
0x4f: {  	_ =	shalt  }
0x50: {  	_ =	shalt  }
0x51: {  	_ =	shalt  }
0x52: {  	_ =	shalt  }
0x53: {  	_ =	shalt  }
0x54: {  	_ =	shalt  }
0x55: {  	_ =	shalt  }
0x56: {  	_ =	shalt  }
0x57: {  	_ =	shalt  }
0x58: {  	_ =	shalt  }
0x59: {  	_ =	shalt  }
0x5a: {  	_ =	shalt  }
0x5b: {  	_ =	shalt  }
0x5c: {  	_ =	shalt  }
0x5d: {  	_ =	shalt  }
0x5e: {  	_ =	shalt  }
0x5f: {  	_ =	shalt  }
0x60: {  	_ =	shalt  }
0x61: {  	_ =	shalt  }
0x62: {  	_ =	shalt  }
0x63: {  	_ =	shalt  }
0x64: {  	_ =	shalt  }
0x65: {  	_ =	shalt  }
0x66: {  	_ =	shalt  }
0x67: {  	_ =	shalt  }
0x68: {  	_ =	shalt  }
0x69: {  	_ =	shalt  }
0x6a: {  	_ =	shalt  }
0x6b: {  	_ =	shalt  }
0x6c: {  	_ =	shalt  }
0x6d: {  	_ =	shalt  }
0x6e: {  	_ =	shalt  }
0x6f: {  	_ =	shalt  }
0x70: {  	_ =	shalt  }
0x71: {  	_ =	shalt  }
0x72: {  	_ =	shalt  }
0x73: {  	_ =	shalt  }
0x74: {  	_ =	shalt  }
0x75: {  	_ =	shalt  }
0x76: {  	_ =	shalt  }
0x77: {  	_ =	shalt  }
0x78: {  	_ =	shalt  }
0x79: {  	_ =	shalt  }
0x7a: {  	_ =	shalt  }
0x7b: {  	_ =	shalt  }
0x7c: {  	_ =	shalt  }
0x7d: {  	_ =	shalt  }
0x7e: {  	_ =	shalt  }
0x7f: {  	_ =	shalt  }
0x80: {  	_ =	shalt  }
0x81: {  	_ =	shalt  }
0x82: {  	_ =	shalt  }
0x83: {  	_ =	shalt  }
0x84: {  	_ =	shalt  }
0x85: {  	_ =	shalt  }
0x86: {  	_ =	shalt  }
0x87: {  	_ =	shalt  }
.Lfunc_end0:
.L_simem_size_0:
called_computation.1_lowered:
.L_overlay_start_0:
0x88: {  	s2 =	sld [smem:$0x3FD9]  }
0x89: {  	s3 =	sld [smem:$0x3FFE];
	_ =	sdelay $0x1  }
0x8a: {  	s1 =	srdreg.scid  }
0x8b: {  	s0 =	sand.u32 $0x1, s1  }
0x8c: {  	s17 =	sshll.u32 s0, $0xA;
	s2 =	sadd.s32 s3, s2  }
0x8d: {  	s2 =	sadd.s32 s2, s17  }
0x8e: {  	[smem:$0x3FBE] =	sst s2  }
0x8f: {  	_ = 	snop  }
0x90: {  	s2 =	sld [smem:$0x3FD0];
	(tm) =	ssettm $0x1  }
0x91: {  	s18 =	sld [smem:$0x3FFB];
	_ =	sdelay $0x3  }
0x92: {  	_ =	strace s18  }
0x93: {  	s3 =	sld [smem:$0x3FFC];
	_ =	sdelay $0x3  }
0x94: {  	_ =	strace s3  }
0x95: {  	s3 =	sld [smem:$0x3FFD];
	_ =	sdelay $0x3  }
0x96: {  	_ =	strace s3  }
0x97: {  	_ =	strace $0x8FFFFFFF  }
0x98: {  	s19 =	sld [smem:$0x3FDB];
	_ =	sdelay $0x1  }
0x99: {  	s4 =	simm.s32 $_scs_section_size  }
0x9a: {  	s5 =	simm.s32 $_size__tile_overlayer_lowered;
	s6 =	simm.s32 $_tile_overlayer_lowered  }
0x9b: {  	s22 =	simm.s32 $0x1BFF;
	s21 =	sshll.u32 s6, $0x1;
	s3 =	sadd.s32 s4, s19  }
0x9c: {  	s7 =	simm.s32 $0x0;
	s20 =	sshll.u32 s5, $0x1;
	s5 =	sadd.s32 s21, s3  }
0x9d: {  	[timem:s7], [sflag:s22] =	dma.local [hbm:s5], s20  }
0x9e: {  	_ =	swait.ge [sflag:s22], s20  }
0x9f: {  	s4 =	ssub.s32 $0x0, s20;
	[sflag:s22] =	ssyncset.done $0x0  }
0xa0: {  	[sflag:s22] =	ssyncadd.s32 s4;
	_ =	sdelay $0x1  }
0xa1: {  	s23 =	simm.s32 $0x1B8B  }
0xa2: {  	_ =	swait.ge [sflag:s23], $0x1  }
0xa3: {  	[sflag:s23] =	ssyncset.done $0x0  }
0xa4: {  	s25 =	simm.s32 $0x1B8E;
	s24 =	sld [smem:$0x3FFE];
	[sflag:s23] =	ssyncadd.s32 $0xFFFFFFFF  }
0xa5: {  	s26 =	simm.s32 $execute0_lowered;
	[smem:$0x3FD2] =	sst s25  }
0xa6: {  	s5 =	sshll.u32 s26, $0x1;
	_ =	strace $0x80000049;
	[dreg:$0x1] =	wrdreg $0xFFFFFFFF  }
0xa7: {  	s28 =	simm.s32 $_size_execute0_lowered;
	s3 =	sadd.s32 s3, s5;
	[dreg:$0x0] =	wrdreg $0x0  }
0xa8: {  	s5 =	sshll.u32 s28, $0x1;
	[dreg:$0x2] =	wrdreg s3  }
0xa9: {  	[dreg:$0x3] =	wrdreg s5  }
0xaa: {  	[dreg:$0x4] =	wrdreg $0xC0  }
0xab: {  	_ =	task [dreg:s7], $0x5FFFF  }
0xac: {  	[dreg:$0x1] =	wrdreg $0xFFFFFFFF  }
0xad: {  	[dreg:$0x0] =	wrdreg $0x60  }
0xae: {  	[dreg:$0x2] =	wrdreg s2  }
0xaf: {  	[dreg:$0x3] =	wrdreg s24  }
0xb0: {  	[dreg:$0x4] =	wrdreg $0x9  }
0xb1: {  	_ =	task.clear_ibuf [dreg:s7], $0x5FFFF;
	_ =	strace $0x90000049  }
0xb2: {  	s29 =	simm.s32 $0x9;
	_ =	strace $0x8000004B  }
0xb3: {  	_ =	swait.ge [sflag:s29], $0x1  }
0xb4: {  	[sflag:s29] =	ssyncadd.s32 $0xFFFFFFFF  }
0xb5: {  	_ =	strace $0x9000004B  }
0xb6: {  	_ =	sfence  }
0xb7: {  	s30 =	sld [smem:$0x0];
	_ =	sdelay $0x2  }
0xb8: {  	s31 =	sshll.u32 s1, $0xD;
	s1 =	sshrl.u32 s1, $0x2  }
0xb9: {  	s3 =	sand.u32 $0x4000, s31;
	s1 =	sadd.s32 s1, s30  }
0xba: {  	s0 =	sor.u32 s3, s0;
	s1 =	sshll.u32 s1, $0x11  }
0xbb: {  	s0 =	sor.u32 s1, s0  }
0xbc: {  	s0 =	sadd.s32 $0x8F2B, s0  }
0xbd: {  	[sflag:s0] =	ssyncadd.remote.s32 $0x1  }
0xbe: {  	_ =	sfence.sel $0xFFFF  }
0xbf: {  	[dreg:$0x0] =	wrdreg $0xFFFFFFFF;
	(pc) =	sbr.abs _section_cstart, $3  }
0xc0: {  	[dreg:$0x1] =	wrdreg $0xFFFFFFFF  }
0xc1: {  	_ =	task.clear_ibuf [dreg:s7], $0x2FFFF;
	_ =	strace $0x9FFFFFFF  }
0xc2: {  	(tm) =	ssettm $0x7FFFFFFF  }
0xc3: {  	_ =	shalt  }
tec
execute0_lowered:
.L_overlay_start_1:
0x0: {  	(tag) =	ssettag $0x1  }
0x1: {  	s5 =	rddreg [dreg:$0x0]  }
0x2: {  	s1 =	srdreg.scid;
	s0 =	stileid.u32  }
0x3: {  	s6 =	rddreg [dreg:$0x1];
	s2 =	simm.s32 $0x0;
	s13 =	simm.s32 $0x15000  }
0x4: {  	s14 =	simm.s32 $0x3;
	s15 =	simm.s32 $0x1;
	s16 =	simm.s32 $0x2  }
0x5: {  	s17 =	simm.s32 $0x14800;
	s18 =	simm.s32 $0x15800;
	s19 =	simm.s32 $0xA000  }
0x6: {  	s20 =	simm.s32 $0x4;
	s7 =	sand.u32 $0x1, s1;
	s8 =	smul.u32 $0xA000, s0  }
0x7: {  	s21 =	simm.s32 $0x0;
	s1 =	rddreg [dreg:$0x2];
	s3 =	smul.u32 $0xA0000, s7  }
0x8: {  	[smem:$0x7FF] =	sst s2;
	s4 =	sadd.s32 $0xCC00, s6;
	s11 =	smul.u32 $0x5000, s7  }
0x9: {  	_ =	strace $0x8000004A;
	s31 =	ssub.s32 $0x2, s7;
	s12 =	smul.u32 $0x28000, s7  }
0xa: {  	s10 =	sshrl.u32 s31, $0x1;
	s9 =	sadd.s32 s8, s3;
	s3 =	sadd.s32 $0x2C00, s6  }
0xb: {  	s8 =	sshrl.u32 s8, $0x3;
	s10 =	ssub.s32 s31, s10;
	s7 =	sadd.s32 s4, s11  }
0xc: {  	s9 =	sshrl.u32 s9, $0x3;
	s5 =	sadd.s32 s5, s8;
	s8 =	sor.u32 $0x1000, s12  }
0xd: {  	s10 =	smax.u32 s10, $0x1;
	s12 =	simm.s32 $0x14000;
	s9 =	sadd.s32 s9, s6  }
0xe: {  	v0 =	vimm.f32 $0.0e+00;
	s6 =	sadd.s32 s3, s11;
	s11 =	sor.u32 $0x100, s11;
	s9 =	sadd.s32 $0x16C00, s9  }
.LBB2_1:
0xf: {  	[tilespmem:s2], [sflag:$0x3] =	stream.linear.gather [hbm4b:s5+s2], $0xA000, $0x38;
	[tilespmem:$0x16000] =	vst v63  }
0x10: {  	s22 =	simm.s32 $0x40;
	s23 =	simm.s32 $0x0  }
.LBB2_2:
0x11: {  	p0 =	sne.s32 s22, $0x9FC0;
	[tilespmem:s23+$0xA000] =	vst v0;
	s23 =	smov.u32 s22;
	s22 =	sadd.s32 $0x40, s22  }
.Ltmp0:
0x12: {  	(pc) =	sbr.rel @p0 .LBB2_2-.Ltmp0, $2  }
0x13: {  	_ =	sdelay $0x2  }
0x14: {  	s23 =	sshra.s32 s23, $0x2  }
0x15: {  	[tilespmem:s23+$0xA000] =	vst v0;
	s22 =	simm.s32 $0x0;
	s23 =	simm.s32 $0x40;
	s24 =	simm.s32 $0x0  }
.LBB2_4:
0x16: {  	p0 =	sne.s32 s23, $0x9FC0;
	[tilespmem:s24+$0xC800] =	vst v0;
	s24 =	smov.u32 s23;
	s23 =	sadd.s32 $0x40, s23  }
.Ltmp1:
0x17: {  	(pc) =	sbr.rel @p0 .LBB2_4-.Ltmp1, $2  }
0x18: {  	_ =	sdelay $0x2  }
0x19: {  	s24 =	sshra.s32 s24, $0x2  }
0x1a: {  	[tilespmem:s24+$0xC800] =	vst v0  }
.LBB2_6:
0x1b: {  	p0 =	sne.s32 s22, $0x9FC0  }
.Ltmp2:
0x1c: {  	_ = 	snop;
	(pc) =	sbr.rel @p0 .LBB2_6-.Ltmp2, $3  }
0x1d: {  	_ =	sdelay $0x1  }
0x1e: {  	s23 =	sshra.s32 s22, $0x2  }
0x1f: {  	s22 =	sadd.s32 $0x40, s22;
	[tilespmem:s23+$0xF000] =	vst v0  }
0x20: {  	s22 =	simm.s32 $0x40;
	s23 =	simm.s32 $0x0  }
.LBB2_8:
0x21: {  	p0 =	sne.s32 s22, $0x9FC0;
	[tilespmem:s23+$0x11800] =	vst v0;
	s23 =	smov.u32 s22;
	s22 =	sadd.s32 $0x40, s22  }
.Ltmp3:
0x22: {  	(pc) =	sbr.rel @p0 .LBB2_8-.Ltmp3, $2  }
0x23: {  	_ =	sdelay $0x2  }
0x24: {  	s23 =	sshra.s32 s23, $0x2  }
0x25: {  	[tilespmem:s23+$0x11800] =	vst v0;
	s22 =	simm.s32 $0x0  }
0x26: {  	[tilespmem:s12], [sflag:$0x1] =	stream.linear.gather [hbm4b:s6+s22], $0x800, $0x38;
	[tilespmem:$0x16000] =	vst v63  }
0x27: {  	_ = 	snop  }
0x28: {  	[tilespmem:s13], [sflag:$0x2] =	stream.linear.gather [hbm4b:s7+s22], $0x800, $0x38;
	[tilespmem:$0x16000] =	vst v63  }
0x29: {  	_ =	swait.ge [sflag:s14], $0xA000  }
0x2a: {  	[sflag:s14] =	ssyncset.done $0x0  }
0x2b: {  	[sflag:s14] =	ssyncadd.s32 $0xFFFF6000  }
.LBB2_10:
0x2c: {  	_ =	swait.ge [sflag:s15], $0x800  }
0x2d: {  	[sflag:s15] =	ssyncset.done $0x0  }
0x2e: {  	[sflag:s15] =	ssyncadd.s32 $0xFFFFF800  }
0x2f: {  	s23 =	sshll.u32 s22, $0x9;
	_ =	swait.ge [sflag:s16], $0x800  }
0x30: {  	s23 =	sadd.s32 s11, s23;
	[sflag:s16] =	ssyncset.done $0x0  }
0x31: {  	s24 =	sadd.s32 s3, s23;
	[sflag:s16] =	ssyncadd.s32 $0xFFFFF800  }
0x32: {  	[tilespmem:s17], [sflag:$0x1] =	stream.linear.gather [hbm4b:s24+s2], $0x800, $0x38;
	[tilespmem:$0x16000] =	vst v63  }
0x33: {  	s31 =	simm.s32 $0x14100;
	s23 =	sadd.s32 s4, s23  }
0x34: {  	[tilespmem:s18], [sflag:$0x2] =	stream.linear.gather [hbm4b:s23+s2], $0x800, $0x38;
	[tilespmem:$0x16000] =	vst v63  }
0x35: {  	v1 =	vld [tilespmem:s31+$0x80]  }
0x36: {  	v3 =	vld [tilespmem:s31+$0xFFFFFF00];
	_ =	sdelay $0x1  }
0x37: {  	v2 =	vld [tilespmem:s31+$0xFFFFFF80]  }
0x38: {  	s23 =	simm.s32 $0x15100;
	v5 =	vld [tilespmem:s31+$0x0]  }
0x39: {  	v4 =	vld [tilespmem:s23+$0x80]  }
0x3a: {  	v6 =	vld [tilespmem:s23+$0xFFFFFF00]  }
0x3b: {  	v10 =	vld [tilespmem:s23+$0xFFFFFF80]  }
0x3c: {  	v7 =	vld.idx.msk [tilespmem:v1+s2+$0x0], $0xffff  }
0x3d: {  	v11 =	vld.idx.msk [tilespmem:v3+s2+$0x0], $0xffff  }
0x3e: {  	v13 =	vld [tilespmem:s23+$0x0];
	v9 =	vadd.s32 $0x2800, v1  }
0x3f: {  	v8 =	vld.idx.msk [tilespmem:v2+s2+$0x0], $0xffff  }
0x40: {  	v12 =	vadd.s32 $0x2800, v3;
	v14 =	vld.idx.msk [tilespmem:v5+s2+$0x0], $0xffff  }
0x41: {  	[tilespmem:v4+s19+$0x0] =	vst.idx.add.f32.msk $0xffff, v7  }
0x42: {  	v16 =	vadd.s32 $0x2800, v5;
	[tilespmem:v6+s19+$0x0] =	vst.idx.add.f32.msk $0xffff, v11  }
0x43: {  	v7 =	vld.idx.msk [tilespmem:v9+s2+$0x0], $0xffff;
	v9 =	vadd.s32 $0x2800, v4  }
0x44: {  	v15 =	vadd.s32 $0x5000, v1;
	[tilespmem:v10+s19+$0x0] =	vst.idx.add.f32.msk $0xffff, v8  }
0x45: {  	v8 =	vadd.s32 $0x2800, v6;
	v12 =	vld.idx.msk [tilespmem:v12+s2+$0x0], $0xffff  }
0x46: {  	v11 =	vadd.s32 $0x2800, v2;
	[tilespmem:v13+s19+$0x0] =	vst.idx.add.f32.msk $0xffff, v14  }
0x47: {  	v17 =	vadd.s32 $0x2800, v13;
	v16 =	vld.idx.msk [tilespmem:v16+s2+$0x0], $0xffff  }
0x48: {  	[tilespmem:v9+s19+$0x0] =	vst.idx.add.f32.msk $0xffff, v7;
	v7 =	vadd.s32 $0x5000, v3  }
0x49: {  	v14 =	vadd.s32 $0x5000, v4;
	v9 =	vld.idx.msk [tilespmem:v15+s2+$0x0], $0xffff  }
0x4a: {  	[tilespmem:v8+s19+$0x0] =	vst.idx.add.f32.msk $0xffff, v12;
	v12 =	vadd.s32 $0x5000, v5  }
0x4b: {  	v1 =	vadd.s32 $0x7800, v1;
	v11 =	vld.idx.msk [tilespmem:v11+s2+$0x0], $0xffff  }
0x4c: {  	[tilespmem:v17+s19+$0x0] =	vst.idx.add.f32.msk $0xffff, v16;
	v15 =	vadd.s32 $0x2800, v10  }
0x4d: {  	v8 =	vadd.s32 $0x5000, v2;
	v7 =	vld.idx.msk [tilespmem:v7+s2+$0x0], $0xffff  }
0x4e: {  	[tilespmem:v14+s19+$0x0] =	vst.idx.add.f32.msk $0xffff, v9;
	v9 =	vadd.s32 $0x5000, v6  }
0x4f: {  	v12 =	vld.idx.msk [tilespmem:v12+s2+$0x0], $0xffff;
	v14 =	vadd.s32 $0x5000, v13  }
0x50: {  	v4 =	vadd.s32 $0x7800, v4;
	v1 =	vld.idx.msk [tilespmem:v1+s2+$0x0], $0xffff  }
0x51: {  	[tilespmem:v15+s19+$0x0] =	vst.idx.add.f32.msk $0xffff, v11  }
0x52: {  	v3 =	vadd.s32 $0x7800, v3;
	v8 =	vld.idx.msk [tilespmem:v8+s2+$0x0], $0xffff  }
0x53: {  	v11 =	vadd.s32 $0x5000, v10;
	[tilespmem:v9+s19+$0x0] =	vst.idx.add.f32.msk $0xffff, v7  }
0x54: {  	v2 =	vadd.s32 $0x7800, v2;
	[tilespmem:v14+s19+$0x0] =	vst.idx.add.f32.msk $0xffff, v12  }
0x55: {  	[tilespmem:v4+s19+$0x0] =	vst.idx.add.f32.msk $0xffff, v1  }
0x56: {  	v1 =	vadd.s32 $0x7800, v5;
	v4 =	vld [tilespmem:s31+$0x90]  }
0x57: {  	v3 =	vld.idx.msk [tilespmem:v3+s2+$0x0], $0xffff;
	v5 =	vadd.s32 $0x7800, v6  }
0x58: {  	[tilespmem:v11+s19+$0x0] =	vst.idx.add.f32.msk $0xffff, v8  }
0x59: {  	v2 =	vld.idx.msk [tilespmem:v2+s2+$0x0], $0xffff  }
0x5a: {  	v6 =	vadd.s32 $0x7800, v10;
	v8 =	vld [tilespmem:s23+$0x90]  }
0x5b: {  	v7 =	vadd.s32 $0x7800, v13;
	v1 =	vld.idx.msk [tilespmem:v1+s2+$0x0], $0xffff  }
0x5c: {  	[tilespmem:v5+s19+$0x0] =	vst.idx.add.f32.msk $0xffff, v3  }
0x5d: {  	v5 =	vld [tilespmem:s31+$0xFFFFFF10]  }
0x5e: {  	v3 =	vld.idx.msk [tilespmem:v4+s2+$0x0], $0xffff  }
0x5f: {  	[tilespmem:v6+s19+$0x0] =	vst.idx.add.f32.msk $0xffff, v2  }
0x60: {  	v2 =	vadd.s32 $0x2800, v4;
	[tilespmem:v7+s19+$0x0] =	vst.idx.add.f32.msk $0xffff, v1  }
0x61: {  	v1 =	vld [tilespmem:s31+$0xFFFFFF90]  }
0x62: {  	v6 =	vld [tilespmem:s31+$0x10]  }
0x63: {  	[tilespmem:v8+s19+$0x0] =	vst.idx.add.f32.msk $0xffff, v3  }
0x64: {  	v3 =	vld [tilespmem:s23+$0xFFFFFF10]  }
0x65: {  	v7 =	vadd.s32 $0x2800, v8;
	v2 =	vld.idx.msk [tilespmem:v2+s2+$0x0], $0xffff  }
0x66: {  	v10 =	vadd.s32 $0x5000, v4;
	v11 =	vld [tilespmem:s23+$0xFFFFFF90]  }
0x67: {  	v12 =	vld [tilespmem:s23+$0x10]  }
0x68: {  	v9 =	vld.idx.msk [tilespmem:v5+s2+$0x0], $0xffff  }
0x69: {  	v13 =	vadd.s32 $0x2800, v5;
	v14 =	vld.idx.msk [tilespmem:v1+s2+$0x0], $0xffff  }
0x6a: {  	[tilespmem:v7+s19+$0x0] =	vst.idx.add.f32.msk $0xffff, v2  }
0x6b: {  	v2 =	vadd.s32 $0x2800, v1;
	v7 =	vld.idx.msk [tilespmem:v10+s2+$0x0], $0xffff  }
0x6c: {  	v15 =	vadd.s32 $0x5000, v8;
	v10 =	vld.idx.msk [tilespmem:v6+s2+$0x0], $0xffff  }
0x6d: {  	[tilespmem:v3+s19+$0x0] =	vst.idx.add.f32.msk $0xffff, v9  }
0x6e: {  	v4 =	vadd.s32 $0x7800, v4;
	v9 =	vld.idx.msk [tilespmem:v13+s2+$0x0], $0xffff  }
0x6f: {  	v13 =	vadd.s32 $0x2800, v6;
	[tilespmem:v11+s19+$0x0] =	vst.idx.add.f32.msk $0xffff, v14  }
0x70: {  	v14 =	vadd.s32 $0x2800, v3;
	v2 =	vld.idx.msk [tilespmem:v2+s2+$0x0], $0xffff  }
0x71: {  	v16 =	vadd.s32 $0x5000, v5;
	[tilespmem:v15+s19+$0x0] =	vst.idx.add.f32.msk $0xffff, v7  }
0x72: {  	v7 =	vadd.s32 $0x7800, v8;
	[tilespmem:v12+s19+$0x0] =	vst.idx.add.f32.msk $0xffff, v10;
	v8 =	vadd.s32 $0x2800, v11  }
0x73: {  	v4 =	vld.idx.msk [tilespmem:v4+s2+$0x0], $0xffff  }
0x74: {  	v10 =	vld.idx.msk [tilespmem:v13+s2+$0x0], $0xffff  }
0x75: {  	v13 =	vadd.s32 $0x2800, v12;
	[tilespmem:v14+s19+$0x0] =	vst.idx.add.f32.msk $0xffff, v9  }
0x76: {  	v9 =	vadd.s32 $0x5000, v1;
	v14 =	vld.idx.msk [tilespmem:v16+s2+$0x0], $0xffff  }
0x77: {  	v15 =	vadd.s32 $0x5000, v6;
	[tilespmem:v8+s19+$0x0] =	vst.idx.add.f32.msk $0xffff, v2  }
0x78: {  	[tilespmem:v7+s19+$0x0] =	vst.idx.add.f32.msk $0xffff, v4;
	v4 =	vadd.s32 $0x5000, v3  }
0x79: {  	v7 =	vld [tilespmem:s31+$0xA0]  }
0x7a: {  	v2 =	vadd.s32 $0x7800, v5;
	[tilespmem:v13+s19+$0x0] =	vst.idx.add.f32.msk $0xffff, v10  }
0x7b: {  	v8 =	vadd.s32 $0x5000, v11;
	v5 =	vld.idx.msk [tilespmem:v9+s2+$0x0], $0xffff  }
0x7c: {  	v10 =	vadd.s32 $0x5000, v12;
	v9 =	vld.idx.msk [tilespmem:v15+s2+$0x0], $0xffff  }
0x7d: {  	v1 =	vadd.s32 $0x7800, v1;
	[tilespmem:v4+s19+$0x0] =	vst.idx.add.f32.msk $0xffff, v14  }
0x7e: {  	v6 =	vadd.s32 $0x7800, v6;
	v4 =	vld [tilespmem:s23+$0xA0]  }
0x7f: {  	v2 =	vld.idx.msk [tilespmem:v2+s2+$0x0], $0xffff  }
0x80: {  	[tilespmem:v8+s19+$0x0] =	vst.idx.add.f32.msk $0xffff, v5  }
0x81: {  	v3 =	vadd.s32 $0x7800, v3;
	[tilespmem:v10+s19+$0x0] =	vst.idx.add.f32.msk $0xffff, v9  }
0x82: {  	v8 =	vadd.s32 $0x7800, v11;
	v1 =	vld.idx.msk [tilespmem:v1+s2+$0x0], $0xffff  }
0x83: {  	v9 =	vadd.s32 $0x7800, v12;
	v6 =	vld.idx.msk [tilespmem:v6+s2+$0x0], $0xffff;
	_ =	sdelay $0x1  }
0x84: {  	v13 =	vld.idx.msk [tilespmem:v7+s2+$0x0], $0xffff  }
0x85: {  	v5 =	vadd.s32 $0x2800, v7;
	[tilespmem:v3+s19+$0x0] =	vst.idx.add.f32.msk $0xffff, v2  }
0x86: {  	[tilespmem:v8+s19+$0x0] =	vst.idx.add.f32.msk $0xffff, v1  }
0x87: {  	[tilespmem:v9+s19+$0x0] =	vst.idx.add.f32.msk $0xffff, v6  }
0x88: {  	v6 =	vld [tilespmem:s31+$0xFFFFFFA0]  }
0x89: {  	[tilespmem:v4+s19+$0x0] =	vst.idx.add.f32.msk $0xffff, v13  }
0x8a: {  	v2 =	vld.idx.msk [tilespmem:v5+s2+$0x0], $0xffff;
	v5 =	vadd.s32 $0x2800, v4;
	_ =	sdelay $0x1  }
0x8b: {  	v3 =	vld [tilespmem:s31+$0xFFFFFF20];
	v1 =	vadd.s32 $0x5000, v7  }
0x8c: {  	v10 =	vld [tilespmem:s23+$0xFFFFFFA0]  }
0x8d: {  	v8 =	vld [tilespmem:s31+$0x20]  }
0x8e: {  	[tilespmem:v5+s19+$0x0] =	vst.idx.add.f32.msk $0xffff, v2  }
0x8f: {  	v2 =	vld [tilespmem:s23+$0xFFFFFF20]  }
0x90: {  	v5 =	vadd.s32 $0x5000, v4;
	v1 =	vld.idx.msk [tilespmem:v1+s2+$0x0], $0xffff  }
0x91: {  	v13 =	vld.idx.msk [tilespmem:v6+s2+$0x0], $0xffff  }
0x92: {  	v7 =	vadd.s32 $0x7800, v7  }
0x93: {  	v11 =	vld [tilespmem:s23+$0x20]  }
0x94: {  	v9 =	vld.idx.msk [tilespmem:v3+s2+$0x0], $0xffff  }
0x95: {  	v12 =	vadd.s32 $0x2800, v3;
	[tilespmem:v5+s19+$0x0] =	vst.idx.add.f32.msk $0xffff, v1  }
0x96: {  	v1 =	vadd.s32 $0x2800, v6;
	[tilespmem:v10+s19+$0x0] =	vst.idx.add.f32.msk $0xffff, v13  }
0x97: {  	v4 =	vadd.s32 $0x7800, v4;
	v5 =	vld.idx.msk [tilespmem:v7+s2+$0x0], $0xffff  }
0x98: {  	v7 =	vld.idx.msk [tilespmem:v8+s2+$0x0], $0xffff  }
0x99: {  	[tilespmem:v2+s19+$0x0] =	vst.idx.add.f32.msk $0xffff, v9  }
0x9a: {  	v9 =	vld.idx.msk [tilespmem:v12+s2+$0x0], $0xffff;
	v12 =	vadd.s32 $0x2800, v8  }
0x9b: {  	v13 =	vadd.s32 $0x2800, v2;
	v1 =	vld.idx.msk [tilespmem:v1+s2+$0x0], $0xffff  }
0x9c: {  	v14 =	vadd.s32 $0x2800, v10;
	[tilespmem:v4+s19+$0x0] =	vst.idx.add.f32.msk $0xffff, v5  }
0x9d: {  	[tilespmem:v11+s19+$0x0] =	vst.idx.add.f32.msk $0xffff, v7  }
0x9e: {  	v4 =	vadd.s32 $0x5000, v3;
	v5 =	vld [tilespmem:s31+$0xB0]  }
0x9f: {  	v7 =	vadd.s32 $0x5000, v6;
	v12 =	vld.idx.msk [tilespmem:v12+s2+$0x0], $0xffff  }
0xa0: {  	[tilespmem:v13+s19+$0x0] =	vst.idx.add.f32.msk $0xffff, v9;
	v9 =	vadd.s32 $0x2800, v11  }
0xa1: {  	[tilespmem:v14+s19+$0x0] =	vst.idx.add.f32.msk $0xffff, v1  }
0xa2: {  	v1 =	vadd.s32 $0x5000, v8;
	v14 =	vld [tilespmem:s23+$0xB0]  }
0xa3: {  	v13 =	vadd.s32 $0x5000, v2;
	v4 =	vld.idx.msk [tilespmem:v4+s2+$0x0], $0xffff  }
0xa4: {  	v15 =	vadd.s32 $0x5000, v10;
	v7 =	vld.idx.msk [tilespmem:v7+s2+$0x0], $0xffff  }
0xa5: {  	v3 =	vadd.s32 $0x7800, v3;
	[tilespmem:v9+s19+$0x0] =	vst.idx.add.f32.msk $0xffff, v12  }
0xa6: {  	v16 =	vld.idx.msk [tilespmem:v5+s2+$0x0], $0xffff  }
0xa7: {  	v12 =	vadd.s32 $0x5000, v11;
	v1 =	vld.idx.msk [tilespmem:v1+s2+$0x0], $0xffff  }
0xa8: {  	v9 =	vadd.s32 $0x2800, v5;
	[tilespmem:v13+s19+$0x0] =	vst.idx.add.f32.msk $0xffff, v4  }
0xa9: {  	v4 =	vadd.s32 $0x7800, v6;
	[tilespmem:v15+s19+$0x0] =	vst.idx.add.f32.msk $0xffff, v7  }
0xaa: {  	v6 =	vadd.s32 $0x7800, v8;
	v3 =	vld.idx.msk [tilespmem:v3+s2+$0x0], $0xffff  }
0xab: {  	v2 =	vadd.s32 $0x7800, v2;
	[tilespmem:v14+s19+$0x0] =	vst.idx.add.f32.msk $0xffff, v16  }
0xac: {  	[tilespmem:v12+s19+$0x0] =	vst.idx.add.f32.msk $0xffff, v1  }
0xad: {  	v1 =	vadd.s32 $0x2800, v14;
	v7 =	vld.idx.msk [tilespmem:v9+s2+$0x0], $0xffff  }
0xae: {  	v4 =	vld.idx.msk [tilespmem:v4+s2+$0x0], $0xffff;
	v9 =	vadd.s32 $0x7800, v10  }
0xaf: {  	v6 =	vld.idx.msk [tilespmem:v6+s2+$0x0], $0xffff;
	v10 =	vadd.s32 $0x7800, v11  }
0xb0: {  	v8 =	vadd.s32 $0x5000, v5;
	[tilespmem:v2+s19+$0x0] =	vst.idx.add.f32.msk $0xffff, v3  }
0xb1: {  	v2 =	vld [tilespmem:s31+$0xFFFFFF30]  }
0xb2: {  	[tilespmem:v1+s19+$0x0] =	vst.idx.add.f32.msk $0xffff, v7  }
0xb3: {  	[tilespmem:v9+s19+$0x0] =	vst.idx.add.f32.msk $0xffff, v4  }
0xb4: {  	[tilespmem:v10+s19+$0x0] =	vst.idx.add.f32.msk $0xffff, v6  }
0xb5: {  	v3 =	vadd.s32 $0x5000, v14;
	v1 =	vld.idx.msk [tilespmem:v8+s2+$0x0], $0xffff  }
0xb6: {  	v4 =	vadd.s32 $0x7800, v5;
	v5 =	vld [tilespmem:s31+$0xFFFFFFB0]  }
0xb7: {  	v6 =	vld [tilespmem:s31+$0x30]  }
0xb8: {  	v7 =	vld [tilespmem:s23+$0xFFFFFF30]  }
0xb9: {  	v8 =	vld [tilespmem:s23+$0xFFFFFFB0]  }
0xba: {  	[tilespmem:v3+s19+$0x0] =	vst.idx.add.f32.msk $0xffff, v1  }
0xbb: {  	v3 =	vld.idx.msk [tilespmem:v2+s2+$0x0], $0xffff  }
0xbc: {  	v1 =	vld.idx.msk [tilespmem:v4+s2+$0x0], $0xffff;
	v4 =	vadd.s32 $0x7800, v14  }
0xbd: {  	v9 =	vld [tilespmem:s23+$0x30]  }
0xbe: {  	v10 =	vadd.s32 $0x2800, v2;
	v11 =	vld.idx.msk [tilespmem:v5+s2+$0x0], $0xffff  }
0xbf: {  	v12 =	vld.idx.msk [tilespmem:v6+s2+$0x0], $0xffff  }
0xc0: {  	[tilespmem:v7+s19+$0x0] =	vst.idx.add.f32.msk $0xffff, v3  }
0xc1: {  	[tilespmem:v4+s19+$0x0] =	vst.idx.add.f32.msk $0xffff, v1  }
0xc2: {  	v3 =	vadd.s32 $0x2800, v6;
	v4 =	vld [tilespmem:s31+$0xC0]  }
0xc3: {  	v1 =	vadd.s32 $0x2800, v5;
	v10 =	vld.idx.msk [tilespmem:v10+s2+$0x0], $0xffff  }
0xc4: {  	[tilespmem:v8+s19+$0x0] =	vst.idx.add.f32.msk $0xffff, v11;
	v11 =	vadd.s32 $0x2800, v7  }
0xc5: {  	v14 =	vld [tilespmem:s23+$0xC0]  }
0xc6: {  	[tilespmem:v9+s19+$0x0] =	vst.idx.add.f32.msk $0xffff, v12;
	v12 =	vadd.s32 $0x5000, v2  }
0xc7: {  	v16 =	vadd.s32 $0x2800, v9;
	v3 =	vld.idx.msk [tilespmem:v3+s2+$0x0], $0xffff  }
0xc8: {  	v13 =	vadd.s32 $0x2800, v8;
	v1 =	vld.idx.msk [tilespmem:v1+s2+$0x0], $0xffff  }
0xc9: {  	v15 =	vadd.s32 $0x5000, v5;
	[tilespmem:v11+s19+$0x0] =	vst.idx.add.f32.msk $0xffff, v10  }
0xca: {  	v17 =	vld.idx.msk [tilespmem:v4+s2+$0x0], $0xffff  }
0xcb: {  	v11 =	vadd.s32 $0x2800, v4;
	v10 =	vld.idx.msk [tilespmem:v12+s2+$0x0], $0xffff  }
0xcc: {  	v12 =	vadd.s32 $0x5000, v6;
	[tilespmem:v16+s19+$0x0] =	vst.idx.add.f32.msk $0xffff, v3  }
0xcd: {  	[tilespmem:v13+s19+$0x0] =	vst.idx.add.f32.msk $0xffff, v1;
	v1 =	vadd.s32 $0x5000, v7  }
0xce: {  	v13 =	vld.idx.msk [tilespmem:v15+s2+$0x0], $0xffff;
	v15 =	vadd.s32 $0x5000, v8  }
0xcf: {  	v2 =	vadd.s32 $0x7800, v2;
	[tilespmem:v14+s19+$0x0] =	vst.idx.add.f32.msk $0xffff, v17  }
0xd0: {  	v3 =	vadd.s32 $0x7800, v5;
	v5 =	vld.idx.msk [tilespmem:v11+s2+$0x0], $0xffff  }
0xd1: {  	v11 =	vld.idx.msk [tilespmem:v12+s2+$0x0], $0xffff;
	v12 =	vadd.s32 $0x2800, v14  }
0xd2: {  	[tilespmem:v1+s19+$0x0] =	vst.idx.add.f32.msk $0xffff, v10;
	v10 =	vadd.s32 $0x5000, v9  }
0xd3: {  	v1 =	vadd.s32 $0x5000, v4;
	[tilespmem:v15+s19+$0x0] =	vst.idx.add.f32.msk $0xffff, v13  }
0xd4: {  	v6 =	vadd.s32 $0x7800, v6;
	v2 =	vld.idx.msk [tilespmem:v2+s2+$0x0], $0xffff  }
0xd5: {  	v7 =	vadd.s32 $0x7800, v7;
	v3 =	vld.idx.msk [tilespmem:v3+s2+$0x0], $0xffff  }
0xd6: {  	v8 =	vadd.s32 $0x7800, v8;
	[tilespmem:v12+s19+$0x0] =	vst.idx.add.f32.msk $0xffff, v5  }
0xd7: {  	[tilespmem:v10+s19+$0x0] =	vst.idx.add.f32.msk $0xffff, v11  }
0xd8: {  	v5 =	vadd.s32 $0x5000, v14;
	v1 =	vld.idx.msk [tilespmem:v1+s2+$0x0], $0xffff  }
0xd9: {  	v9 =	vadd.s32 $0x7800, v9;
	v6 =	vld.idx.msk [tilespmem:v6+s2+$0x0], $0xffff  }
0xda: {  	v4 =	vadd.s32 $0x7800, v4;
	[tilespmem:v7+s19+$0x0] =	vst.idx.add.f32.msk $0xffff, v2  }
0xdb: {  	[tilespmem:v8+s19+$0x0] =	vst.idx.add.f32.msk $0xffff, v3  }
0xdc: {  	v2 =	vld [tilespmem:s31+$0xFFFFFF40]  }
0xdd: {  	[tilespmem:v5+s19+$0x0] =	vst.idx.add.f32.msk $0xffff, v1  }
0xde: {  	[tilespmem:v9+s19+$0x0] =	vst.idx.add.f32.msk $0xffff, v6  }
0xdf: {  	v1 =	vld.idx.msk [tilespmem:v4+s2+$0x0], $0xffff  }
0xe0: {  	v3 =	vadd.s32 $0x7800, v14;
	v4 =	vld [tilespmem:s31+$0xFFFFFFC0]  }
0xe1: {  	v5 =	vld [tilespmem:s31+$0x40]  }
0xe2: {  	v7 =	vld [tilespmem:s23+$0xFFFFFFC0]  }
0xe3: {  	v6 =	vld [tilespmem:s23+$0xFFFFFF40]  }
0xe4: {  	v8 =	vld [tilespmem:s23+$0x40]  }
0xe5: {  	[tilespmem:v3+s19+$0x0] =	vst.idx.add.f32.msk $0xffff, v1  }
0xe6: {  	v3 =	vld.idx.msk [tilespmem:v2+s2+$0x0], $0xffff  }
0xe7: {  	v11 =	vadd.s32 $0x2800, v2;
	v1 =	vld [tilespmem:s31+$0xD0]  }
0xe8: {  	v9 =	vld.idx.msk [tilespmem:v4+s2+$0x0], $0xffff  }
0xe9: {  	v10 =	vld.idx.msk [tilespmem:v5+s2+$0x0], $0xffff  }
0xea: {  	v12 =	vld [tilespmem:s23+$0xD0]  }
0xeb: {  	v13 =	vadd.s32 $0x2800, v4;
	[tilespmem:v6+s19+$0x0] =	vst.idx.add.f32.msk $0xffff, v3  }
0xec: {  	v11 =	vld.idx.msk [tilespmem:v11+s2+$0x0], $0xffff  }
0xed: {  	v3 =	vadd.s32 $0x2800, v5;
	[tilespmem:v7+s19+$0x0] =	vst.idx.add.f32.msk $0xffff, v9  }
0xee: {  	[tilespmem:v8+s19+$0x0] =	vst.idx.add.f32.msk $0xffff, v10;
	v10 =	vadd.s32 $0x2800, v6  }
0xef: {  	v14 =	vld.idx.msk [tilespmem:v1+s2+$0x0], $0xffff  }
0xf0: {  	v15 =	vadd.s32 $0x2800, v7;
	v13 =	vld.idx.msk [tilespmem:v13+s2+$0x0], $0xffff  }
0xf1: {  	v17 =	vadd.s32 $0x5000, v2  }
0xf2: {  	v9 =	vadd.s32 $0x2800, v1;
	v3 =	vld.idx.msk [tilespmem:v3+s2+$0x0], $0xffff  }
0xf3: {  	v16 =	vadd.s32 $0x2800, v8;
	[tilespmem:v10+s19+$0x0] =	vst.idx.add.f32.msk $0xffff, v11  }
0xf4: {  	[tilespmem:v12+s19+$0x0] =	vst.idx.add.f32.msk $0xffff, v14  }
0xf5: {  	v11 =	vadd.s32 $0x5000, v4;
	[tilespmem:v15+s19+$0x0] =	vst.idx.add.f32.msk $0xffff, v13  }
0xf6: {  	v13 =	vadd.s32 $0x5000, v5;
	v15 =	vld.idx.msk [tilespmem:v17+s2+$0x0], $0xffff  }
0xf7: {  	v14 =	vadd.s32 $0x2800, v12;
	v9 =	vld.idx.msk [tilespmem:v9+s2+$0x0], $0xffff  }
0xf8: {  	[tilespmem:v16+s19+$0x0] =	vst.idx.add.f32.msk $0xffff, v3;
	v3 =	vadd.s32 $0x5000, v6  }
0xf9: {  	v10 =	vadd.s32 $0x5000, v1  }
0xfa: {  	v2 =	vadd.s32 $0x7800, v2;
	v11 =	vld.idx.msk [tilespmem:v11+s2+$0x0], $0xffff  }
0xfb: {  	v16 =	vadd.s32 $0x5000, v8;
	v13 =	vld.idx.msk [tilespmem:v13+s2+$0x0], $0xffff  }
0xfc: {  	[tilespmem:v14+s19+$0x0] =	vst.idx.add.f32.msk $0xffff, v9;
	v14 =	vadd.s32 $0x5000, v7  }
0xfd: {  	[tilespmem:v3+s19+$0x0] =	vst.idx.add.f32.msk $0xffff, v15;
	v3 =	vadd.s32 $0x7800, v4;
	v4 =	vadd.s32 $0x7800, v5  }
0xfe: {  	v9 =	vld.idx.msk [tilespmem:v10+s2+$0x0], $0xffff;
	v10 =	vadd.s32 $0x5000, v12  }
0xff: {  	v1 =	vadd.s32 $0x7800, v1;
	v2 =	vld.idx.msk [tilespmem:v2+s2+$0x0], $0xffff  }
0x100: {  	[tilespmem:v16+s19+$0x0] =	vst.idx.add.f32.msk $0xffff, v13  }
0x101: {  	v5 =	vadd.s32 $0x7800, v6;
	[tilespmem:v14+s19+$0x0] =	vst.idx.add.f32.msk $0xffff, v11  }
0x102: {  	v4 =	vld.idx.msk [tilespmem:v4+s2+$0x0], $0xffff  }
0x103: {  	v8 =	vadd.s32 $0x7800, v8;
	[tilespmem:v10+s19+$0x0] =	vst.idx.add.f32.msk $0xffff, v9  }
0x104: {  	v6 =	vadd.s32 $0x7800, v12;
	v1 =	vld.idx.msk [tilespmem:v1+s2+$0x0], $0xffff  }
0x105: {  	v3 =	vld.idx.msk [tilespmem:v3+s2+$0x0], $0xffff  }
0x106: {  	v7 =	vadd.s32 $0x7800, v7;
	[tilespmem:v5+s19+$0x0] =	vst.idx.add.f32.msk $0xffff, v2  }
0x107: {  	v2 =	vld [tilespmem:s31+$0xFFFFFF50]  }
0x108: {  	[tilespmem:v8+s19+$0x0] =	vst.idx.add.f32.msk $0xffff, v4  }
0x109: {  	[tilespmem:v6+s19+$0x0] =	vst.idx.add.f32.msk $0xffff, v1  }
0x10a: {  	v1 =	vld [tilespmem:s31+$0xE0]  }
0x10b: {  	[tilespmem:v7+s19+$0x0] =	vst.idx.add.f32.msk $0xffff, v3  }
0x10c: {  	v4 =	vld [tilespmem:s31+$0x50]  }
0x10d: {  	v3 =	vld [tilespmem:s31+$0xFFFFFFD0]  }
0x10e: {  	v6 =	vld [tilespmem:s23+$0xFFFFFF50]  }
0x10f: {  	v5 =	vld [tilespmem:s23+$0xE0]  }
0x110: {  	v11 =	vld [tilespmem:s23+$0x50]  }
0x111: {  	v8 =	vld.idx.msk [tilespmem:v2+s2+$0x0], $0xffff  }
0x112: {  	v7 =	vld.idx.msk [tilespmem:v1+s2+$0x0], $0xffff  }
0x113: {  	v9 =	vld [tilespmem:s23+$0xFFFFFFD0];
	v10 =	vadd.s32 $0x2800, v1  }
0x114: {  	v12 =	vadd.s32 $0x2800, v2;
	v14 =	vld.idx.msk [tilespmem:v4+s2+$0x0], $0xffff  }
0x115: {  	v13 =	vld.idx.msk [tilespmem:v3+s2+$0x0], $0xffff  }
0x116: {  	[tilespmem:v6+s19+$0x0] =	vst.idx.add.f32.msk $0xffff, v8  }
0x117: {  	[tilespmem:v5+s19+$0x0] =	vst.idx.add.f32.msk $0xffff, v7;
	v7 =	vadd.s32 $0x2800, v3  }
0x118: {  	v8 =	vadd.s32 $0x2800, v5;
	v10 =	vld.idx.msk [tilespmem:v10+s2+$0x0], $0xffff  }
0x119: {  	v15 =	vadd.s32 $0x5000, v1;
	v12 =	vld.idx.msk [tilespmem:v12+s2+$0x0], $0xffff  }
0x11a: {  	v16 =	vadd.s32 $0x2800, v4;
	[tilespmem:v11+s19+$0x0] =	vst.idx.add.f32.msk $0xffff, v14  }
0x11b: {  	[tilespmem:v9+s19+$0x0] =	vst.idx.add.f32.msk $0xffff, v13;
	v13 =	vadd.s32 $0x2800, v6  }
0x11c: {  	v14 =	vadd.s32 $0x5000, v2;
	v7 =	vld.idx.msk [tilespmem:v7+s2+$0x0], $0xffff  }
0x11d: {  	v17 =	vadd.s32 $0x2800, v9;
	[tilespmem:v8+s19+$0x0] =	vst.idx.add.f32.msk $0xffff, v10  }
0x11e: {  	v8 =	vadd.s32 $0x5000, v3;
	v10 =	vld.idx.msk [tilespmem:v15+s2+$0x0], $0xffff  }
0x11f: {  	v15 =	vld.idx.msk [tilespmem:v16+s2+$0x0], $0xffff;
	v16 =	vadd.s32 $0x5000, v5  }
0x120: {  	[tilespmem:v13+s19+$0x0] =	vst.idx.add.f32.msk $0xffff, v12;
	v12 =	vadd.s32 $0x2800, v11  }
0x121: {  	v1 =	vadd.s32 $0x7800, v1;
	v13 =	vld.idx.msk [tilespmem:v14+s2+$0x0], $0xffff  }
0x122: {  	v14 =	vadd.s32 $0x5000, v4;
	[tilespmem:v17+s19+$0x0] =	vst.idx.add.f32.msk $0xffff, v7  }
0x123: {  	v7 =	vadd.s32 $0x5000, v6;
	v8 =	vld.idx.msk [tilespmem:v8+s2+$0x0], $0xffff  }
0x124: {  	v2 =	vadd.s32 $0x7800, v2;
	[tilespmem:v16+s19+$0x0] =	vst.idx.add.f32.msk $0xffff, v10  }
0x125: {  	[tilespmem:v12+s19+$0x0] =	vst.idx.add.f32.msk $0xffff, v15;
	v10 =	vadd.s32 $0x5000, v9  }
0x126: {  	v5 =	vadd.s32 $0x7800, v5;
	v1 =	vld.idx.msk [tilespmem:v1+s2+$0x0], $0xffff  }
0x127: {  	v12 =	vld.idx.msk [tilespmem:v14+s2+$0x0], $0xffff;
	v14 =	vadd.s32 $0x5000, v11  }
0x128: {  	v3 =	vadd.s32 $0x7800, v3;
	[tilespmem:v7+s19+$0x0] =	vst.idx.add.f32.msk $0xffff, v13  }
0x129: {  	v2 =	vld.idx.msk [tilespmem:v2+s2+$0x0], $0xffff  }
0x12a: {  	v4 =	vadd.s32 $0x7800, v4;
	[tilespmem:v10+s19+$0x0] =	vst.idx.add.f32.msk $0xffff, v8  }
0x12b: {  	[tilespmem:v5+s19+$0x0] =	vst.idx.add.f32.msk $0xffff, v1;
	v1 =	vadd.s32 $0x7800, v6  }
0x12c: {  	[tilespmem:v14+s19+$0x0] =	vst.idx.add.f32.msk $0xffff, v12  }
0x12d: {  	v3 =	vld.idx.msk [tilespmem:v3+s2+$0x0], $0xffff  }
0x12e: {  	v6 =	vadd.s32 $0x7800, v9;
	v5 =	vld [tilespmem:s31+$0xF0]  }
0x12f: {  	v7 =	vadd.s32 $0x7800, v11;
	v4 =	vld.idx.msk [tilespmem:v4+s2+$0x0], $0xffff  }
0x130: {  	[tilespmem:v1+s19+$0x0] =	vst.idx.add.f32.msk $0xffff, v2  }
0x131: {  	v2 =	vld [tilespmem:s23+$0xF0]  }
0x132: {  	v1 =	vld [tilespmem:s31+$0xFFFFFF60]  }
0x133: {  	[tilespmem:v6+s19+$0x0] =	vst.idx.add.f32.msk $0xffff, v3  }
0x134: {  	[tilespmem:v7+s19+$0x0] =	vst.idx.add.f32.msk $0xffff, v4  }
0x135: {  	v4 =	vld [tilespmem:s31+$0xFFFFFFE0]  }
0x136: {  	v8 =	vld.idx.msk [tilespmem:v5+s2+$0x0], $0xffff  }
0x137: {  	v3 =	vadd.s32 $0x2800, v5;
	v6 =	vld [tilespmem:s31+$0x60]  }
0x138: {  	v7 =	vld [tilespmem:s23+$0xFFFFFF60]  }
0x139: {  	v10 =	vld [tilespmem:s23+$0xFFFFFFE0]  }
0x13a: {  	v9 =	vld.idx.msk [tilespmem:v1+s2+$0x0], $0xffff  }
0x13b: {  	[tilespmem:v2+s19+$0x0] =	vst.idx.add.f32.msk $0xffff, v8  }
0x13c: {  	v8 =	vadd.s32 $0x2800, v2;
	v3 =	vld.idx.msk [tilespmem:v3+s2+$0x0], $0xffff  }
0x13d: {  	v12 =	vld [tilespmem:s23+$0x60];
	v13 =	vadd.s32 $0x2800, v1  }
0x13e: {  	v11 =	vadd.s32 $0x5000, v5;
	v14 =	vld.idx.msk [tilespmem:v4+s2+$0x0], $0xffff  }
0x13f: {  	v15 =	vld.idx.msk [tilespmem:v6+s2+$0x0], $0xffff  }
0x140: {  	[tilespmem:v7+s19+$0x0] =	vst.idx.add.f32.msk $0xffff, v9  }
0x141: {  	[tilespmem:v8+s19+$0x0] =	vst.idx.add.f32.msk $0xffff, v3;
	v3 =	vadd.s32 $0x2800, v4  }
0x142: {  	v16 =	vadd.s32 $0x2800, v7;
	v13 =	vld.idx.msk [tilespmem:v13+s2+$0x0], $0xffff  }
0x143: {  	v9 =	vadd.s32 $0x5000, v2;
	v8 =	vld.idx.msk [tilespmem:v11+s2+$0x0], $0xffff  }
0x144: {  	[tilespmem:v10+s19+$0x0] =	vst.idx.add.f32.msk $0xffff, v14;
	v11 =	vadd.s32 $0x2800, v6  }
0x145: {  	v14 =	vadd.s32 $0x5000, v1;
	[tilespmem:v12+s19+$0x0] =	vst.idx.add.f32.msk $0xffff, v15  }
0x146: {  	v3 =	vld.idx.msk [tilespmem:v3+s2+$0x0], $0xffff  }
0x147: {  	v15 =	vadd.s32 $0x2800, v10;
	[tilespmem:v16+s19+$0x0] =	vst.idx.add.f32.msk $0xffff, v13  }
0x148: {  	v17 =	vadd.s32 $0x5000, v4;
	[tilespmem:v9+s19+$0x0] =	vst.idx.add.f32.msk $0xffff, v8  }
0x149: {  	v8 =	vadd.s32 $0x2800, v12;
	v9 =	vld.idx.msk [tilespmem:v11+s2+$0x0], $0xffff  }
0x14a: {  	v13 =	vadd.s32 $0x5000, v7;
	v14 =	vld.idx.msk [tilespmem:v14+s2+$0x0], $0xffff  }
0x14b: {  	v11 =	vadd.s32 $0x5000, v6  }
0x14c: {  	v1 =	vadd.s32 $0x7800, v1;
	[tilespmem:v15+s19+$0x0] =	vst.idx.add.f32.msk $0xffff, v3  }
0x14d: {  	v15 =	vld.idx.msk [tilespmem:v17+s2+$0x0], $0xffff  }
0x14e: {  	v3 =	vadd.s32 $0x5000, v10;
	[tilespmem:v8+s19+$0x0] =	vst.idx.add.f32.msk $0xffff, v9  }
0x14f: {  	v4 =	vadd.s32 $0x7800, v4;
	[tilespmem:v13+s19+$0x0] =	vst.idx.add.f32.msk $0xffff, v14  }
0x150: {  	v8 =	vadd.s32 $0x5000, v12;
	v9 =	vld.idx.msk [tilespmem:v11+s2+$0x0], $0xffff  }
0x151: {  	v7 =	vadd.s32 $0x7800, v7;
	v1 =	vld.idx.msk [tilespmem:v1+s2+$0x0], $0xffff  }
0x152: {  	v6 =	vadd.s32 $0x7800, v6  }
0x153: {  	[tilespmem:v3+s19+$0x0] =	vst.idx.add.f32.msk $0xffff, v15  }
0x154: {  	v5 =	vadd.s32 $0x7800, v5;
	v4 =	vld.idx.msk [tilespmem:v4+s2+$0x0], $0xffff  }
0x155: {  	[tilespmem:v8+s19+$0x0] =	vst.idx.add.f32.msk $0xffff, v9  }
0x156: {  	v3 =	vadd.s32 $0x7800, v10;
	[tilespmem:v7+s19+$0x0] =	vst.idx.add.f32.msk $0xffff, v1  }
0x157: {  	v6 =	vld.idx.msk [tilespmem:v6+s2+$0x0], $0xffff  }
0x158: {  	v8 =	vadd.s32 $0x7800, v12;
	v1 =	vld [tilespmem:s31+$0xFFFFFF70]  }
0x159: {  	v5 =	vld.idx.msk [tilespmem:v5+s2+$0x0], $0xffff  }
0x15a: {  	v7 =	vld [tilespmem:s23+$0xFFFFFF70]  }
0x15b: {  	[tilespmem:v3+s19+$0x0] =	vst.idx.add.f32.msk $0xffff, v4  }
0x15c: {  	v3 =	vld [tilespmem:s31+$0xFFFFFFF0]  }
0x15d: {  	v2 =	vadd.s32 $0x7800, v2;
	[tilespmem:v8+s19+$0x0] =	vst.idx.add.f32.msk $0xffff, v6  }
0x15e: {  	v4 =	vld [tilespmem:s31+$0x70];
	_ =	sdelay $0x1  }
0x15f: {  	v6 =	vld.idx.msk [tilespmem:v1+s2+$0x0], $0xffff  }
0x160: {  	v14 =	vld [tilespmem:s23+$0xFFFFFFF0]  }
0x161: {  	[tilespmem:v2+s19+$0x0] =	vst.idx.add.f32.msk $0xffff, v5;
	v8 =	vadd.s32 $0x2800, v1  }
0x162: {  	v17 =	vld [tilespmem:s23+$0x70]  }
0x163: {  	v9 =	vld.idx.msk [tilespmem:v3+s2+$0x0], $0xffff  }
0x164: {  	v2 =	vadd.s32 $0x2800, v3;
	[tilespmem:v7+s19+$0x0] =	vst.idx.add.f32.msk $0xffff, v6  }
0x165: {  	v13 =	vld.idx.msk [tilespmem:v4+s2+$0x0], $0xffff  }
0x166: {  	v18 =	vadd.s32 $0x2800, v7;
	v19 =	vld.idx.msk [tilespmem:v8+s2+$0x0], $0xffff  }
0x167: {  	v16 =	vadd.s32 $0x2800, v4  }
0x168: {  	v11 =	vadd.s32 $0x5000, v1;
	v10 =	vadd.s32 $0x5000, v3;
	[tilespmem:v14+s19+$0x0] =	vst.idx.add.f32.msk $0xffff, v9  }
0x169: {  	v5 =	vadd.s32 $0x7800, v3;
	v12 =	vadd.s32 $0x5000, v4;
	v6 =	vadd.s32 $0x7800, v1;
	v15 =	vld.idx.msk [tilespmem:v2+s2+$0x0], $0xffff  }
0x16a: {  	v1 =	vadd.s32 $0x7800, v7;
	v3 =	vadd.s32 $0x7800, v4;
	v8 =	vadd.s32 $0x5000, v14;
	[tilespmem:v17+s19+$0x0] =	vst.idx.add.f32.msk $0xffff, v13  }
0x16b: {  	v4 =	vadd.s32 $0x7800, v17;
	v9 =	vadd.s32 $0x5000, v7;
	v7 =	vadd.s32 $0x5000, v17;
	[tilespmem:v18+s19+$0x0] =	vst.idx.add.f32.msk $0xffff, v19  }
0x16c: {  	s25 =	simm.s32 $0x14300;
	s24 =	simm.s32 $0x0;
	v13 =	vadd.s32 $0x2800, v14;
	v2 =	vadd.s32 $0x7800, v14;
	v14 =	vadd.s32 $0x2800, v17;
	v16 =	vld.idx.msk [tilespmem:v16+s2+$0x0], $0xffff  }
.LBB2_11:
0x16d: {  	v17 =	vld [tilespmem:s25+$0x80];
	s24 =	sadd.s32 $0x4, s24  }
0x16e: {  	v18 =	vld [tilespmem:s25+$0xFFFFFF80];
	p0 =	slt.u32 s24, $0xC  }
0x16f: {  	v19 =	vld [tilespmem:s25+$0x0]  }
0x170: {  	v20 =	vld [tilespmem:s25+$0xFFFFFF00]  }
0x171: {  	[tilespmem:v13+s19+$0x0] =	vst.idx.add.f32.msk $0xffff, v15  }
0x172: {  	s23 =	sadd.s32 $0x200, s23;
	[tilespmem:v14+s19+$0x0] =	vst.idx.add.f32.msk $0xffff, v16  }
0x173: {  	v13 =	vadd.s32 $0x2800, v18;
	v14 =	vadd.s32 $0x5000, v18;
	v15 =	vadd.s32 $0x7800, v18;
	v16 =	vld [tilespmem:s23+$0x80]  }
0x174: {  	v21 =	vld [tilespmem:s23+$0xFFFFFF00];
	v22 =	vadd.s32 $0x2800, v19;
	v23 =	vadd.s32 $0x5000, v19;
	v24 =	vadd.s32 $0x7800, v19  }
0x175: {  	v25 =	vadd.s32 $0x2800, v20;
	v26 =	vadd.s32 $0x5000, v20;
	v27 =	vadd.s32 $0x7800, v20;
	v28 =	vld.idx.msk [tilespmem:v17+s2+$0x0], $0xffff  }
0x176: {  	v18 =	vld.idx.msk [tilespmem:v18+s2+$0x0], $0xffff  }
0x177: {  	v29 =	vadd.s32 $0x2800, v17;
	v19 =	vld.idx.msk [tilespmem:v19+s2+$0x0], $0xffff  }
0x178: {  	v20 =	vld.idx.msk [tilespmem:v20+s2+$0x0], $0xffff  }
0x179: {  	v30 =	vadd.s32 $0x2800, v21;
	v31 =	vadd.s32 $0x5000, v21;
	v32 =	vadd.s32 $0x7800, v21;
	v33 =	vld [tilespmem:s23+$0xFFFFFF80]  }
0x17a: {  	v34 =	vld [tilespmem:s23+$0x0]  }
0x17b: {  	[tilespmem:v16+s19+$0x0] =	vst.idx.add.f32.msk $0xffff, v28  }
0x17c: {  	v28 =	vld.idx.msk [tilespmem:v29+s2+$0x0], $0xffff  }
0x17d: {  	v29 =	vadd.s32 $0x2800, v16;
	v11 =	vld.idx.msk [tilespmem:v11+s2+$0x0], $0xffff  }
0x17e: {  	v35 =	vadd.s32 $0x5000, v17;
	[tilespmem:v21+s19+$0x0] =	vst.idx.add.f32.msk $0xffff, v20;
	v20 =	vadd.s32 $0x2800, v33;
	v21 =	vadd.s32 $0x5000, v33  }
0x17f: {  	v36 =	vadd.s32 $0x7800, v33;
	v25 =	vld.idx.msk [tilespmem:v25+s2+$0x0], $0xffff;
	v37 =	vadd.s32 $0x2800, v34;
	v38 =	vadd.s32 $0x5000, v34  }
0x180: {  	v39 =	vadd.s32 $0x7800, v34;
	v10 =	vld.idx.msk [tilespmem:v10+s2+$0x0], $0xffff  }
0x181: {  	[tilespmem:v33+s19+$0x0] =	vst.idx.add.f32.msk $0xffff, v18  }
0x182: {  	[tilespmem:v29+s19+$0x0] =	vst.idx.add.f32.msk $0xffff, v28  }
0x183: {  	v18 =	vld.idx.msk [tilespmem:v35+s2+$0x0], $0xffff  }
0x184: {  	[tilespmem:v34+s19+$0x0] =	vst.idx.add.f32.msk $0xffff, v19;
	v19 =	vadd.s32 $0x5000, v16  }
0x185: {  	v17 =	vadd.s32 $0x7800, v17;
	v13 =	vld.idx.msk [tilespmem:v13+s2+$0x0], $0xffff  }
0x186: {  	v22 =	vld.idx.msk [tilespmem:v22+s2+$0x0], $0xffff  }
0x187: {  	[tilespmem:v30+s19+$0x0] =	vst.idx.add.f32.msk $0xffff, v25  }
0x188: {  	v25 =	vld.idx.msk [tilespmem:v26+s2+$0x0], $0xffff  }
0x189: {  	[tilespmem:v19+s19+$0x0] =	vst.idx.add.f32.msk $0xffff, v18  }
0x18a: {  	v17 =	vld.idx.msk [tilespmem:v17+s2+$0x0], $0xffff  }
0x18b: {  	[tilespmem:v20+s19+$0x0] =	vst.idx.add.f32.msk $0xffff, v13;
	v13 =	vadd.s32 $0x7800, v16  }
0x18c: {  	[tilespmem:v37+s19+$0x0] =	vst.idx.add.f32.msk $0xffff, v22  }
0x18d: {  	v14 =	vld.idx.msk [tilespmem:v14+s2+$0x0], $0xffff  }
0x18e: {  	v16 =	vld.idx.msk [tilespmem:v23+s2+$0x0], $0xffff  }
0x18f: {  	[tilespmem:v31+s19+$0x0] =	vst.idx.add.f32.msk $0xffff, v25  }
0x190: {  	[tilespmem:v13+s19+$0x0] =	vst.idx.add.f32.msk $0xffff, v17  }
0x191: {  	v13 =	vld [tilespmem:s25+$0x90]  }
0x192: {  	v17 =	vld.idx.msk [tilespmem:v27+s2+$0x0], $0xffff  }
0x193: {  	[tilespmem:v21+s19+$0x0] =	vst.idx.add.f32.msk $0xffff, v14  }
0x194: {  	[tilespmem:v38+s19+$0x0] =	vst.idx.add.f32.msk $0xffff, v16  }
0x195: {  	v14 =	vld.idx.msk [tilespmem:v15+s2+$0x0], $0xffff  }
0x196: {  	v15 =	vld.idx.msk [tilespmem:v24+s2+$0x0], $0xffff  }
0x197: {  	v16 =	vld [tilespmem:s23+$0x90]  }
0x198: {  	[tilespmem:v32+s19+$0x0] =	vst.idx.add.f32.msk $0xffff, v17  }
0x199: {  	v17 =	vld.idx.msk [tilespmem:v13+s2+$0x0], $0xffff  }
0x19a: {  	v18 =	vld [tilespmem:s25+$0xFFFFFF10]  }
0x19b: {  	[tilespmem:v36+s19+$0x0] =	vst.idx.add.f32.msk $0xffff, v14;
	v14 =	vadd.s32 $0x2800, v13  }
0x19c: {  	[tilespmem:v39+s19+$0x0] =	vst.idx.add.f32.msk $0xffff, v15  }
0x19d: {  	v15 =	vld [tilespmem:s25+$0xFFFFFF90]  }
0x19e: {  	v19 =	vld [tilespmem:s25+$0x10]  }
0x19f: {  	v20 =	vadd.s32 $0x2800, v18;
	v21 =	vadd.s32 $0x5000, v18;
	v22 =	vadd.s32 $0x7800, v18;
	[tilespmem:v16+s19+$0x0] =	vst.idx.add.f32.msk $0xffff, v17  }
0x1a0: {  	v14 =	vld.idx.msk [tilespmem:v14+s2+$0x0], $0xffff  }
0x1a1: {  	v23 =	vadd.s32 $0x2800, v16;
	v17 =	vld [tilespmem:s23+$0xFFFFFF10]  }
0x1a2: {  	v26 =	vadd.s32 $0x5000, v13;
	v18 =	vld.idx.msk [tilespmem:v18+s2+$0x0], $0xffff;
	v24 =	vadd.s32 $0x2800, v15;
	v25 =	vadd.s32 $0x5000, v15  }
0x1a3: {  	v28 =	vadd.s32 $0x7800, v15;
	v27 =	vld [tilespmem:s23+$0xFFFFFF90];
	v29 =	vadd.s32 $0x2800, v19;
	v30 =	vadd.s32 $0x5000, v19  }
0x1a4: {  	v32 =	vadd.s32 $0x7800, v19;
	v31 =	vld [tilespmem:s23+$0x10]  }
0x1a5: {  	v15 =	vld.idx.msk [tilespmem:v15+s2+$0x0], $0xffff  }
0x1a6: {  	v33 =	vadd.s32 $0x2800, v17;
	v34 =	vadd.s32 $0x5000, v17;
	v35 =	vadd.s32 $0x7800, v17;
	[tilespmem:v23+s19+$0x0] =	vst.idx.add.f32.msk $0xffff, v14  }
0x1a7: {  	v14 =	vld.idx.msk [tilespmem:v26+s2+$0x0], $0xffff  }
0x1a8: {  	v36 =	vadd.s32 $0x5000, v16;
	v23 =	vadd.s32 $0x2800, v27;
	v26 =	vadd.s32 $0x5000, v27;
	v19 =	vld.idx.msk [tilespmem:v19+s2+$0x0], $0xffff  }
0x1a9: {  	v13 =	vadd.s32 $0x7800, v13;
	[tilespmem:v17+s19+$0x0] =	vst.idx.add.f32.msk $0xffff, v18;
	v17 =	vadd.s32 $0x2800, v31;
	v18 =	vadd.s32 $0x5000, v31  }
0x1aa: {  	v37 =	vadd.s32 $0x7800, v27;
	v38 =	vadd.s32 $0x7800, v31;
	v20 =	vld.idx.msk [tilespmem:v20+s2+$0x0], $0xffff  }
0x1ab: {  	[tilespmem:v27+s19+$0x0] =	vst.idx.add.f32.msk $0xffff, v15  }
0x1ac: {  	v15 =	vld.idx.msk [tilespmem:v24+s2+$0x0], $0xffff  }
0x1ad: {  	[tilespmem:v36+s19+$0x0] =	vst.idx.add.f32.msk $0xffff, v14  }
0x1ae: {  	v13 =	vld.idx.msk [tilespmem:v13+s2+$0x0], $0xffff  }
0x1af: {  	v14 =	vadd.s32 $0x7800, v16;
	[tilespmem:v31+s19+$0x0] =	vst.idx.add.f32.msk $0xffff, v19  }
0x1b0: {  	v16 =	vld.idx.msk [tilespmem:v29+s2+$0x0], $0xffff  }
0x1b1: {  	[tilespmem:v33+s19+$0x0] =	vst.idx.add.f32.msk $0xffff, v20  }
0x1b2: {  	[tilespmem:v23+s19+$0x0] =	vst.idx.add.f32.msk $0xffff, v15  }
0x1b3: {  	v15 =	vld.idx.msk [tilespmem:v21+s2+$0x0], $0xffff  }
0x1b4: {  	[tilespmem:v14+s19+$0x0] =	vst.idx.add.f32.msk $0xffff, v13  }
0x1b5: {  	v13 =	vld [tilespmem:s25+$0xA0]  }
0x1b6: {  	[tilespmem:v17+s19+$0x0] =	vst.idx.add.f32.msk $0xffff, v16  }
0x1b7: {  	v14 =	vld.idx.msk [tilespmem:v25+s2+$0x0], $0xffff  }
0x1b8: {  	v16 =	vld.idx.msk [tilespmem:v30+s2+$0x0], $0xffff  }
0x1b9: {  	[tilespmem:v34+s19+$0x0] =	vst.idx.add.f32.msk $0xffff, v15  }
0x1ba: {  	v15 =	vld.idx.msk [tilespmem:v22+s2+$0x0], $0xffff  }
0x1bb: {  	v17 =	vld [tilespmem:s23+$0xA0]  }
0x1bc: {  	v12 =	vld.idx.msk [tilespmem:v12+s2+$0x0], $0xffff  }
0x1bd: {  	v19 =	vld.idx.msk [tilespmem:v13+s2+$0x0], $0xffff  }
0x1be: {  	[tilespmem:v26+s19+$0x0] =	vst.idx.add.f32.msk $0xffff, v14  }
0x1bf: {  	v14 =	vadd.s32 $0x2800, v13;
	[tilespmem:v18+s19+$0x0] =	vst.idx.add.f32.msk $0xffff, v16  }
0x1c0: {  	v16 =	vld.idx.msk [tilespmem:v28+s2+$0x0], $0xffff  }
0x1c1: {  	v18 =	vld.idx.msk [tilespmem:v32+s2+$0x0], $0xffff  }
0x1c2: {  	[tilespmem:v35+s19+$0x0] =	vst.idx.add.f32.msk $0xffff, v15  }
0x1c3: {  	[tilespmem:v17+s19+$0x0] =	vst.idx.add.f32.msk $0xffff, v19  }
0x1c4: {  	v14 =	vld.idx.msk [tilespmem:v14+s2+$0x0], $0xffff  }
0x1c5: {  	v19 =	vadd.s32 $0x2800, v17;
	v15 =	vld [tilespmem:s25+$0xFFFFFF20]  }
0x1c6: {  	[tilespmem:v37+s19+$0x0] =	vst.idx.add.f32.msk $0xffff, v16;
	v16 =	vadd.s32 $0x5000, v13  }
0x1c7: {  	[tilespmem:v38+s19+$0x0] =	vst.idx.add.f32.msk $0xffff, v18  }
0x1c8: {  	v18 =	vld [tilespmem:s25+$0xFFFFFFA0]  }
0x1c9: {  	v20 =	vld [tilespmem:s25+$0x20]  }
0x1ca: {  	v21 =	vadd.s32 $0x2800, v15;
	v22 =	vadd.s32 $0x5000, v15;
	v23 =	vadd.s32 $0x7800, v15;
	[tilespmem:v19+s19+$0x0] =	vst.idx.add.f32.msk $0xffff, v14  }
0x1cb: {  	v14 =	vld.idx.msk [tilespmem:v16+s2+$0x0], $0xffff  }
0x1cc: {  	v19 =	vadd.s32 $0x5000, v17;
	v16 =	vld [tilespmem:s23+$0xFFFFFF20]  }
0x1cd: {  	v13 =	vadd.s32 $0x7800, v13;
	v15 =	vld.idx.msk [tilespmem:v15+s2+$0x0], $0xffff;
	v24 =	vadd.s32 $0x2800, v18;
	v25 =	vadd.s32 $0x5000, v18  }
0x1ce: {  	v27 =	vadd.s32 $0x7800, v18;
	v26 =	vld [tilespmem:s23+$0xFFFFFFA0];
	v28 =	vadd.s32 $0x2800, v20;
	v29 =	vadd.s32 $0x5000, v20  }
0x1cf: {  	v31 =	vadd.s32 $0x7800, v20;
	v30 =	vld [tilespmem:s23+$0x20]  }
0x1d0: {  	v18 =	vld.idx.msk [tilespmem:v18+s2+$0x0], $0xffff  }
0x1d1: {  	v32 =	vadd.s32 $0x2800, v16;
	v33 =	vadd.s32 $0x5000, v16;
	v34 =	vadd.s32 $0x7800, v16;
	[tilespmem:v19+s19+$0x0] =	vst.idx.add.f32.msk $0xffff, v14  }
0x1d2: {  	v13 =	vld.idx.msk [tilespmem:v13+s2+$0x0], $0xffff  }
0x1d3: {  	v17 =	vadd.s32 $0x7800, v17;
	v14 =	vadd.s32 $0x2800, v26;
	v19 =	vadd.s32 $0x5000, v26;
	v20 =	vld.idx.msk [tilespmem:v20+s2+$0x0], $0xffff  }
0x1d4: {  	[tilespmem:v16+s19+$0x0] =	vst.idx.add.f32.msk $0xffff, v15;
	v15 =	vadd.s32 $0x7800, v26;
	v16 =	vadd.s32 $0x2800, v30;
	v35 =	vadd.s32 $0x5000, v30  }
0x1d5: {  	v36 =	vadd.s32 $0x7800, v30;
	v21 =	vld.idx.msk [tilespmem:v21+s2+$0x0], $0xffff  }
0x1d6: {  	[tilespmem:v26+s19+$0x0] =	vst.idx.add.f32.msk $0xffff, v18  }
0x1d7: {  	v18 =	vld.idx.msk [tilespmem:v24+s2+$0x0], $0xffff  }
0x1d8: {  	[tilespmem:v17+s19+$0x0] =	vst.idx.add.f32.msk $0xffff, v13  }
0x1d9: {  	v13 =	vld [tilespmem:s25+$0xB0]  }
0x1da: {  	[tilespmem:v30+s19+$0x0] =	vst.idx.add.f32.msk $0xffff, v20  }
0x1db: {  	v17 =	vld.idx.msk [tilespmem:v28+s2+$0x0], $0xffff  }
0x1dc: {  	[tilespmem:v32+s19+$0x0] =	vst.idx.add.f32.msk $0xffff, v21  }
0x1dd: {  	[tilespmem:v14+s19+$0x0] =	vst.idx.add.f32.msk $0xffff, v18  }
0x1de: {  	v14 =	vld.idx.msk [tilespmem:v22+s2+$0x0], $0xffff  }
0x1df: {  	v18 =	vld [tilespmem:s23+$0xB0]  }
0x1e0: {  	v20 =	vld.idx.msk [tilespmem:v25+s2+$0x0], $0xffff  }
0x1e1: {  	v21 =	vld.idx.msk [tilespmem:v13+s2+$0x0], $0xffff  }
0x1e2: {  	[tilespmem:v16+s19+$0x0] =	vst.idx.add.f32.msk $0xffff, v17  }
0x1e3: {  	v17 =	vadd.s32 $0x2800, v13;
	v16 =	vld.idx.msk [tilespmem:v29+s2+$0x0], $0xffff  }
0x1e4: {  	[tilespmem:v33+s19+$0x0] =	vst.idx.add.f32.msk $0xffff, v14  }
0x1e5: {  	v14 =	vld.idx.msk [tilespmem:v23+s2+$0x0], $0xffff  }
0x1e6: {  	[tilespmem:v19+s19+$0x0] =	vst.idx.add.f32.msk $0xffff, v20  }
0x1e7: {  	[tilespmem:v18+s19+$0x0] =	vst.idx.add.f32.msk $0xffff, v21  }
0x1e8: {  	v17 =	vld.idx.msk [tilespmem:v17+s2+$0x0], $0xffff  }
0x1e9: {  	[tilespmem:v35+s19+$0x0] =	vst.idx.add.f32.msk $0xffff, v16;
	v16 =	vadd.s32 $0x2800, v18  }
0x1ea: {  	v20 =	vadd.s32 $0x5000, v13;
	v19 =	vld.idx.msk [tilespmem:v27+s2+$0x0], $0xffff  }
0x1eb: {  	v21 =	vld.idx.msk [tilespmem:v31+s2+$0x0], $0xffff  }
0x1ec: {  	[tilespmem:v34+s19+$0x0] =	vst.idx.add.f32.msk $0xffff, v14  }
0x1ed: {  	v14 =	vld [tilespmem:s25+$0xFFFFFF30]  }
0x1ee: {  	[tilespmem:v16+s19+$0x0] =	vst.idx.add.f32.msk $0xffff, v17  }
0x1ef: {  	v16 =	vld.idx.msk [tilespmem:v20+s2+$0x0], $0xffff  }
0x1f0: {  	[tilespmem:v15+s19+$0x0] =	vst.idx.add.f32.msk $0xffff, v19;
	v15 =	vadd.s32 $0x5000, v18  }
0x1f1: {  	v13 =	vadd.s32 $0x7800, v13;
	[tilespmem:v36+s19+$0x0] =	vst.idx.add.f32.msk $0xffff, v21  }
0x1f2: {  	v17 =	vadd.s32 $0x2800, v14;
	v19 =	vadd.s32 $0x5000, v14;
	v20 =	vadd.s32 $0x7800, v14;
	v21 =	vld [tilespmem:s25+$0xFFFFFFB0]  }
0x1f3: {  	v22 =	vld [tilespmem:s25+$0x30]  }
0x1f4: {  	v23 =	vld [tilespmem:s23+$0xFFFFFF30]  }
0x1f5: {  	[tilespmem:v15+s19+$0x0] =	vst.idx.add.f32.msk $0xffff, v16  }
0x1f6: {  	v13 =	vld.idx.msk [tilespmem:v13+s2+$0x0], $0xffff  }
0x1f7: {  	v18 =	vadd.s32 $0x7800, v18;
	v14 =	vld.idx.msk [tilespmem:v14+s2+$0x0], $0xffff;
	v15 =	vadd.s32 $0x2800, v21;
	v16 =	vadd.s32 $0x5000, v21  }
0x1f8: {  	v25 =	vadd.s32 $0x7800, v21;
	v24 =	vld [tilespmem:s23+$0xFFFFFFB0];
	v26 =	vadd.s32 $0x2800, v22;
	v27 =	vadd.s32 $0x5000, v22  }
0x1f9: {  	v31 =	vadd.s32 $0x7800, v22;
	v28 =	vadd.s32 $0x2800, v23;
	v29 =	vadd.s32 $0x5000, v23;
	v30 =	vld [tilespmem:s23+$0x30]  }
0x1fa: {  	v32 =	vadd.s32 $0x7800, v23;
	v21 =	vld.idx.msk [tilespmem:v21+s2+$0x0], $0xffff  }
0x1fb: {  	v22 =	vld.idx.msk [tilespmem:v22+s2+$0x0], $0xffff  }
0x1fc: {  	[tilespmem:v18+s19+$0x0] =	vst.idx.add.f32.msk $0xffff, v13  }
0x1fd: {  	v13 =	vadd.s32 $0x2800, v24;
	v18 =	vadd.s32 $0x5000, v24;
	v33 =	vadd.s32 $0x7800, v24;
	v34 =	vld [tilespmem:s25+$0xC0]  }
0x1fe: {  	[tilespmem:v23+s19+$0x0] =	vst.idx.add.f32.msk $0xffff, v14;
	v14 =	vadd.s32 $0x2800, v30;
	v23 =	vadd.s32 $0x5000, v30;
	v35 =	vadd.s32 $0x7800, v30  }
0x1ff: {  	v17 =	vld.idx.msk [tilespmem:v17+s2+$0x0], $0xffff  }
0x200: {  	[tilespmem:v24+s19+$0x0] =	vst.idx.add.f32.msk $0xffff, v21  }
0x201: {  	[tilespmem:v30+s19+$0x0] =	vst.idx.add.f32.msk $0xffff, v22  }
0x202: {  	v15 =	vld.idx.msk [tilespmem:v15+s2+$0x0], $0xffff  }
0x203: {  	v21 =	vld [tilespmem:s23+$0xC0]  }
0x204: {  	v22 =	vld.idx.msk [tilespmem:v26+s2+$0x0], $0xffff  }
0x205: {  	v24 =	vld.idx.msk [tilespmem:v34+s2+$0x0], $0xffff  }
0x206: {  	[tilespmem:v28+s19+$0x0] =	vst.idx.add.f32.msk $0xffff, v17  }
0x207: {  	v17 =	vld.idx.msk [tilespmem:v19+s2+$0x0], $0xffff;
	v19 =	vadd.s32 $0x2800, v34  }
0x208: {  	[tilespmem:v13+s19+$0x0] =	vst.idx.add.f32.msk $0xffff, v15  }
0x209: {  	v13 =	vld.idx.msk [tilespmem:v16+s2+$0x0], $0xffff  }
0x20a: {  	[tilespmem:v14+s19+$0x0] =	vst.idx.add.f32.msk $0xffff, v22  }
0x20b: {  	[tilespmem:v21+s19+$0x0] =	vst.idx.add.f32.msk $0xffff, v24  }
0x20c: {  	v14 =	vld.idx.msk [tilespmem:v19+s2+$0x0], $0xffff  }
0x20d: {  	v16 =	vadd.s32 $0x2800, v21;
	v15 =	vld.idx.msk [tilespmem:v27+s2+$0x0], $0xffff  }
0x20e: {  	[tilespmem:v29+s19+$0x0] =	vst.idx.add.f32.msk $0xffff, v17;
	v17 =	vadd.s32 $0x5000, v34  }
0x20f: {  	[tilespmem:v18+s19+$0x0] =	vst.idx.add.f32.msk $0xffff, v13  }
0x210: {  	v13 =	vld.idx.msk [tilespmem:v20+s2+$0x0], $0xffff  }
0x211: {  	v18 =	vld.idx.msk [tilespmem:v25+s2+$0x0], $0xffff  }
0x212: {  	[tilespmem:v16+s19+$0x0] =	vst.idx.add.f32.msk $0xffff, v14  }
0x213: {  	v14 =	vld.idx.msk [tilespmem:v17+s2+$0x0], $0xffff  }
0x214: {  	[tilespmem:v23+s19+$0x0] =	vst.idx.add.f32.msk $0xffff, v15;
	v15 =	vadd.s32 $0x5000, v21  }
0x215: {  	v17 =	vadd.s32 $0x7800, v34;
	v16 =	vld.idx.msk [tilespmem:v31+s2+$0x0], $0xffff  }
0x216: {  	[tilespmem:v32+s19+$0x0] =	vst.idx.add.f32.msk $0xffff, v13  }
0x217: {  	[tilespmem:v33+s19+$0x0] =	vst.idx.add.f32.msk $0xffff, v18  }
0x218: {  	v13 =	vld [tilespmem:s25+$0xFFFFFF40]  }
0x219: {  	[tilespmem:v15+s19+$0x0] =	vst.idx.add.f32.msk $0xffff, v14  }
0x21a: {  	v14 =	vld.idx.msk [tilespmem:v17+s2+$0x0], $0xffff  }
0x21b: {  	v15 =	vadd.s32 $0x7800, v21;
	[tilespmem:v35+s19+$0x0] =	vst.idx.add.f32.msk $0xffff, v16  }
0x21c: {  	v16 =	vld [tilespmem:s25+$0xFFFFFFC0]  }
0x21d: {  	v17 =	vadd.s32 $0x2800, v13;
	v18 =	vadd.s32 $0x5000, v13;
	v19 =	vadd.s32 $0x7800, v13;
	v20 =	vld [tilespmem:s25+$0x40]  }
0x21e: {  	v21 =	vld [tilespmem:s23+$0xFFFFFF40]  }
0x21f: {  	v22 =	vld [tilespmem:s23+$0xFFFFFFC0]  }
0x220: {  	[tilespmem:v15+s19+$0x0] =	vst.idx.add.f32.msk $0xffff, v14  }
0x221: {  	v14 =	vadd.s32 $0x2800, v16;
	v15 =	vadd.s32 $0x5000, v16;
	v23 =	vadd.s32 $0x7800, v16;
	v24 =	vld [tilespmem:s25+$0xD0]  }
0x222: {  	v13 =	vld.idx.msk [tilespmem:v13+s2+$0x0], $0xffff;
	v25 =	vadd.s32 $0x2800, v20;
	v26 =	vadd.s32 $0x5000, v20;
	v27 =	vadd.s32 $0x7800, v20  }
0x223: {  	v28 =	vadd.s32 $0x2800, v21;
	v29 =	vadd.s32 $0x5000, v21;
	v30 =	vadd.s32 $0x7800, v21;
	v31 =	vld [tilespmem:s23+$0x40]  }
0x224: {  	v16 =	vld.idx.msk [tilespmem:v16+s2+$0x0], $0xffff;
	v32 =	vadd.s32 $0x2800, v22;
	v33 =	vadd.s32 $0x5000, v22;
	v34 =	vadd.s32 $0x7800, v22  }
0x225: {  	v20 =	vld.idx.msk [tilespmem:v20+s2+$0x0], $0xffff  }
0x226: {  	[tilespmem:v9+s19+$0x0] =	vst.idx.add.f32.msk $0xffff, v11  }
0x227: {  	v9 =	vld [tilespmem:s23+$0xD0]  }
0x228: {  	[tilespmem:v21+s19+$0x0] =	vst.idx.add.f32.msk $0xffff, v13;
	v11 =	vadd.s32 $0x2800, v31;
	v13 =	vadd.s32 $0x5000, v31;
	v21 =	vadd.s32 $0x7800, v31  }
0x229: {  	v35 =	vld.idx.msk [tilespmem:v24+s2+$0x0], $0xffff  }
0x22a: {  	[tilespmem:v22+s19+$0x0] =	vst.idx.add.f32.msk $0xffff, v16  }
0x22b: {  	v16 =	vadd.s32 $0x2800, v24;
	[tilespmem:v31+s19+$0x0] =	vst.idx.add.f32.msk $0xffff, v20  }
0x22c: {  	v17 =	vld.idx.msk [tilespmem:v17+s2+$0x0], $0xffff  }
0x22d: {  	v14 =	vld.idx.msk [tilespmem:v14+s2+$0x0], $0xffff  }
0x22e: {  	v20 =	vld.idx.msk [tilespmem:v25+s2+$0x0], $0xffff  }
0x22f: {  	[tilespmem:v9+s19+$0x0] =	vst.idx.add.f32.msk $0xffff, v35  }
0x230: {  	v16 =	vld.idx.msk [tilespmem:v16+s2+$0x0], $0xffff  }
0x231: {  	v22 =	vadd.s32 $0x2800, v9;
	[tilespmem:v8+s19+$0x0] =	vst.idx.add.f32.msk $0xffff, v10  }
0x232: {  	v8 =	vadd.s32 $0x5000, v24;
	[tilespmem:v28+s19+$0x0] =	vst.idx.add.f32.msk $0xffff, v17  }
0x233: {  	[tilespmem:v32+s19+$0x0] =	vst.idx.add.f32.msk $0xffff, v14  }
0x234: {  	[tilespmem:v11+s19+$0x0] =	vst.idx.add.f32.msk $0xffff, v20  }
0x235: {  	v10 =	vld.idx.msk [tilespmem:v18+s2+$0x0], $0xffff  }
0x236: {  	[tilespmem:v22+s19+$0x0] =	vst.idx.add.f32.msk $0xffff, v16  }
0x237: {  	v8 =	vld.idx.msk [tilespmem:v8+s2+$0x0], $0xffff  }
0x238: {  	v14 =	vadd.s32 $0x5000, v9;
	v11 =	vld.idx.msk [tilespmem:v15+s2+$0x0], $0xffff  }
0x239: {  	v16 =	vadd.s32 $0x7800, v24;
	v15 =	vld.idx.msk [tilespmem:v26+s2+$0x0], $0xffff  }
0x23a: {  	[tilespmem:v7+s19+$0x0] =	vst.idx.add.f32.msk $0xffff, v12  }
0x23b: {  	[tilespmem:v29+s19+$0x0] =	vst.idx.add.f32.msk $0xffff, v10  }
0x23c: {  	v7 =	vld.idx.msk [tilespmem:v19+s2+$0x0], $0xffff  }
0x23d: {  	[tilespmem:v14+s19+$0x0] =	vst.idx.add.f32.msk $0xffff, v8  }
0x23e: {  	v8 =	vld.idx.msk [tilespmem:v16+s2+$0x0], $0xffff  }
0x23f: {  	v9 =	vadd.s32 $0x7800, v9;
	[tilespmem:v33+s19+$0x0] =	vst.idx.add.f32.msk $0xffff, v11  }
0x240: {  	[tilespmem:v13+s19+$0x0] =	vst.idx.add.f32.msk $0xffff, v15  }
0x241: {  	v10 =	vld.idx.msk [tilespmem:v23+s2+$0x0], $0xffff  }
0x242: {  	v11 =	vld.idx.msk [tilespmem:v27+s2+$0x0], $0xffff  }
0x243: {  	[tilespmem:v30+s19+$0x0] =	vst.idx.add.f32.msk $0xffff, v7  }
0x244: {  	[tilespmem:v9+s19+$0x0] =	vst.idx.add.f32.msk $0xffff, v8  }
0x245: {  	v7 =	vld [tilespmem:s25+$0xE0]  }
0x246: {  	v8 =	vld [tilespmem:s25+$0xFFFFFF50]  }
0x247: {  	[tilespmem:v34+s19+$0x0] =	vst.idx.add.f32.msk $0xffff, v10  }
0x248: {  	[tilespmem:v21+s19+$0x0] =	vst.idx.add.f32.msk $0xffff, v11  }
0x249: {  	v9 =	vld [tilespmem:s25+$0xFFFFFFD0]  }
0x24a: {  	v10 =	vld [tilespmem:s25+$0x50]  }
0x24b: {  	v11 =	vadd.s32 $0x2800, v8;
	v12 =	vadd.s32 $0x5000, v8;
	v13 =	vadd.s32 $0x7800, v8;
	v14 =	vld [tilespmem:s23+$0xE0]  }
0x24c: {  	v15 =	vld [tilespmem:s23+$0xFFFFFF50]  }
0x24d: {  	v16 =	vld.idx.msk [tilespmem:v7+s2+$0x0], $0xffff  }
0x24e: {  	v8 =	vld.idx.msk [tilespmem:v8+s2+$0x0], $0xffff;
	v17 =	vadd.s32 $0x2800, v9;
	v18 =	vadd.s32 $0x5000, v9;
	v19 =	vadd.s32 $0x7800, v9  }
0x24f: {  	v23 =	vadd.s32 $0x2800, v7;
	v20 =	vld [tilespmem:s23+$0xFFFFFFD0];
	v21 =	vadd.s32 $0x2800, v10;
	v22 =	vadd.s32 $0x5000, v10  }
0x250: {  	v25 =	vadd.s32 $0x7800, v10;
	v24 =	vld [tilespmem:s23+$0x50]  }
0x251: {  	v26 =	vadd.s32 $0x2800, v15;
	v27 =	vadd.s32 $0x5000, v15;
	v28 =	vadd.s32 $0x7800, v15;
	v9 =	vld.idx.msk [tilespmem:v9+s2+$0x0], $0xffff  }
0x252: {  	v10 =	vld.idx.msk [tilespmem:v10+s2+$0x0], $0xffff  }
0x253: {  	[tilespmem:v14+s19+$0x0] =	vst.idx.add.f32.msk $0xffff, v16  }
0x254: {  	v16 =	vadd.s32 $0x2800, v20;
	v29 =	vadd.s32 $0x5000, v20;
	v30 =	vadd.s32 $0x7800, v20;
	v23 =	vld.idx.msk [tilespmem:v23+s2+$0x0], $0xffff  }
0x255: {  	v31 =	vadd.s32 $0x2800, v14;
	[tilespmem:v15+s19+$0x0] =	vst.idx.add.f32.msk $0xffff, v8;
	v8 =	vadd.s32 $0x2800, v24;
	v15 =	vadd.s32 $0x5000, v24  }
0x256: {  	v33 =	vadd.s32 $0x5000, v7;
	v32 =	vadd.s32 $0x7800, v24;
	v11 =	vld.idx.msk [tilespmem:v11+s2+$0x0], $0xffff  }
0x257: {  	[tilespmem:v20+s19+$0x0] =	vst.idx.add.f32.msk $0xffff, v9  }
0x258: {  	[tilespmem:v24+s19+$0x0] =	vst.idx.add.f32.msk $0xffff, v10  }
0x259: {  	v9 =	vld.idx.msk [tilespmem:v17+s2+$0x0], $0xffff  }
0x25a: {  	[tilespmem:v31+s19+$0x0] =	vst.idx.add.f32.msk $0xffff, v23  }
0x25b: {  	v10 =	vld.idx.msk [tilespmem:v33+s2+$0x0], $0xffff  }
0x25c: {  	v20 =	vadd.s32 $0x5000, v14;
	v17 =	vld.idx.msk [tilespmem:v21+s2+$0x0], $0xffff  }
0x25d: {  	v7 =	vadd.s32 $0x7800, v7;
	[tilespmem:v26+s19+$0x0] =	vst.idx.add.f32.msk $0xffff, v11  }
0x25e: {  	v11 =	vld.idx.msk [tilespmem:v12+s2+$0x0], $0xffff  }
0x25f: {  	[tilespmem:v16+s19+$0x0] =	vst.idx.add.f32.msk $0xffff, v9  }
0x260: {  	v9 =	vld.idx.msk [tilespmem:v18+s2+$0x0], $0xffff  }
0x261: {  	[tilespmem:v20+s19+$0x0] =	vst.idx.add.f32.msk $0xffff, v10  }
0x262: {  	v7 =	vld.idx.msk [tilespmem:v7+s2+$0x0], $0xffff  }
0x263: {  	[tilespmem:v8+s19+$0x0] =	vst.idx.add.f32.msk $0xffff, v17;
	v8 =	vadd.s32 $0x7800, v14  }
0x264: {  	v10 =	vld.idx.msk [tilespmem:v22+s2+$0x0], $0xffff  }
0x265: {  	[tilespmem:v27+s19+$0x0] =	vst.idx.add.f32.msk $0xffff, v11  }
0x266: {  	[tilespmem:v29+s19+$0x0] =	vst.idx.add.f32.msk $0xffff, v9  }
0x267: {  	v9 =	vld.idx.msk [tilespmem:v13+s2+$0x0], $0xffff  }
0x268: {  	[tilespmem:v8+s19+$0x0] =	vst.idx.add.f32.msk $0xffff, v7  }
0x269: {  	v7 =	vld [tilespmem:s25+$0xF0]  }
0x26a: {  	[tilespmem:v15+s19+$0x0] =	vst.idx.add.f32.msk $0xffff, v10  }
0x26b: {  	v8 =	vld.idx.msk [tilespmem:v19+s2+$0x0], $0xffff  }
0x26c: {  	v10 =	vld.idx.msk [tilespmem:v25+s2+$0x0], $0xffff  }
0x26d: {  	[tilespmem:v28+s19+$0x0] =	vst.idx.add.f32.msk $0xffff, v9  }
0x26e: {  	v9 =	vld [tilespmem:s25+$0xFFFFFF60]  }
0x26f: {  	v11 =	vld [tilespmem:s23+$0xF0]  }
0x270: {  	v12 =	vld [tilespmem:s23+$0xFFFFFF60]  }
0x271: {  	v13 =	vld.idx.msk [tilespmem:v7+s2+$0x0], $0xffff  }
0x272: {  	[tilespmem:v30+s19+$0x0] =	vst.idx.add.f32.msk $0xffff, v8  }
0x273: {  	v8 =	vadd.s32 $0x2800, v9;
	v14 =	vadd.s32 $0x5000, v9;
	[tilespmem:v32+s19+$0x0] =	vst.idx.add.f32.msk $0xffff, v10;
	v10 =	vadd.s32 $0x2800, v7  }
0x274: {  	v15 =	vadd.s32 $0x7800, v9;
	v16 =	vld [tilespmem:s25+$0xFFFFFFE0]  }
0x275: {  	v17 =	vadd.s32 $0x2800, v12;
	v18 =	vadd.s32 $0x5000, v12;
	v19 =	vadd.s32 $0x7800, v12;
	v20 =	vld [tilespmem:s25+$0x60]  }
0x276: {  	v9 =	vld.idx.msk [tilespmem:v9+s2+$0x0], $0xffff  }
0x277: {  	[tilespmem:v11+s19+$0x0] =	vst.idx.add.f32.msk $0xffff, v13  }
0x278: {  	v10 =	vld.idx.msk [tilespmem:v10+s2+$0x0], $0xffff  }
0x279: {  	v23 =	vadd.s32 $0x2800, v11;
	v13 =	vld [tilespmem:s23+$0xFFFFFFE0];
	v21 =	vadd.s32 $0x2800, v16;
	v22 =	vadd.s32 $0x5000, v16  }
0x27a: {  	v27 =	vadd.s32 $0x5000, v7;
	v24 =	vld [tilespmem:s23+$0x60];
	v25 =	vadd.s32 $0x2800, v20;
	v26 =	vadd.s32 $0x5000, v20  }
0x27b: {  	v28 =	vadd.s32 $0x7800, v16;
	v29 =	vadd.s32 $0x7800, v20;
	v30 =	vld.idx.msk [tilespmem:v6+s2+$0x0], $0xffff  }
0x27c: {  	v6 =	vld.idx.msk [tilespmem:v16+s2+$0x0], $0xffff  }
0x27d: {  	v16 =	vld.idx.msk [tilespmem:v20+s2+$0x0], $0xffff  }
0x27e: {  	v20 =	vadd.s32 $0x2800, v13;
	v31 =	vadd.s32 $0x5000, v13;
	v32 =	vadd.s32 $0x7800, v13;
	[tilespmem:v23+s19+$0x0] =	vst.idx.add.f32.msk $0xffff, v10  }
0x27f: {  	v10 =	vadd.s32 $0x2800, v24;
	v23 =	vadd.s32 $0x5000, v24;
	v33 =	vadd.s32 $0x7800, v24;
	v27 =	vld.idx.msk [tilespmem:v27+s2+$0x0], $0xffff  }
0x280: {  	[tilespmem:v12+s19+$0x0] =	vst.idx.add.f32.msk $0xffff, v9;
	v9 =	vadd.s32 $0x5000, v11  }
0x281: {  	v7 =	vadd.s32 $0x7800, v7;
	v8 =	vld.idx.msk [tilespmem:v8+s2+$0x0], $0xffff  }
0x282: {  	[tilespmem:v13+s19+$0x0] =	vst.idx.add.f32.msk $0xffff, v6  }
0x283: {  	[tilespmem:v24+s19+$0x0] =	vst.idx.add.f32.msk $0xffff, v16  }
0x284: {  	v6 =	vld.idx.msk [tilespmem:v21+s2+$0x0], $0xffff  }
0x285: {  	[tilespmem:v9+s19+$0x0] =	vst.idx.add.f32.msk $0xffff, v27  }
0x286: {  	v7 =	vld.idx.msk [tilespmem:v7+s2+$0x0], $0xffff  }
0x287: {  	v11 =	vadd.s32 $0x7800, v11;
	v9 =	vld.idx.msk [tilespmem:v25+s2+$0x0], $0xffff  }
0x288: {  	[tilespmem:v17+s19+$0x0] =	vst.idx.add.f32.msk $0xffff, v8  }
0x289: {  	v8 =	vld.idx.msk [tilespmem:v14+s2+$0x0], $0xffff  }
0x28a: {  	[tilespmem:v20+s19+$0x0] =	vst.idx.add.f32.msk $0xffff, v6  }
0x28b: {  	v6 =	vld.idx.msk [tilespmem:v22+s2+$0x0], $0xffff  }
0x28c: {  	[tilespmem:v11+s19+$0x0] =	vst.idx.add.f32.msk $0xffff, v7  }
0x28d: {  	[tilespmem:v10+s19+$0x0] =	vst.idx.add.f32.msk $0xffff, v9  }
0x28e: {  	v7 =	vld.idx.msk [tilespmem:v26+s2+$0x0], $0xffff  }
0x28f: {  	[tilespmem:v18+s19+$0x0] =	vst.idx.add.f32.msk $0xffff, v8  }
0x290: {  	v8 =	vld.idx.msk [tilespmem:v15+s2+$0x0], $0xffff  }
0x291: {  	[tilespmem:v31+s19+$0x0] =	vst.idx.add.f32.msk $0xffff, v6  }
0x292: {  	v6 =	vld.idx.msk [tilespmem:v28+s2+$0x0], $0xffff  }
0x293: {  	v15 =	vld.idx.msk [tilespmem:v5+s2+$0x0], $0xffff  }
0x294: {  	[tilespmem:v23+s19+$0x0] =	vst.idx.add.f32.msk $0xffff, v7  }
0x295: {  	v5 =	vld.idx.msk [tilespmem:v29+s2+$0x0], $0xffff  }
0x296: {  	[tilespmem:v19+s19+$0x0] =	vst.idx.add.f32.msk $0xffff, v8  }
0x297: {  	v7 =	vld [tilespmem:s25+$0xFFFFFF70]  }
0x298: {  	[tilespmem:v32+s19+$0x0] =	vst.idx.add.f32.msk $0xffff, v6  }
0x299: {  	v8 =	vld [tilespmem:s25+$0xFFFFFFF0]  }
0x29a: {  	v16 =	vld [tilespmem:s23+$0xFFFFFF70]  }
0x29b: {  	[tilespmem:v33+s19+$0x0] =	vst.idx.add.f32.msk $0xffff, v5  }
0x29c: {  	v17 =	vadd.s32 $0x2800, v7;
	v11 =	vadd.s32 $0x5000, v7;
	v6 =	vadd.s32 $0x7800, v7;
	v18 =	vld [tilespmem:s25+$0x70]  }
0x29d: {  	v19 =	vld [tilespmem:s23+$0xFFFFFFF0]  }
0x29e: {  	v20 =	vadd.s32 $0x2800, v8;
	v10 =	vadd.s32 $0x5000, v8;
	v5 =	vadd.s32 $0x7800, v8;
	v21 =	vld [tilespmem:s23+$0x70]  }
0x29f: {  	v22 =	vld.idx.msk [tilespmem:v7+s2+$0x0], $0xffff;
	v23 =	vadd.s32 $0x2800, v16;
	v9 =	vadd.s32 $0x5000, v16;
	v7 =	vadd.s32 $0x7800, v16  }
0x2a0: {  	v24 =	vld.idx.msk [tilespmem:v3+s2+$0x0], $0xffff  }
0x2a1: {  	v25 =	vld.idx.msk [tilespmem:v8+s2+$0x0], $0xffff;
	v26 =	vadd.s32 $0x2800, v18;
	v12 =	vadd.s32 $0x5000, v18;
	v3 =	vadd.s32 $0x7800, v18  }
0x2a2: {  	v13 =	vadd.s32 $0x2800, v19;
	v8 =	vadd.s32 $0x5000, v19;
	v27 =	vadd.s32 $0x7800, v19;
	[tilespmem:v1+s19+$0x0] =	vst.idx.add.f32.msk $0xffff, v30;
	v1 =	vmovc v7  }
0x2a3: {  	v14 =	vadd.s32 $0x2800, v21;
	v7 =	vadd.s32 $0x5000, v21;
	v28 =	vadd.s32 $0x7800, v21;
	[tilespmem:v2+s19+$0x0] =	vst.idx.add.f32.msk $0xffff, v15;
	v2 =	vmovc v27  }
0x2a4: {  	v18 =	vld.idx.msk [tilespmem:v18+s2+$0x0], $0xffff  }
0x2a5: {  	[tilespmem:v16+s19+$0x0] =	vst.idx.add.f32.msk $0xffff, v22  }
0x2a6: {  	v17 =	vld.idx.msk [tilespmem:v17+s2+$0x0], $0xffff  }
0x2a7: {  	[tilespmem:v19+s19+$0x0] =	vst.idx.add.f32.msk $0xffff, v25  }
.Ltmp4:
0x2a8: {  	v15 =	vld.idx.msk [tilespmem:v20+s2+$0x0], $0xffff;
	(pc) =	sbr.rel @p0 .LBB2_11-.Ltmp4, $4  }
0x2a9: {  	[tilespmem:v4+s19+$0x0] =	vst.idx.add.f32.msk $0xffff, v24;
	v4 =	vmov v28  }
0x2aa: {  	[tilespmem:v21+s19+$0x0] =	vst.idx.add.f32.msk $0xffff, v18  }
0x2ab: {  	v16 =	vld.idx.msk [tilespmem:v26+s2+$0x0], $0xffff  }
0x2ac: {  	s25 =	sadd.s32 $0x200, s25;
	[tilespmem:v23+s19+$0x0] =	vst.idx.add.f32.msk $0xffff, v17  }
0x2ad: {  	_ =	sdelay $0x3  }
0x2ae: {  	[tilespmem:v13+s19+$0x0] =	vst.idx.add.f32.msk $0xffff, v15  }
0x2af: {  	v11 =	vld.idx.msk [tilespmem:v11+s2+$0x0], $0xffff  }
0x2b0: {  	v10 =	vld.idx.msk [tilespmem:v10+s2+$0x0], $0xffff;
	_ =	sdelay $0x1  }
0x2b1: {  	[tilespmem:v14+s19+$0x0] =	vst.idx.add.f32.msk $0xffff, v16  }
0x2b2: {  	v12 =	vld.idx.msk [tilespmem:v12+s2+$0x0], $0xffff  }
0x2b3: {  	[tilespmem:v9+s19+$0x0] =	vst.idx.add.f32.msk $0xffff, v11  }
0x2b4: {  	[tilespmem:v8+s19+$0x0] =	vst.idx.add.f32.msk $0xffff, v10  }
0x2b5: {  	v6 =	vld.idx.msk [tilespmem:v6+s2+$0x0], $0xffff  }
0x2b6: {  	v5 =	vld.idx.msk [tilespmem:v5+s2+$0x0], $0xffff  }
0x2b7: {  	[tilespmem:v7+s19+$0x0] =	vst.idx.add.f32.msk $0xffff, v12  }
0x2b8: {  	v3 =	vld.idx.msk [tilespmem:v3+s2+$0x0], $0xffff;
	_ =	sdelay $0x2  }
0x2b9: {  	[tilespmem:v1+s19+$0x0] =	vst.idx.add.f32.msk $0xffff, v6  }
0x2ba: {  	[tilespmem:v2+s19+$0x0] =	vst.idx.add.f32.msk $0xffff, v5  }
0x2bb: {  	[tilespmem:v4+s19+$0x0] =	vst.idx.add.f32.msk $0xffff, v3  }
0x2bc: {  	_ =	swait.ge [sflag:s15], $0x800  }
0x2bd: {  	p0 =	seq.s32 s22, $0x27;
	[sflag:s15] =	ssyncset.done $0x0  }
0x2be: {  	s23 =	sshll.u32 @!p0 s22, $0xC;
	[sflag:s15] =	ssyncadd.s32 $0xFFFFF800  }
0x2bf: {  	s23 =	sadd.s32 @!p0 s23, s8;
	_ =	swait.ge [sflag:s16], $0x800  }
0x2c0: {  	s25 =	simm.s32 @!p0 $0x0;
	s23 =	sshrl.u32 @!p0 s23, $0x3;
	[sflag:s16] =	ssyncset.done $0x0  }
0x2c1: {  	s26 =	simm.s32 @!p0 $0x14000;
	s24 =	sadd.s32 @!p0 s3, s23;
	[sflag:s16] =	ssyncadd.s32 $0xFFFFF800  }
0x2c2: {  	[tilespmem:s26], [sflag:$0x1] =	stream.linear.gather @!p0 [hbm4b:s24+s25], $0x800, $0x38;
	[tilespmem:$0x16000] =	vst v63  }
0x2c3: {  	s31 =	simm.s32 $0x149F0;
	s23 =	sadd.s32 @!p0 s4, s23;
	s24 =	simm.s32 @!p0 $0x15000  }
0x2c4: {  	[tilespmem:s24], [sflag:$0x2] =	stream.linear.gather @!p0 [hbm4b:s23+s25], $0x800, $0x38;
	[tilespmem:$0x16000] =	vst v63  }
0x2c5: {  	v1 =	vld [tilespmem:s31+$0xFFFFFF90]  }
0x2c6: {  	v3 =	vld [tilespmem:s31+$0xFFFFFE10];
	_ =	sdelay $0x1  }
0x2c7: {  	v2 =	vld [tilespmem:s31+$0xFFFFFE90]  }
0x2c8: {  	s23 =	simm.s32 $0x159F0;
	v5 =	vld [tilespmem:s31+$0xFFFFFF10]  }
0x2c9: {  	v4 =	vld [tilespmem:s23+$0xFFFFFF90]  }
0x2ca: {  	v6 =	vld [tilespmem:s23+$0xFFFFFE10]  }
0x2cb: {  	v10 =	vld [tilespmem:s23+$0xFFFFFE90]  }
0x2cc: {  	v7 =	vld.idx.msk [tilespmem:v1+s2+$0x0], $0xffff  }
0x2cd: {  	v11 =	vld.idx.msk [tilespmem:v3+s2+$0x0], $0xffff  }
0x2ce: {  	v13 =	vld [tilespmem:s23+$0xFFFFFF10];
	v9 =	vadd.s32 $0x2800, v1  }
0x2cf: {  	v8 =	vld.idx.msk [tilespmem:v2+s2+$0x0], $0xffff  }
0x2d0: {  	v12 =	vadd.s32 $0x2800, v3;
	v14 =	vld.idx.msk [tilespmem:v5+s2+$0x0], $0xffff  }
0x2d1: {  	[tilespmem:v4+s19+$0x0] =	vst.idx.add.f32.msk $0xffff, v7  }
0x2d2: {  	v16 =	vadd.s32 $0x2800, v5;
	[tilespmem:v6+s19+$0x0] =	vst.idx.add.f32.msk $0xffff, v11  }
0x2d3: {  	v7 =	vld.idx.msk [tilespmem:v9+s2+$0x0], $0xffff;
	v9 =	vadd.s32 $0x2800, v4  }
0x2d4: {  	v15 =	vadd.s32 $0x5000, v1;
	[tilespmem:v10+s19+$0x0] =	vst.idx.add.f32.msk $0xffff, v8  }
0x2d5: {  	v8 =	vadd.s32 $0x2800, v6;
	v12 =	vld.idx.msk [tilespmem:v12+s2+$0x0], $0xffff  }
0x2d6: {  	v11 =	vadd.s32 $0x2800, v2;
	[tilespmem:v13+s19+$0x0] =	vst.idx.add.f32.msk $0xffff, v14  }
0x2d7: {  	v17 =	vadd.s32 $0x2800, v13;
	v16 =	vld.idx.msk [tilespmem:v16+s2+$0x0], $0xffff  }
0x2d8: {  	[tilespmem:v9+s19+$0x0] =	vst.idx.add.f32.msk $0xffff, v7;
	v7 =	vadd.s32 $0x5000, v3  }
0x2d9: {  	v14 =	vadd.s32 $0x5000, v4;
	v9 =	vld.idx.msk [tilespmem:v15+s2+$0x0], $0xffff  }
0x2da: {  	[tilespmem:v8+s19+$0x0] =	vst.idx.add.f32.msk $0xffff, v12;
	v12 =	vadd.s32 $0x5000, v5  }
0x2db: {  	v1 =	vadd.s32 $0x7800, v1;
	v11 =	vld.idx.msk [tilespmem:v11+s2+$0x0], $0xffff  }
0x2dc: {  	[tilespmem:v17+s19+$0x0] =	vst.idx.add.f32.msk $0xffff, v16;
	v15 =	vadd.s32 $0x2800, v10  }
0x2dd: {  	v8 =	vadd.s32 $0x5000, v2;
	v7 =	vld.idx.msk [tilespmem:v7+s2+$0x0], $0xffff  }
0x2de: {  	[tilespmem:v14+s19+$0x0] =	vst.idx.add.f32.msk $0xffff, v9;
	v9 =	vadd.s32 $0x5000, v6  }
0x2df: {  	v12 =	vld.idx.msk [tilespmem:v12+s2+$0x0], $0xffff;
	v14 =	vadd.s32 $0x5000, v13  }
0x2e0: {  	v4 =	vadd.s32 $0x7800, v4;
	v1 =	vld.idx.msk [tilespmem:v1+s2+$0x0], $0xffff  }
0x2e1: {  	[tilespmem:v15+s19+$0x0] =	vst.idx.add.f32.msk $0xffff, v11  }
0x2e2: {  	v3 =	vadd.s32 $0x7800, v3;
	v8 =	vld.idx.msk [tilespmem:v8+s2+$0x0], $0xffff  }
0x2e3: {  	v11 =	vadd.s32 $0x5000, v10;
	[tilespmem:v9+s19+$0x0] =	vst.idx.add.f32.msk $0xffff, v7  }
0x2e4: {  	v2 =	vadd.s32 $0x7800, v2;
	[tilespmem:v14+s19+$0x0] =	vst.idx.add.f32.msk $0xffff, v12  }
0x2e5: {  	[tilespmem:v4+s19+$0x0] =	vst.idx.add.f32.msk $0xffff, v1  }
0x2e6: {  	v1 =	vadd.s32 $0x7800, v5;
	v4 =	vld [tilespmem:s31+$0xFFFFFFA0]  }
0x2e7: {  	v3 =	vld.idx.msk [tilespmem:v3+s2+$0x0], $0xffff;
	v5 =	vadd.s32 $0x7800, v6  }
0x2e8: {  	[tilespmem:v11+s19+$0x0] =	vst.idx.add.f32.msk $0xffff, v8  }
0x2e9: {  	v2 =	vld.idx.msk [tilespmem:v2+s2+$0x0], $0xffff  }
0x2ea: {  	v6 =	vadd.s32 $0x7800, v10;
	v8 =	vld [tilespmem:s23+$0xFFFFFFA0]  }
0x2eb: {  	v7 =	vadd.s32 $0x7800, v13;
	v1 =	vld.idx.msk [tilespmem:v1+s2+$0x0], $0xffff  }
0x2ec: {  	[tilespmem:v5+s19+$0x0] =	vst.idx.add.f32.msk $0xffff, v3  }
0x2ed: {  	v5 =	vld [tilespmem:s31+$0xFFFFFE20]  }
0x2ee: {  	v3 =	vld.idx.msk [tilespmem:v4+s2+$0x0], $0xffff  }
0x2ef: {  	[tilespmem:v6+s19+$0x0] =	vst.idx.add.f32.msk $0xffff, v2  }
0x2f0: {  	v2 =	vadd.s32 $0x2800, v4;
	[tilespmem:v7+s19+$0x0] =	vst.idx.add.f32.msk $0xffff, v1  }
0x2f1: {  	v1 =	vld [tilespmem:s31+$0xFFFFFEA0]  }
0x2f2: {  	v6 =	vld [tilespmem:s31+$0xFFFFFF20]  }
0x2f3: {  	[tilespmem:v8+s19+$0x0] =	vst.idx.add.f32.msk $0xffff, v3  }
0x2f4: {  	v3 =	vld [tilespmem:s23+$0xFFFFFE20]  }
0x2f5: {  	v7 =	vadd.s32 $0x2800, v8;
	v2 =	vld.idx.msk [tilespmem:v2+s2+$0x0], $0xffff  }
0x2f6: {  	v10 =	vadd.s32 $0x5000, v4;
	v11 =	vld [tilespmem:s23+$0xFFFFFEA0]  }
0x2f7: {  	v12 =	vld [tilespmem:s23+$0xFFFFFF20]  }
0x2f8: {  	v9 =	vld.idx.msk [tilespmem:v5+s2+$0x0], $0xffff  }
0x2f9: {  	v13 =	vadd.s32 $0x2800, v5;
	v14 =	vld.idx.msk [tilespmem:v1+s2+$0x0], $0xffff  }
0x2fa: {  	[tilespmem:v7+s19+$0x0] =	vst.idx.add.f32.msk $0xffff, v2  }
0x2fb: {  	v2 =	vadd.s32 $0x2800, v1;
	v7 =	vld.idx.msk [tilespmem:v10+s2+$0x0], $0xffff  }
0x2fc: {  	v15 =	vadd.s32 $0x5000, v8;
	v10 =	vld.idx.msk [tilespmem:v6+s2+$0x0], $0xffff  }
0x2fd: {  	[tilespmem:v3+s19+$0x0] =	vst.idx.add.f32.msk $0xffff, v9  }
0x2fe: {  	v4 =	vadd.s32 $0x7800, v4;
	v9 =	vld.idx.msk [tilespmem:v13+s2+$0x0], $0xffff  }
0x2ff: {  	v13 =	vadd.s32 $0x2800, v6;
	[tilespmem:v11+s19+$0x0] =	vst.idx.add.f32.msk $0xffff, v14  }
0x300: {  	v14 =	vadd.s32 $0x2800, v3;
	v2 =	vld.idx.msk [tilespmem:v2+s2+$0x0], $0xffff  }
0x301: {  	v16 =	vadd.s32 $0x5000, v5;
	[tilespmem:v15+s19+$0x0] =	vst.idx.add.f32.msk $0xffff, v7  }
0x302: {  	v7 =	vadd.s32 $0x7800, v8;
	[tilespmem:v12+s19+$0x0] =	vst.idx.add.f32.msk $0xffff, v10;
	v8 =	vadd.s32 $0x2800, v11  }
0x303: {  	v4 =	vld.idx.msk [tilespmem:v4+s2+$0x0], $0xffff  }
0x304: {  	v10 =	vld.idx.msk [tilespmem:v13+s2+$0x0], $0xffff  }
0x305: {  	v13 =	vadd.s32 $0x2800, v12;
	[tilespmem:v14+s19+$0x0] =	vst.idx.add.f32.msk $0xffff, v9  }
0x306: {  	v9 =	vadd.s32 $0x5000, v1;
	v14 =	vld.idx.msk [tilespmem:v16+s2+$0x0], $0xffff  }
0x307: {  	v15 =	vadd.s32 $0x5000, v6;
	[tilespmem:v8+s19+$0x0] =	vst.idx.add.f32.msk $0xffff, v2  }
0x308: {  	[tilespmem:v7+s19+$0x0] =	vst.idx.add.f32.msk $0xffff, v4;
	v4 =	vadd.s32 $0x5000, v3  }
0x309: {  	v7 =	vld [tilespmem:s31+$0xFFFFFFB0]  }
0x30a: {  	v2 =	vadd.s32 $0x7800, v5;
	[tilespmem:v13+s19+$0x0] =	vst.idx.add.f32.msk $0xffff, v10  }
0x30b: {  	v8 =	vadd.s32 $0x5000, v11;
	v5 =	vld.idx.msk [tilespmem:v9+s2+$0x0], $0xffff  }
0x30c: {  	v10 =	vadd.s32 $0x5000, v12;
	v9 =	vld.idx.msk [tilespmem:v15+s2+$0x0], $0xffff  }
0x30d: {  	v1 =	vadd.s32 $0x7800, v1;
	[tilespmem:v4+s19+$0x0] =	vst.idx.add.f32.msk $0xffff, v14  }
0x30e: {  	v6 =	vadd.s32 $0x7800, v6;
	v4 =	vld [tilespmem:s23+$0xFFFFFFB0]  }
0x30f: {  	v2 =	vld.idx.msk [tilespmem:v2+s2+$0x0], $0xffff  }
0x310: {  	[tilespmem:v8+s19+$0x0] =	vst.idx.add.f32.msk $0xffff, v5  }
0x311: {  	v3 =	vadd.s32 $0x7800, v3;
	[tilespmem:v10+s19+$0x0] =	vst.idx.add.f32.msk $0xffff, v9  }
0x312: {  	v8 =	vadd.s32 $0x7800, v11;
	v1 =	vld.idx.msk [tilespmem:v1+s2+$0x0], $0xffff  }
0x313: {  	v9 =	vadd.s32 $0x7800, v12;
	v6 =	vld.idx.msk [tilespmem:v6+s2+$0x0], $0xffff;
	_ =	sdelay $0x1  }
0x314: {  	v13 =	vld.idx.msk [tilespmem:v7+s2+$0x0], $0xffff  }
0x315: {  	v5 =	vadd.s32 $0x2800, v7;
	[tilespmem:v3+s19+$0x0] =	vst.idx.add.f32.msk $0xffff, v2  }
0x316: {  	[tilespmem:v8+s19+$0x0] =	vst.idx.add.f32.msk $0xffff, v1  }
0x317: {  	[tilespmem:v9+s19+$0x0] =	vst.idx.add.f32.msk $0xffff, v6  }
0x318: {  	v6 =	vld [tilespmem:s31+$0xFFFFFEB0]  }
0x319: {  	[tilespmem:v4+s19+$0x0] =	vst.idx.add.f32.msk $0xffff, v13  }
0x31a: {  	v2 =	vld.idx.msk [tilespmem:v5+s2+$0x0], $0xffff;
	v5 =	vadd.s32 $0x2800, v4;
	_ =	sdelay $0x1  }
0x31b: {  	v3 =	vld [tilespmem:s31+$0xFFFFFE30];
	v1 =	vadd.s32 $0x5000, v7  }
0x31c: {  	v10 =	vld [tilespmem:s23+$0xFFFFFEB0]  }
0x31d: {  	v8 =	vld [tilespmem:s31+$0xFFFFFF30]  }
0x31e: {  	[tilespmem:v5+s19+$0x0] =	vst.idx.add.f32.msk $0xffff, v2  }
0x31f: {  	v2 =	vld [tilespmem:s23+$0xFFFFFE30]  }
0x320: {  	v5 =	vadd.s32 $0x5000, v4;
	v1 =	vld.idx.msk [tilespmem:v1+s2+$0x0], $0xffff  }
0x321: {  	v13 =	vld.idx.msk [tilespmem:v6+s2+$0x0], $0xffff  }
0x322: {  	v7 =	vadd.s32 $0x7800, v7  }
0x323: {  	v11 =	vld [tilespmem:s23+$0xFFFFFF30]  }
0x324: {  	v9 =	vld.idx.msk [tilespmem:v3+s2+$0x0], $0xffff  }
0x325: {  	v12 =	vadd.s32 $0x2800, v3;
	[tilespmem:v5+s19+$0x0] =	vst.idx.add.f32.msk $0xffff, v1  }
0x326: {  	v1 =	vadd.s32 $0x2800, v6;
	[tilespmem:v10+s19+$0x0] =	vst.idx.add.f32.msk $0xffff, v13  }
0x327: {  	v4 =	vadd.s32 $0x7800, v4;
	v5 =	vld.idx.msk [tilespmem:v7+s2+$0x0], $0xffff  }
0x328: {  	v7 =	vld.idx.msk [tilespmem:v8+s2+$0x0], $0xffff  }
0x329: {  	[tilespmem:v2+s19+$0x0] =	vst.idx.add.f32.msk $0xffff, v9  }
0x32a: {  	v9 =	vld.idx.msk [tilespmem:v12+s2+$0x0], $0xffff;
	v12 =	vadd.s32 $0x2800, v8  }
0x32b: {  	v13 =	vadd.s32 $0x2800, v2;
	v1 =	vld.idx.msk [tilespmem:v1+s2+$0x0], $0xffff  }
0x32c: {  	v14 =	vadd.s32 $0x2800, v10;
	[tilespmem:v4+s19+$0x0] =	vst.idx.add.f32.msk $0xffff, v5  }
0x32d: {  	[tilespmem:v11+s19+$0x0] =	vst.idx.add.f32.msk $0xffff, v7  }
0x32e: {  	v4 =	vadd.s32 $0x5000, v3;
	v5 =	vld [tilespmem:s31+$0xFFFFFFC0]  }
0x32f: {  	v7 =	vadd.s32 $0x5000, v6;
	v12 =	vld.idx.msk [tilespmem:v12+s2+$0x0], $0xffff  }
0x330: {  	[tilespmem:v13+s19+$0x0] =	vst.idx.add.f32.msk $0xffff, v9;
	v9 =	vadd.s32 $0x2800, v11  }
0x331: {  	[tilespmem:v14+s19+$0x0] =	vst.idx.add.f32.msk $0xffff, v1  }
0x332: {  	v1 =	vadd.s32 $0x5000, v8;
	v14 =	vld [tilespmem:s23+$0xFFFFFFC0]  }
0x333: {  	v13 =	vadd.s32 $0x5000, v2;
	v4 =	vld.idx.msk [tilespmem:v4+s2+$0x0], $0xffff  }
0x334: {  	v15 =	vadd.s32 $0x5000, v10;
	v7 =	vld.idx.msk [tilespmem:v7+s2+$0x0], $0xffff  }
0x335: {  	v3 =	vadd.s32 $0x7800, v3;
	[tilespmem:v9+s19+$0x0] =	vst.idx.add.f32.msk $0xffff, v12  }
0x336: {  	v16 =	vld.idx.msk [tilespmem:v5+s2+$0x0], $0xffff  }
0x337: {  	v12 =	vadd.s32 $0x5000, v11;
	v1 =	vld.idx.msk [tilespmem:v1+s2+$0x0], $0xffff  }
0x338: {  	v9 =	vadd.s32 $0x2800, v5;
	[tilespmem:v13+s19+$0x0] =	vst.idx.add.f32.msk $0xffff, v4  }
0x339: {  	v4 =	vadd.s32 $0x7800, v6;
	[tilespmem:v15+s19+$0x0] =	vst.idx.add.f32.msk $0xffff, v7  }
0x33a: {  	v6 =	vadd.s32 $0x7800, v8;
	v3 =	vld.idx.msk [tilespmem:v3+s2+$0x0], $0xffff  }
0x33b: {  	v2 =	vadd.s32 $0x7800, v2;
	[tilespmem:v14+s19+$0x0] =	vst.idx.add.f32.msk $0xffff, v16  }
0x33c: {  	[tilespmem:v12+s19+$0x0] =	vst.idx.add.f32.msk $0xffff, v1  }
0x33d: {  	v1 =	vadd.s32 $0x2800, v14;
	v7 =	vld.idx.msk [tilespmem:v9+s2+$0x0], $0xffff  }
0x33e: {  	v4 =	vld.idx.msk [tilespmem:v4+s2+$0x0], $0xffff;
	v9 =	vadd.s32 $0x7800, v10  }
0x33f: {  	v6 =	vld.idx.msk [tilespmem:v6+s2+$0x0], $0xffff;
	v10 =	vadd.s32 $0x7800, v11  }
0x340: {  	v8 =	vadd.s32 $0x5000, v5;
	[tilespmem:v2+s19+$0x0] =	vst.idx.add.f32.msk $0xffff, v3  }
0x341: {  	v2 =	vld [tilespmem:s31+$0xFFFFFE40]  }
0x342: {  	[tilespmem:v1+s19+$0x0] =	vst.idx.add.f32.msk $0xffff, v7  }
0x343: {  	[tilespmem:v9+s19+$0x0] =	vst.idx.add.f32.msk $0xffff, v4  }
0x344: {  	[tilespmem:v10+s19+$0x0] =	vst.idx.add.f32.msk $0xffff, v6  }
0x345: {  	v3 =	vadd.s32 $0x5000, v14;
	v1 =	vld.idx.msk [tilespmem:v8+s2+$0x0], $0xffff  }
0x346: {  	v4 =	vadd.s32 $0x7800, v5;
	v5 =	vld [tilespmem:s31+$0xFFFFFEC0]  }
0x347: {  	v6 =	vld [tilespmem:s31+$0xFFFFFF40]  }
0x348: {  	v7 =	vld [tilespmem:s23+$0xFFFFFE40]  }
0x349: {  	v8 =	vld [tilespmem:s23+$0xFFFFFEC0]  }
0x34a: {  	[tilespmem:v3+s19+$0x0] =	vst.idx.add.f32.msk $0xffff, v1  }
0x34b: {  	v3 =	vld.idx.msk [tilespmem:v2+s2+$0x0], $0xffff  }
0x34c: {  	v1 =	vld.idx.msk [tilespmem:v4+s2+$0x0], $0xffff;
	v4 =	vadd.s32 $0x7800, v14  }
0x34d: {  	v9 =	vld [tilespmem:s23+$0xFFFFFF40]  }
0x34e: {  	v10 =	vadd.s32 $0x2800, v2;
	v11 =	vld.idx.msk [tilespmem:v5+s2+$0x0], $0xffff  }
0x34f: {  	v12 =	vld.idx.msk [tilespmem:v6+s2+$0x0], $0xffff  }
0x350: {  	[tilespmem:v7+s19+$0x0] =	vst.idx.add.f32.msk $0xffff, v3  }
0x351: {  	[tilespmem:v4+s19+$0x0] =	vst.idx.add.f32.msk $0xffff, v1  }
0x352: {  	v3 =	vadd.s32 $0x2800, v6;
	v4 =	vld [tilespmem:s31+$0xFFFFFFD0]  }
0x353: {  	v1 =	vadd.s32 $0x2800, v5;
	v10 =	vld.idx.msk [tilespmem:v10+s2+$0x0], $0xffff  }
0x354: {  	[tilespmem:v8+s19+$0x0] =	vst.idx.add.f32.msk $0xffff, v11;
	v11 =	vadd.s32 $0x2800, v7  }
0x355: {  	v14 =	vld [tilespmem:s23+$0xFFFFFFD0]  }
0x356: {  	[tilespmem:v9+s19+$0x0] =	vst.idx.add.f32.msk $0xffff, v12;
	v12 =	vadd.s32 $0x5000, v2  }
0x357: {  	v16 =	vadd.s32 $0x2800, v9;
	v3 =	vld.idx.msk [tilespmem:v3+s2+$0x0], $0xffff  }
0x358: {  	v13 =	vadd.s32 $0x2800, v8;
	v1 =	vld.idx.msk [tilespmem:v1+s2+$0x0], $0xffff  }
0x359: {  	v15 =	vadd.s32 $0x5000, v5;
	[tilespmem:v11+s19+$0x0] =	vst.idx.add.f32.msk $0xffff, v10  }
0x35a: {  	v17 =	vld.idx.msk [tilespmem:v4+s2+$0x0], $0xffff  }
0x35b: {  	v11 =	vadd.s32 $0x2800, v4;
	v10 =	vld.idx.msk [tilespmem:v12+s2+$0x0], $0xffff  }
0x35c: {  	v12 =	vadd.s32 $0x5000, v6;
	[tilespmem:v16+s19+$0x0] =	vst.idx.add.f32.msk $0xffff, v3  }
0x35d: {  	[tilespmem:v13+s19+$0x0] =	vst.idx.add.f32.msk $0xffff, v1;
	v1 =	vadd.s32 $0x5000, v7  }
0x35e: {  	v13 =	vld.idx.msk [tilespmem:v15+s2+$0x0], $0xffff;
	v15 =	vadd.s32 $0x5000, v8  }
0x35f: {  	v2 =	vadd.s32 $0x7800, v2;
	[tilespmem:v14+s19+$0x0] =	vst.idx.add.f32.msk $0xffff, v17  }
0x360: {  	v3 =	vadd.s32 $0x7800, v5;
	v5 =	vld.idx.msk [tilespmem:v11+s2+$0x0], $0xffff  }
0x361: {  	v11 =	vld.idx.msk [tilespmem:v12+s2+$0x0], $0xffff;
	v12 =	vadd.s32 $0x2800, v14  }
0x362: {  	[tilespmem:v1+s19+$0x0] =	vst.idx.add.f32.msk $0xffff, v10;
	v10 =	vadd.s32 $0x5000, v9  }
0x363: {  	v1 =	vadd.s32 $0x5000, v4;
	[tilespmem:v15+s19+$0x0] =	vst.idx.add.f32.msk $0xffff, v13  }
0x364: {  	v6 =	vadd.s32 $0x7800, v6;
	v2 =	vld.idx.msk [tilespmem:v2+s2+$0x0], $0xffff  }
0x365: {  	v7 =	vadd.s32 $0x7800, v7;
	v3 =	vld.idx.msk [tilespmem:v3+s2+$0x0], $0xffff  }
0x366: {  	v8 =	vadd.s32 $0x7800, v8;
	[tilespmem:v12+s19+$0x0] =	vst.idx.add.f32.msk $0xffff, v5  }
0x367: {  	[tilespmem:v10+s19+$0x0] =	vst.idx.add.f32.msk $0xffff, v11  }
0x368: {  	v5 =	vadd.s32 $0x5000, v14;
	v1 =	vld.idx.msk [tilespmem:v1+s2+$0x0], $0xffff  }
0x369: {  	v9 =	vadd.s32 $0x7800, v9;
	v6 =	vld.idx.msk [tilespmem:v6+s2+$0x0], $0xffff  }
0x36a: {  	v4 =	vadd.s32 $0x7800, v4;
	[tilespmem:v7+s19+$0x0] =	vst.idx.add.f32.msk $0xffff, v2  }
0x36b: {  	[tilespmem:v8+s19+$0x0] =	vst.idx.add.f32.msk $0xffff, v3  }
0x36c: {  	v2 =	vld [tilespmem:s31+$0xFFFFFE50]  }
0x36d: {  	[tilespmem:v5+s19+$0x0] =	vst.idx.add.f32.msk $0xffff, v1  }
0x36e: {  	[tilespmem:v9+s19+$0x0] =	vst.idx.add.f32.msk $0xffff, v6  }
0x36f: {  	v1 =	vld.idx.msk [tilespmem:v4+s2+$0x0], $0xffff  }
0x370: {  	v3 =	vadd.s32 $0x7800, v14;
	v4 =	vld [tilespmem:s31+$0xFFFFFED0]  }
0x371: {  	v5 =	vld [tilespmem:s31+$0xFFFFFF50]  }
0x372: {  	v7 =	vld [tilespmem:s23+$0xFFFFFED0]  }
0x373: {  	v6 =	vld [tilespmem:s23+$0xFFFFFE50]  }
0x374: {  	v8 =	vld [tilespmem:s23+$0xFFFFFF50]  }
0x375: {  	[tilespmem:v3+s19+$0x0] =	vst.idx.add.f32.msk $0xffff, v1  }
0x376: {  	v3 =	vld.idx.msk [tilespmem:v2+s2+$0x0], $0xffff  }
0x377: {  	v11 =	vadd.s32 $0x2800, v2;
	v1 =	vld [tilespmem:s31+$0xFFFFFFE0]  }
0x378: {  	v9 =	vld.idx.msk [tilespmem:v4+s2+$0x0], $0xffff  }
0x379: {  	v10 =	vld.idx.msk [tilespmem:v5+s2+$0x0], $0xffff  }
0x37a: {  	v12 =	vld [tilespmem:s23+$0xFFFFFFE0]  }
0x37b: {  	v13 =	vadd.s32 $0x2800, v4;
	[tilespmem:v6+s19+$0x0] =	vst.idx.add.f32.msk $0xffff, v3  }
0x37c: {  	v11 =	vld.idx.msk [tilespmem:v11+s2+$0x0], $0xffff  }
0x37d: {  	v3 =	vadd.s32 $0x2800, v5;
	[tilespmem:v7+s19+$0x0] =	vst.idx.add.f32.msk $0xffff, v9  }
0x37e: {  	[tilespmem:v8+s19+$0x0] =	vst.idx.add.f32.msk $0xffff, v10;
	v10 =	vadd.s32 $0x2800, v6  }
0x37f: {  	v14 =	vld.idx.msk [tilespmem:v1+s2+$0x0], $0xffff  }
0x380: {  	v15 =	vadd.s32 $0x2800, v7;
	v13 =	vld.idx.msk [tilespmem:v13+s2+$0x0], $0xffff  }
0x381: {  	v17 =	vadd.s32 $0x5000, v2  }
0x382: {  	v9 =	vadd.s32 $0x2800, v1;
	v3 =	vld.idx.msk [tilespmem:v3+s2+$0x0], $0xffff  }
0x383: {  	v16 =	vadd.s32 $0x2800, v8;
	[tilespmem:v10+s19+$0x0] =	vst.idx.add.f32.msk $0xffff, v11  }
0x384: {  	[tilespmem:v12+s19+$0x0] =	vst.idx.add.f32.msk $0xffff, v14  }
0x385: {  	v11 =	vadd.s32 $0x5000, v4;
	[tilespmem:v15+s19+$0x0] =	vst.idx.add.f32.msk $0xffff, v13  }
0x386: {  	v13 =	vadd.s32 $0x5000, v5;
	v15 =	vld.idx.msk [tilespmem:v17+s2+$0x0], $0xffff  }
0x387: {  	v14 =	vadd.s32 $0x2800, v12;
	v9 =	vld.idx.msk [tilespmem:v9+s2+$0x0], $0xffff  }
0x388: {  	[tilespmem:v16+s19+$0x0] =	vst.idx.add.f32.msk $0xffff, v3;
	v3 =	vadd.s32 $0x5000, v6  }
0x389: {  	v10 =	vadd.s32 $0x5000, v1  }
0x38a: {  	v2 =	vadd.s32 $0x7800, v2;
	v11 =	vld.idx.msk [tilespmem:v11+s2+$0x0], $0xffff  }
0x38b: {  	v16 =	vadd.s32 $0x5000, v8;
	v13 =	vld.idx.msk [tilespmem:v13+s2+$0x0], $0xffff  }
0x38c: {  	[tilespmem:v14+s19+$0x0] =	vst.idx.add.f32.msk $0xffff, v9;
	v14 =	vadd.s32 $0x5000, v7  }
0x38d: {  	[tilespmem:v3+s19+$0x0] =	vst.idx.add.f32.msk $0xffff, v15;
	v3 =	vadd.s32 $0x7800, v4;
	v4 =	vadd.s32 $0x7800, v5  }
0x38e: {  	v9 =	vld.idx.msk [tilespmem:v10+s2+$0x0], $0xffff;
	v10 =	vadd.s32 $0x5000, v12  }
0x38f: {  	v1 =	vadd.s32 $0x7800, v1;
	v2 =	vld.idx.msk [tilespmem:v2+s2+$0x0], $0xffff  }
0x390: {  	[tilespmem:v16+s19+$0x0] =	vst.idx.add.f32.msk $0xffff, v13  }
0x391: {  	v5 =	vadd.s32 $0x7800, v6;
	[tilespmem:v14+s19+$0x0] =	vst.idx.add.f32.msk $0xffff, v11  }
0x392: {  	v4 =	vld.idx.msk [tilespmem:v4+s2+$0x0], $0xffff  }
0x393: {  	v8 =	vadd.s32 $0x7800, v8;
	[tilespmem:v10+s19+$0x0] =	vst.idx.add.f32.msk $0xffff, v9  }
0x394: {  	v6 =	vadd.s32 $0x7800, v12;
	v1 =	vld.idx.msk [tilespmem:v1+s2+$0x0], $0xffff  }
0x395: {  	v3 =	vld.idx.msk [tilespmem:v3+s2+$0x0], $0xffff  }
0x396: {  	v7 =	vadd.s32 $0x7800, v7;
	[tilespmem:v5+s19+$0x0] =	vst.idx.add.f32.msk $0xffff, v2  }
0x397: {  	v2 =	vld [tilespmem:s31+$0xFFFFFE60]  }
0x398: {  	[tilespmem:v8+s19+$0x0] =	vst.idx.add.f32.msk $0xffff, v4  }
0x399: {  	[tilespmem:v6+s19+$0x0] =	vst.idx.add.f32.msk $0xffff, v1  }
0x39a: {  	v1 =	vld [tilespmem:s31+$0xFFFFFFF0]  }
0x39b: {  	[tilespmem:v7+s19+$0x0] =	vst.idx.add.f32.msk $0xffff, v3  }
0x39c: {  	v4 =	vld [tilespmem:s31+$0xFFFFFF60]  }
0x39d: {  	v3 =	vld [tilespmem:s31+$0xFFFFFEE0]  }
0x39e: {  	v6 =	vld [tilespmem:s23+$0xFFFFFE60]  }
0x39f: {  	v5 =	vld [tilespmem:s23+$0xFFFFFFF0]  }
0x3a0: {  	v11 =	vld [tilespmem:s23+$0xFFFFFF60]  }
0x3a1: {  	v8 =	vld.idx.msk [tilespmem:v2+s2+$0x0], $0xffff  }
0x3a2: {  	v7 =	vld.idx.msk [tilespmem:v1+s2+$0x0], $0xffff  }
0x3a3: {  	v9 =	vld [tilespmem:s23+$0xFFFFFEE0];
	v10 =	vadd.s32 $0x2800, v1  }
0x3a4: {  	v12 =	vadd.s32 $0x2800, v2;
	v14 =	vld.idx.msk [tilespmem:v4+s2+$0x0], $0xffff  }
0x3a5: {  	v13 =	vld.idx.msk [tilespmem:v3+s2+$0x0], $0xffff  }
0x3a6: {  	[tilespmem:v6+s19+$0x0] =	vst.idx.add.f32.msk $0xffff, v8  }
0x3a7: {  	[tilespmem:v5+s19+$0x0] =	vst.idx.add.f32.msk $0xffff, v7;
	v7 =	vadd.s32 $0x2800, v3  }
0x3a8: {  	v8 =	vadd.s32 $0x2800, v5;
	v10 =	vld.idx.msk [tilespmem:v10+s2+$0x0], $0xffff  }
0x3a9: {  	v15 =	vadd.s32 $0x5000, v1;
	v12 =	vld.idx.msk [tilespmem:v12+s2+$0x0], $0xffff  }
0x3aa: {  	v16 =	vadd.s32 $0x2800, v4;
	[tilespmem:v11+s19+$0x0] =	vst.idx.add.f32.msk $0xffff, v14  }
0x3ab: {  	[tilespmem:v9+s19+$0x0] =	vst.idx.add.f32.msk $0xffff, v13;
	v13 =	vadd.s32 $0x2800, v6  }
0x3ac: {  	v14 =	vadd.s32 $0x5000, v2;
	v7 =	vld.idx.msk [tilespmem:v7+s2+$0x0], $0xffff  }
0x3ad: {  	v17 =	vadd.s32 $0x2800, v9;
	[tilespmem:v8+s19+$0x0] =	vst.idx.add.f32.msk $0xffff, v10  }
0x3ae: {  	v8 =	vadd.s32 $0x5000, v3;
	v10 =	vld.idx.msk [tilespmem:v15+s2+$0x0], $0xffff  }
0x3af: {  	v15 =	vld.idx.msk [tilespmem:v16+s2+$0x0], $0xffff;
	v16 =	vadd.s32 $0x5000, v5  }
0x3b0: {  	[tilespmem:v13+s19+$0x0] =	vst.idx.add.f32.msk $0xffff, v12;
	v12 =	vadd.s32 $0x2800, v11  }
0x3b1: {  	v1 =	vadd.s32 $0x7800, v1;
	v13 =	vld.idx.msk [tilespmem:v14+s2+$0x0], $0xffff  }
0x3b2: {  	v14 =	vadd.s32 $0x5000, v4;
	[tilespmem:v17+s19+$0x0] =	vst.idx.add.f32.msk $0xffff, v7  }
0x3b3: {  	v7 =	vadd.s32 $0x5000, v6;
	v8 =	vld.idx.msk [tilespmem:v8+s2+$0x0], $0xffff  }
0x3b4: {  	v2 =	vadd.s32 $0x7800, v2;
	[tilespmem:v16+s19+$0x0] =	vst.idx.add.f32.msk $0xffff, v10  }
0x3b5: {  	[tilespmem:v12+s19+$0x0] =	vst.idx.add.f32.msk $0xffff, v15;
	v10 =	vadd.s32 $0x5000, v9  }
0x3b6: {  	v5 =	vadd.s32 $0x7800, v5;
	v1 =	vld.idx.msk [tilespmem:v1+s2+$0x0], $0xffff  }
0x3b7: {  	v12 =	vld.idx.msk [tilespmem:v14+s2+$0x0], $0xffff;
	v14 =	vadd.s32 $0x5000, v11  }
0x3b8: {  	v3 =	vadd.s32 $0x7800, v3;
	[tilespmem:v7+s19+$0x0] =	vst.idx.add.f32.msk $0xffff, v13  }
0x3b9: {  	v2 =	vld.idx.msk [tilespmem:v2+s2+$0x0], $0xffff  }
0x3ba: {  	v4 =	vadd.s32 $0x7800, v4;
	[tilespmem:v10+s19+$0x0] =	vst.idx.add.f32.msk $0xffff, v8  }
0x3bb: {  	[tilespmem:v5+s19+$0x0] =	vst.idx.add.f32.msk $0xffff, v1;
	v1 =	vadd.s32 $0x7800, v6  }
0x3bc: {  	[tilespmem:v14+s19+$0x0] =	vst.idx.add.f32.msk $0xffff, v12  }
0x3bd: {  	v3 =	vld.idx.msk [tilespmem:v3+s2+$0x0], $0xffff  }
0x3be: {  	v6 =	vadd.s32 $0x7800, v9;
	v5 =	vld [tilespmem:s31+$0x0]  }
0x3bf: {  	v7 =	vadd.s32 $0x7800, v11;
	v4 =	vld.idx.msk [tilespmem:v4+s2+$0x0], $0xffff  }
0x3c0: {  	[tilespmem:v1+s19+$0x0] =	vst.idx.add.f32.msk $0xffff, v2  }
0x3c1: {  	v2 =	vld [tilespmem:s23+$0x0]  }
0x3c2: {  	v1 =	vld [tilespmem:s31+$0xFFFFFE70]  }
0x3c3: {  	[tilespmem:v6+s19+$0x0] =	vst.idx.add.f32.msk $0xffff, v3  }
0x3c4: {  	[tilespmem:v7+s19+$0x0] =	vst.idx.add.f32.msk $0xffff, v4  }
0x3c5: {  	v4 =	vld [tilespmem:s31+$0xFFFFFEF0]  }
0x3c6: {  	v8 =	vld.idx.msk [tilespmem:v5+s2+$0x0], $0xffff  }
0x3c7: {  	v3 =	vadd.s32 $0x2800, v5;
	v6 =	vld [tilespmem:s31+$0xFFFFFF70]  }
0x3c8: {  	v7 =	vld [tilespmem:s23+$0xFFFFFE70]  }
0x3c9: {  	v10 =	vld [tilespmem:s23+$0xFFFFFEF0]  }
0x3ca: {  	v9 =	vld.idx.msk [tilespmem:v1+s2+$0x0], $0xffff  }
0x3cb: {  	[tilespmem:v2+s19+$0x0] =	vst.idx.add.f32.msk $0xffff, v8  }
0x3cc: {  	v8 =	vadd.s32 $0x2800, v2;
	v3 =	vld.idx.msk [tilespmem:v3+s2+$0x0], $0xffff  }
0x3cd: {  	v12 =	vld [tilespmem:s23+$0xFFFFFF70];
	v13 =	vadd.s32 $0x2800, v1  }
0x3ce: {  	v11 =	vadd.s32 $0x5000, v5;
	v14 =	vld.idx.msk [tilespmem:v4+s2+$0x0], $0xffff  }
0x3cf: {  	v15 =	vld.idx.msk [tilespmem:v6+s2+$0x0], $0xffff  }
0x3d0: {  	[tilespmem:v7+s19+$0x0] =	vst.idx.add.f32.msk $0xffff, v9  }
0x3d1: {  	[tilespmem:v8+s19+$0x0] =	vst.idx.add.f32.msk $0xffff, v3;
	v3 =	vadd.s32 $0x2800, v4  }
0x3d2: {  	v16 =	vadd.s32 $0x2800, v7;
	v13 =	vld.idx.msk [tilespmem:v13+s2+$0x0], $0xffff  }
0x3d3: {  	v9 =	vadd.s32 $0x5000, v2;
	v8 =	vld.idx.msk [tilespmem:v11+s2+$0x0], $0xffff  }
0x3d4: {  	[tilespmem:v10+s19+$0x0] =	vst.idx.add.f32.msk $0xffff, v14;
	v11 =	vadd.s32 $0x2800, v6  }
0x3d5: {  	v14 =	vadd.s32 $0x5000, v1;
	[tilespmem:v12+s19+$0x0] =	vst.idx.add.f32.msk $0xffff, v15  }
0x3d6: {  	v3 =	vld.idx.msk [tilespmem:v3+s2+$0x0], $0xffff  }
0x3d7: {  	v15 =	vadd.s32 $0x2800, v10;
	[tilespmem:v16+s19+$0x0] =	vst.idx.add.f32.msk $0xffff, v13  }
0x3d8: {  	v17 =	vadd.s32 $0x5000, v4;
	[tilespmem:v9+s19+$0x0] =	vst.idx.add.f32.msk $0xffff, v8  }
0x3d9: {  	v8 =	vadd.s32 $0x2800, v12;
	v9 =	vld.idx.msk [tilespmem:v11+s2+$0x0], $0xffff  }
0x3da: {  	v13 =	vadd.s32 $0x5000, v7;
	v14 =	vld.idx.msk [tilespmem:v14+s2+$0x0], $0xffff  }
0x3db: {  	v11 =	vadd.s32 $0x5000, v6  }
0x3dc: {  	v1 =	vadd.s32 $0x7800, v1;
	[tilespmem:v15+s19+$0x0] =	vst.idx.add.f32.msk $0xffff, v3  }
0x3dd: {  	v15 =	vld.idx.msk [tilespmem:v17+s2+$0x0], $0xffff  }
0x3de: {  	v3 =	vadd.s32 $0x5000, v10;
	[tilespmem:v8+s19+$0x0] =	vst.idx.add.f32.msk $0xffff, v9  }
0x3df: {  	v4 =	vadd.s32 $0x7800, v4;
	[tilespmem:v13+s19+$0x0] =	vst.idx.add.f32.msk $0xffff, v14  }
0x3e0: {  	v8 =	vadd.s32 $0x5000, v12;
	v9 =	vld.idx.msk [tilespmem:v11+s2+$0x0], $0xffff  }
0x3e1: {  	v7 =	vadd.s32 $0x7800, v7;
	v1 =	vld.idx.msk [tilespmem:v1+s2+$0x0], $0xffff  }
0x3e2: {  	v6 =	vadd.s32 $0x7800, v6  }
0x3e3: {  	[tilespmem:v3+s19+$0x0] =	vst.idx.add.f32.msk $0xffff, v15  }
0x3e4: {  	v5 =	vadd.s32 $0x7800, v5;
	v4 =	vld.idx.msk [tilespmem:v4+s2+$0x0], $0xffff  }
0x3e5: {  	[tilespmem:v8+s19+$0x0] =	vst.idx.add.f32.msk $0xffff, v9  }
0x3e6: {  	v3 =	vadd.s32 $0x7800, v10;
	[tilespmem:v7+s19+$0x0] =	vst.idx.add.f32.msk $0xffff, v1  }
0x3e7: {  	v6 =	vld.idx.msk [tilespmem:v6+s2+$0x0], $0xffff  }
0x3e8: {  	v8 =	vadd.s32 $0x7800, v12;
	v1 =	vld [tilespmem:s31+$0xFFFFFE80]  }
0x3e9: {  	v5 =	vld.idx.msk [tilespmem:v5+s2+$0x0], $0xffff  }
0x3ea: {  	v7 =	vld [tilespmem:s23+$0xFFFFFE80]  }
0x3eb: {  	[tilespmem:v3+s19+$0x0] =	vst.idx.add.f32.msk $0xffff, v4  }
0x3ec: {  	v3 =	vld [tilespmem:s31+$0xFFFFFF00]  }
0x3ed: {  	v2 =	vadd.s32 $0x7800, v2;
	[tilespmem:v8+s19+$0x0] =	vst.idx.add.f32.msk $0xffff, v6  }
0x3ee: {  	v4 =	vld [tilespmem:s31+$0xFFFFFF80];
	_ =	sdelay $0x1  }
0x3ef: {  	v6 =	vld.idx.msk [tilespmem:v1+s2+$0x0], $0xffff  }
0x3f0: {  	v14 =	vld [tilespmem:s23+$0xFFFFFF00]  }
0x3f1: {  	[tilespmem:v2+s19+$0x0] =	vst.idx.add.f32.msk $0xffff, v5;
	v8 =	vadd.s32 $0x2800, v1  }
0x3f2: {  	v17 =	vld [tilespmem:s23+$0xFFFFFF80]  }
0x3f3: {  	v9 =	vld.idx.msk [tilespmem:v3+s2+$0x0], $0xffff  }
0x3f4: {  	v2 =	vadd.s32 $0x2800, v3;
	[tilespmem:v7+s19+$0x0] =	vst.idx.add.f32.msk $0xffff, v6  }
0x3f5: {  	v13 =	vld.idx.msk [tilespmem:v4+s2+$0x0], $0xffff  }
0x3f6: {  	v18 =	vadd.s32 $0x2800, v7;
	v19 =	vld.idx.msk [tilespmem:v8+s2+$0x0], $0xffff  }
0x3f7: {  	v16 =	vadd.s32 $0x2800, v4  }
0x3f8: {  	v11 =	vadd.s32 $0x5000, v1;
	v10 =	vadd.s32 $0x5000, v3;
	[tilespmem:v14+s19+$0x0] =	vst.idx.add.f32.msk $0xffff, v9  }
0x3f9: {  	v5 =	vadd.s32 $0x7800, v3;
	v12 =	vadd.s32 $0x5000, v4;
	v6 =	vadd.s32 $0x7800, v1;
	v15 =	vld.idx.msk [tilespmem:v2+s2+$0x0], $0xffff  }
0x3fa: {  	v1 =	vadd.s32 $0x7800, v7;
	v3 =	vadd.s32 $0x7800, v17;
	v4 =	vadd.s32 $0x7800, v4;
	[tilespmem:v17+s19+$0x0] =	vst.idx.add.f32.msk $0xffff, v13  }
0x3fb: {  	v8 =	vadd.s32 $0x5000, v14;
	v9 =	vadd.s32 $0x5000, v7;
	v7 =	vadd.s32 $0x5000, v17;
	[tilespmem:v18+s19+$0x0] =	vst.idx.add.f32.msk $0xffff, v19  }
0x3fc: {  	s24 =	simm.s32 $0x0;
	s25 =	simm.s32 $0x14BF0;
	v13 =	vadd.s32 $0x2800, v14;
	v2 =	vadd.s32 $0x7800, v14;
	v14 =	vadd.s32 $0x2800, v17;
	v16 =	vld.idx.msk [tilespmem:v16+s2+$0x0], $0xffff  }
.LBB2_13:
0x3fd: {  	v17 =	vld [tilespmem:s25+$0xFFFFFF90];
	s24 =	sadd.s32 $0x4, s24  }
0x3fe: {  	v18 =	vld [tilespmem:s25+$0xFFFFFE90];
	p0 =	slt.u32 s24, $0xC  }
0x3ff: {  	v19 =	vld [tilespmem:s25+$0xFFFFFF10]  }
0x400: {  	v20 =	vld [tilespmem:s25+$0xFFFFFE10]  }
0x401: {  	[tilespmem:v13+s19+$0x0] =	vst.idx.add.f32.msk $0xffff, v15  }
0x402: {  	s23 =	sadd.s32 $0x200, s23;
	[tilespmem:v14+s19+$0x0] =	vst.idx.add.f32.msk $0xffff, v16  }
0x403: {  	v13 =	vadd.s32 $0x2800, v18;
	v14 =	vadd.s32 $0x5000, v18;
	v15 =	vadd.s32 $0x7800, v18;
	v16 =	vld [tilespmem:s23+$0xFFFFFF90]  }
0x404: {  	v21 =	vld [tilespmem:s23+$0xFFFFFE10];
	v22 =	vadd.s32 $0x2800, v19;
	v23 =	vadd.s32 $0x5000, v19;
	v24 =	vadd.s32 $0x7800, v19  }
0x405: {  	v25 =	vadd.s32 $0x2800, v20;
	v26 =	vadd.s32 $0x5000, v20;
	v27 =	vadd.s32 $0x7800, v20;
	v28 =	vld.idx.msk [tilespmem:v17+s2+$0x0], $0xffff  }
0x406: {  	v18 =	vld.idx.msk [tilespmem:v18+s2+$0x0], $0xffff  }
0x407: {  	v29 =	vadd.s32 $0x2800, v17;
	v19 =	vld.idx.msk [tilespmem:v19+s2+$0x0], $0xffff  }
0x408: {  	v20 =	vld.idx.msk [tilespmem:v20+s2+$0x0], $0xffff  }
0x409: {  	v30 =	vadd.s32 $0x2800, v21;
	v31 =	vadd.s32 $0x5000, v21;
	v32 =	vadd.s32 $0x7800, v21;
	v33 =	vld [tilespmem:s23+$0xFFFFFE90]  }
0x40a: {  	v34 =	vld [tilespmem:s23+$0xFFFFFF10]  }
0x40b: {  	[tilespmem:v16+s19+$0x0] =	vst.idx.add.f32.msk $0xffff, v28  }
0x40c: {  	v28 =	vld.idx.msk [tilespmem:v29+s2+$0x0], $0xffff  }
0x40d: {  	v29 =	vadd.s32 $0x2800, v16;
	v11 =	vld.idx.msk [tilespmem:v11+s2+$0x0], $0xffff  }
0x40e: {  	v35 =	vadd.s32 $0x5000, v17;
	[tilespmem:v21+s19+$0x0] =	vst.idx.add.f32.msk $0xffff, v20;
	v20 =	vadd.s32 $0x2800, v33;
	v21 =	vadd.s32 $0x5000, v33  }
0x40f: {  	v36 =	vadd.s32 $0x7800, v33;
	v25 =	vld.idx.msk [tilespmem:v25+s2+$0x0], $0xffff;
	v37 =	vadd.s32 $0x2800, v34;
	v38 =	vadd.s32 $0x5000, v34  }
0x410: {  	v39 =	vadd.s32 $0x7800, v34;
	v10 =	vld.idx.msk [tilespmem:v10+s2+$0x0], $0xffff  }
0x411: {  	[tilespmem:v33+s19+$0x0] =	vst.idx.add.f32.msk $0xffff, v18  }
0x412: {  	[tilespmem:v29+s19+$0x0] =	vst.idx.add.f32.msk $0xffff, v28  }
0x413: {  	v18 =	vld.idx.msk [tilespmem:v35+s2+$0x0], $0xffff  }
0x414: {  	[tilespmem:v34+s19+$0x0] =	vst.idx.add.f32.msk $0xffff, v19;
	v19 =	vadd.s32 $0x5000, v16  }
0x415: {  	v17 =	vadd.s32 $0x7800, v17;
	v13 =	vld.idx.msk [tilespmem:v13+s2+$0x0], $0xffff  }
0x416: {  	v22 =	vld.idx.msk [tilespmem:v22+s2+$0x0], $0xffff  }
0x417: {  	[tilespmem:v30+s19+$0x0] =	vst.idx.add.f32.msk $0xffff, v25  }
0x418: {  	v25 =	vld.idx.msk [tilespmem:v26+s2+$0x0], $0xffff  }
0x419: {  	[tilespmem:v19+s19+$0x0] =	vst.idx.add.f32.msk $0xffff, v18  }
0x41a: {  	v17 =	vld.idx.msk [tilespmem:v17+s2+$0x0], $0xffff  }
0x41b: {  	[tilespmem:v20+s19+$0x0] =	vst.idx.add.f32.msk $0xffff, v13;
	v13 =	vadd.s32 $0x7800, v16  }
0x41c: {  	[tilespmem:v37+s19+$0x0] =	vst.idx.add.f32.msk $0xffff, v22  }
0x41d: {  	v14 =	vld.idx.msk [tilespmem:v14+s2+$0x0], $0xffff  }
0x41e: {  	v16 =	vld.idx.msk [tilespmem:v23+s2+$0x0], $0xffff  }
0x41f: {  	[tilespmem:v31+s19+$0x0] =	vst.idx.add.f32.msk $0xffff, v25  }
0x420: {  	[tilespmem:v13+s19+$0x0] =	vst.idx.add.f32.msk $0xffff, v17  }
0x421: {  	v13 =	vld [tilespmem:s25+$0xFFFFFFA0]  }
0x422: {  	v17 =	vld.idx.msk [tilespmem:v27+s2+$0x0], $0xffff  }
0x423: {  	[tilespmem:v21+s19+$0x0] =	vst.idx.add.f32.msk $0xffff, v14  }
0x424: {  	[tilespmem:v38+s19+$0x0] =	vst.idx.add.f32.msk $0xffff, v16  }
0x425: {  	v14 =	vld.idx.msk [tilespmem:v15+s2+$0x0], $0xffff  }
0x426: {  	v15 =	vld.idx.msk [tilespmem:v24+s2+$0x0], $0xffff  }
0x427: {  	v16 =	vld [tilespmem:s23+$0xFFFFFFA0]  }
0x428: {  	[tilespmem:v32+s19+$0x0] =	vst.idx.add.f32.msk $0xffff, v17  }
0x429: {  	v17 =	vld.idx.msk [tilespmem:v13+s2+$0x0], $0xffff  }
0x42a: {  	v18 =	vld [tilespmem:s25+$0xFFFFFE20]  }
0x42b: {  	[tilespmem:v36+s19+$0x0] =	vst.idx.add.f32.msk $0xffff, v14;
	v14 =	vadd.s32 $0x2800, v13  }
0x42c: {  	[tilespmem:v39+s19+$0x0] =	vst.idx.add.f32.msk $0xffff, v15  }
0x42d: {  	v15 =	vld [tilespmem:s25+$0xFFFFFEA0]  }
0x42e: {  	v19 =	vld [tilespmem:s25+$0xFFFFFF20]  }
0x42f: {  	v20 =	vadd.s32 $0x2800, v18;
	v21 =	vadd.s32 $0x5000, v18;
	v22 =	vadd.s32 $0x7800, v18;
	[tilespmem:v16+s19+$0x0] =	vst.idx.add.f32.msk $0xffff, v17  }
0x430: {  	v14 =	vld.idx.msk [tilespmem:v14+s2+$0x0], $0xffff  }
0x431: {  	v23 =	vadd.s32 $0x2800, v16;
	v17 =	vld [tilespmem:s23+$0xFFFFFE20]  }
0x432: {  	v26 =	vadd.s32 $0x5000, v13;
	v18 =	vld.idx.msk [tilespmem:v18+s2+$0x0], $0xffff;
	v24 =	vadd.s32 $0x2800, v15;
	v25 =	vadd.s32 $0x5000, v15  }
0x433: {  	v28 =	vadd.s32 $0x7800, v15;
	v27 =	vld [tilespmem:s23+$0xFFFFFEA0];
	v29 =	vadd.s32 $0x2800, v19;
	v30 =	vadd.s32 $0x5000, v19  }
0x434: {  	v32 =	vadd.s32 $0x7800, v19;
	v31 =	vld [tilespmem:s23+$0xFFFFFF20]  }
0x435: {  	v15 =	vld.idx.msk [tilespmem:v15+s2+$0x0], $0xffff  }
0x436: {  	v33 =	vadd.s32 $0x2800, v17;
	v34 =	vadd.s32 $0x5000, v17;
	v35 =	vadd.s32 $0x7800, v17;
	[tilespmem:v23+s19+$0x0] =	vst.idx.add.f32.msk $0xffff, v14  }
0x437: {  	v14 =	vld.idx.msk [tilespmem:v26+s2+$0x0], $0xffff  }
0x438: {  	v36 =	vadd.s32 $0x5000, v16;
	v23 =	vadd.s32 $0x2800, v27;
	v26 =	vadd.s32 $0x5000, v27;
	v19 =	vld.idx.msk [tilespmem:v19+s2+$0x0], $0xffff  }
0x439: {  	v13 =	vadd.s32 $0x7800, v13;
	[tilespmem:v17+s19+$0x0] =	vst.idx.add.f32.msk $0xffff, v18;
	v17 =	vadd.s32 $0x2800, v31;
	v18 =	vadd.s32 $0x5000, v31  }
0x43a: {  	v37 =	vadd.s32 $0x7800, v27;
	v38 =	vadd.s32 $0x7800, v31;
	v20 =	vld.idx.msk [tilespmem:v20+s2+$0x0], $0xffff  }
0x43b: {  	[tilespmem:v27+s19+$0x0] =	vst.idx.add.f32.msk $0xffff, v15  }
0x43c: {  	v15 =	vld.idx.msk [tilespmem:v24+s2+$0x0], $0xffff  }
0x43d: {  	[tilespmem:v36+s19+$0x0] =	vst.idx.add.f32.msk $0xffff, v14  }
0x43e: {  	v13 =	vld.idx.msk [tilespmem:v13+s2+$0x0], $0xffff  }
0x43f: {  	v14 =	vadd.s32 $0x7800, v16;
	[tilespmem:v31+s19+$0x0] =	vst.idx.add.f32.msk $0xffff, v19  }
0x440: {  	v16 =	vld.idx.msk [tilespmem:v29+s2+$0x0], $0xffff  }
0x441: {  	[tilespmem:v33+s19+$0x0] =	vst.idx.add.f32.msk $0xffff, v20  }
0x442: {  	[tilespmem:v23+s19+$0x0] =	vst.idx.add.f32.msk $0xffff, v15  }
0x443: {  	v15 =	vld.idx.msk [tilespmem:v21+s2+$0x0], $0xffff  }
0x444: {  	[tilespmem:v14+s19+$0x0] =	vst.idx.add.f32.msk $0xffff, v13  }
0x445: {  	v13 =	vld [tilespmem:s25+$0xFFFFFFB0]  }
0x446: {  	[tilespmem:v17+s19+$0x0] =	vst.idx.add.f32.msk $0xffff, v16  }
0x447: {  	v14 =	vld.idx.msk [tilespmem:v25+s2+$0x0], $0xffff  }
0x448: {  	v16 =	vld.idx.msk [tilespmem:v30+s2+$0x0], $0xffff  }
0x449: {  	[tilespmem:v34+s19+$0x0] =	vst.idx.add.f32.msk $0xffff, v15  }
0x44a: {  	v15 =	vld.idx.msk [tilespmem:v22+s2+$0x0], $0xffff  }
0x44b: {  	v17 =	vld [tilespmem:s23+$0xFFFFFFB0]  }
0x44c: {  	v12 =	vld.idx.msk [tilespmem:v12+s2+$0x0], $0xffff  }
0x44d: {  	v19 =	vld.idx.msk [tilespmem:v13+s2+$0x0], $0xffff  }
0x44e: {  	[tilespmem:v26+s19+$0x0] =	vst.idx.add.f32.msk $0xffff, v14  }
0x44f: {  	v14 =	vadd.s32 $0x2800, v13;
	[tilespmem:v18+s19+$0x0] =	vst.idx.add.f32.msk $0xffff, v16  }
0x450: {  	v16 =	vld.idx.msk [tilespmem:v28+s2+$0x0], $0xffff  }
0x451: {  	v18 =	vld.idx.msk [tilespmem:v32+s2+$0x0], $0xffff  }
0x452: {  	[tilespmem:v35+s19+$0x0] =	vst.idx.add.f32.msk $0xffff, v15  }
0x453: {  	[tilespmem:v17+s19+$0x0] =	vst.idx.add.f32.msk $0xffff, v19  }
0x454: {  	v14 =	vld.idx.msk [tilespmem:v14+s2+$0x0], $0xffff  }
0x455: {  	v19 =	vadd.s32 $0x2800, v17;
	v15 =	vld [tilespmem:s25+$0xFFFFFE30]  }
0x456: {  	[tilespmem:v37+s19+$0x0] =	vst.idx.add.f32.msk $0xffff, v16;
	v16 =	vadd.s32 $0x5000, v13  }
0x457: {  	[tilespmem:v38+s19+$0x0] =	vst.idx.add.f32.msk $0xffff, v18  }
0x458: {  	v18 =	vld [tilespmem:s25+$0xFFFFFEB0]  }
0x459: {  	v20 =	vld [tilespmem:s25+$0xFFFFFF30]  }
0x45a: {  	v21 =	vadd.s32 $0x2800, v15;
	v22 =	vadd.s32 $0x5000, v15;
	v23 =	vadd.s32 $0x7800, v15;
	[tilespmem:v19+s19+$0x0] =	vst.idx.add.f32.msk $0xffff, v14  }
0x45b: {  	v14 =	vld.idx.msk [tilespmem:v16+s2+$0x0], $0xffff  }
0x45c: {  	v19 =	vadd.s32 $0x5000, v17;
	v16 =	vld [tilespmem:s23+$0xFFFFFE30]  }
0x45d: {  	v13 =	vadd.s32 $0x7800, v13;
	v15 =	vld.idx.msk [tilespmem:v15+s2+$0x0], $0xffff;
	v24 =	vadd.s32 $0x2800, v18;
	v25 =	vadd.s32 $0x5000, v18  }
0x45e: {  	v27 =	vadd.s32 $0x7800, v18;
	v26 =	vld [tilespmem:s23+$0xFFFFFEB0];
	v28 =	vadd.s32 $0x2800, v20;
	v29 =	vadd.s32 $0x5000, v20  }
0x45f: {  	v31 =	vadd.s32 $0x7800, v20;
	v30 =	vld [tilespmem:s23+$0xFFFFFF30]  }
0x460: {  	v18 =	vld.idx.msk [tilespmem:v18+s2+$0x0], $0xffff  }
0x461: {  	v32 =	vadd.s32 $0x2800, v16;
	v33 =	vadd.s32 $0x5000, v16;
	v34 =	vadd.s32 $0x7800, v16;
	[tilespmem:v19+s19+$0x0] =	vst.idx.add.f32.msk $0xffff, v14  }
0x462: {  	v13 =	vld.idx.msk [tilespmem:v13+s2+$0x0], $0xffff  }
0x463: {  	v17 =	vadd.s32 $0x7800, v17;
	v14 =	vadd.s32 $0x2800, v26;
	v19 =	vadd.s32 $0x5000, v26;
	v20 =	vld.idx.msk [tilespmem:v20+s2+$0x0], $0xffff  }
0x464: {  	[tilespmem:v16+s19+$0x0] =	vst.idx.add.f32.msk $0xffff, v15;
	v15 =	vadd.s32 $0x7800, v26;
	v16 =	vadd.s32 $0x2800, v30;
	v35 =	vadd.s32 $0x5000, v30  }
0x465: {  	v36 =	vadd.s32 $0x7800, v30;
	v21 =	vld.idx.msk [tilespmem:v21+s2+$0x0], $0xffff  }
0x466: {  	[tilespmem:v26+s19+$0x0] =	vst.idx.add.f32.msk $0xffff, v18  }
0x467: {  	v18 =	vld.idx.msk [tilespmem:v24+s2+$0x0], $0xffff  }
0x468: {  	[tilespmem:v17+s19+$0x0] =	vst.idx.add.f32.msk $0xffff, v13  }
0x469: {  	v13 =	vld [tilespmem:s25+$0xFFFFFFC0]  }
0x46a: {  	[tilespmem:v30+s19+$0x0] =	vst.idx.add.f32.msk $0xffff, v20  }
0x46b: {  	v17 =	vld.idx.msk [tilespmem:v28+s2+$0x0], $0xffff  }
0x46c: {  	[tilespmem:v32+s19+$0x0] =	vst.idx.add.f32.msk $0xffff, v21  }
0x46d: {  	[tilespmem:v14+s19+$0x0] =	vst.idx.add.f32.msk $0xffff, v18  }
0x46e: {  	v14 =	vld.idx.msk [tilespmem:v22+s2+$0x0], $0xffff  }
0x46f: {  	v18 =	vld [tilespmem:s23+$0xFFFFFFC0]  }
0x470: {  	v20 =	vld.idx.msk [tilespmem:v25+s2+$0x0], $0xffff  }
0x471: {  	v21 =	vld.idx.msk [tilespmem:v13+s2+$0x0], $0xffff  }
0x472: {  	[tilespmem:v16+s19+$0x0] =	vst.idx.add.f32.msk $0xffff, v17  }
0x473: {  	v17 =	vadd.s32 $0x2800, v13;
	v16 =	vld.idx.msk [tilespmem:v29+s2+$0x0], $0xffff  }
0x474: {  	[tilespmem:v33+s19+$0x0] =	vst.idx.add.f32.msk $0xffff, v14  }
0x475: {  	v14 =	vld.idx.msk [tilespmem:v23+s2+$0x0], $0xffff  }
0x476: {  	[tilespmem:v19+s19+$0x0] =	vst.idx.add.f32.msk $0xffff, v20  }
0x477: {  	[tilespmem:v18+s19+$0x0] =	vst.idx.add.f32.msk $0xffff, v21  }
0x478: {  	v17 =	vld.idx.msk [tilespmem:v17+s2+$0x0], $0xffff  }
0x479: {  	[tilespmem:v35+s19+$0x0] =	vst.idx.add.f32.msk $0xffff, v16;
	v16 =	vadd.s32 $0x2800, v18  }
0x47a: {  	v20 =	vadd.s32 $0x5000, v13;
	v19 =	vld.idx.msk [tilespmem:v27+s2+$0x0], $0xffff  }
0x47b: {  	v21 =	vld.idx.msk [tilespmem:v31+s2+$0x0], $0xffff  }
0x47c: {  	[tilespmem:v34+s19+$0x0] =	vst.idx.add.f32.msk $0xffff, v14  }
0x47d: {  	v14 =	vld [tilespmem:s25+$0xFFFFFE40]  }
0x47e: {  	[tilespmem:v16+s19+$0x0] =	vst.idx.add.f32.msk $0xffff, v17  }
0x47f: {  	v16 =	vld.idx.msk [tilespmem:v20+s2+$0x0], $0xffff  }
0x480: {  	[tilespmem:v15+s19+$0x0] =	vst.idx.add.f32.msk $0xffff, v19;
	v15 =	vadd.s32 $0x5000, v18  }
0x481: {  	v13 =	vadd.s32 $0x7800, v13;
	[tilespmem:v36+s19+$0x0] =	vst.idx.add.f32.msk $0xffff, v21  }
0x482: {  	v17 =	vadd.s32 $0x2800, v14;
	v19 =	vadd.s32 $0x5000, v14;
	v20 =	vadd.s32 $0x7800, v14;
	v21 =	vld [tilespmem:s25+$0xFFFFFEC0]  }
0x483: {  	v22 =	vld [tilespmem:s25+$0xFFFFFF40]  }
0x484: {  	v23 =	vld [tilespmem:s23+$0xFFFFFE40]  }
0x485: {  	[tilespmem:v15+s19+$0x0] =	vst.idx.add.f32.msk $0xffff, v16  }
0x486: {  	v13 =	vld.idx.msk [tilespmem:v13+s2+$0x0], $0xffff  }
0x487: {  	v18 =	vadd.s32 $0x7800, v18;
	v14 =	vld.idx.msk [tilespmem:v14+s2+$0x0], $0xffff;
	v15 =	vadd.s32 $0x2800, v21;
	v16 =	vadd.s32 $0x5000, v21  }
0x488: {  	v25 =	vadd.s32 $0x7800, v21;
	v24 =	vld [tilespmem:s23+$0xFFFFFEC0];
	v26 =	vadd.s32 $0x2800, v22;
	v27 =	vadd.s32 $0x5000, v22  }
0x489: {  	v31 =	vadd.s32 $0x7800, v22;
	v28 =	vadd.s32 $0x2800, v23;
	v29 =	vadd.s32 $0x5000, v23;
	v30 =	vld [tilespmem:s23+$0xFFFFFF40]  }
0x48a: {  	v32 =	vadd.s32 $0x7800, v23;
	v21 =	vld.idx.msk [tilespmem:v21+s2+$0x0], $0xffff  }
0x48b: {  	v22 =	vld.idx.msk [tilespmem:v22+s2+$0x0], $0xffff  }
0x48c: {  	[tilespmem:v18+s19+$0x0] =	vst.idx.add.f32.msk $0xffff, v13  }
0x48d: {  	v13 =	vadd.s32 $0x2800, v24;
	v18 =	vadd.s32 $0x5000, v24;
	v33 =	vadd.s32 $0x7800, v24;
	v34 =	vld [tilespmem:s25+$0xFFFFFFD0]  }
0x48e: {  	[tilespmem:v23+s19+$0x0] =	vst.idx.add.f32.msk $0xffff, v14;
	v14 =	vadd.s32 $0x2800, v30;
	v23 =	vadd.s32 $0x5000, v30;
	v35 =	vadd.s32 $0x7800, v30  }
0x48f: {  	v17 =	vld.idx.msk [tilespmem:v17+s2+$0x0], $0xffff  }
0x490: {  	[tilespmem:v24+s19+$0x0] =	vst.idx.add.f32.msk $0xffff, v21  }
0x491: {  	[tilespmem:v30+s19+$0x0] =	vst.idx.add.f32.msk $0xffff, v22  }
0x492: {  	v15 =	vld.idx.msk [tilespmem:v15+s2+$0x0], $0xffff  }
0x493: {  	v21 =	vld [tilespmem:s23+$0xFFFFFFD0]  }
0x494: {  	v22 =	vld.idx.msk [tilespmem:v26+s2+$0x0], $0xffff  }
0x495: {  	v24 =	vld.idx.msk [tilespmem:v34+s2+$0x0], $0xffff  }
0x496: {  	[tilespmem:v28+s19+$0x0] =	vst.idx.add.f32.msk $0xffff, v17  }
0x497: {  	v17 =	vld.idx.msk [tilespmem:v19+s2+$0x0], $0xffff;
	v19 =	vadd.s32 $0x2800, v34  }
0x498: {  	[tilespmem:v13+s19+$0x0] =	vst.idx.add.f32.msk $0xffff, v15  }
0x499: {  	v13 =	vld.idx.msk [tilespmem:v16+s2+$0x0], $0xffff  }
0x49a: {  	[tilespmem:v14+s19+$0x0] =	vst.idx.add.f32.msk $0xffff, v22  }
0x49b: {  	[tilespmem:v21+s19+$0x0] =	vst.idx.add.f32.msk $0xffff, v24  }
0x49c: {  	v14 =	vld.idx.msk [tilespmem:v19+s2+$0x0], $0xffff  }
0x49d: {  	v16 =	vadd.s32 $0x2800, v21;
	v15 =	vld.idx.msk [tilespmem:v27+s2+$0x0], $0xffff  }
0x49e: {  	[tilespmem:v29+s19+$0x0] =	vst.idx.add.f32.msk $0xffff, v17;
	v17 =	vadd.s32 $0x5000, v34  }
0x49f: {  	[tilespmem:v18+s19+$0x0] =	vst.idx.add.f32.msk $0xffff, v13  }
0x4a0: {  	v13 =	vld.idx.msk [tilespmem:v20+s2+$0x0], $0xffff  }
0x4a1: {  	v18 =	vld.idx.msk [tilespmem:v25+s2+$0x0], $0xffff  }
0x4a2: {  	[tilespmem:v16+s19+$0x0] =	vst.idx.add.f32.msk $0xffff, v14  }
0x4a3: {  	v14 =	vld.idx.msk [tilespmem:v17+s2+$0x0], $0xffff  }
0x4a4: {  	[tilespmem:v23+s19+$0x0] =	vst.idx.add.f32.msk $0xffff, v15;
	v15 =	vadd.s32 $0x5000, v21  }
0x4a5: {  	v17 =	vadd.s32 $0x7800, v34;
	v16 =	vld.idx.msk [tilespmem:v31+s2+$0x0], $0xffff  }
0x4a6: {  	[tilespmem:v32+s19+$0x0] =	vst.idx.add.f32.msk $0xffff, v13  }
0x4a7: {  	[tilespmem:v33+s19+$0x0] =	vst.idx.add.f32.msk $0xffff, v18  }
0x4a8: {  	v13 =	vld [tilespmem:s25+$0xFFFFFE50]  }
0x4a9: {  	[tilespmem:v15+s19+$0x0] =	vst.idx.add.f32.msk $0xffff, v14  }
0x4aa: {  	v14 =	vld.idx.msk [tilespmem:v17+s2+$0x0], $0xffff  }
0x4ab: {  	v15 =	vadd.s32 $0x7800, v21;
	[tilespmem:v35+s19+$0x0] =	vst.idx.add.f32.msk $0xffff, v16  }
0x4ac: {  	v16 =	vld [tilespmem:s25+$0xFFFFFED0]  }
0x4ad: {  	v17 =	vadd.s32 $0x2800, v13;
	v18 =	vadd.s32 $0x5000, v13;
	v19 =	vadd.s32 $0x7800, v13;
	v20 =	vld [tilespmem:s25+$0xFFFFFF50]  }
0x4ae: {  	v21 =	vld [tilespmem:s23+$0xFFFFFE50]  }
0x4af: {  	v22 =	vld [tilespmem:s23+$0xFFFFFED0]  }
0x4b0: {  	[tilespmem:v15+s19+$0x0] =	vst.idx.add.f32.msk $0xffff, v14  }
0x4b1: {  	v14 =	vadd.s32 $0x2800, v16;
	v15 =	vadd.s32 $0x5000, v16;
	v23 =	vadd.s32 $0x7800, v16;
	v24 =	vld [tilespmem:s25+$0xFFFFFFE0]  }
0x4b2: {  	v13 =	vld.idx.msk [tilespmem:v13+s2+$0x0], $0xffff;
	v25 =	vadd.s32 $0x2800, v20;
	v26 =	vadd.s32 $0x5000, v20;
	v27 =	vadd.s32 $0x7800, v20  }
0x4b3: {  	v28 =	vadd.s32 $0x2800, v21;
	v29 =	vadd.s32 $0x5000, v21;
	v30 =	vadd.s32 $0x7800, v21;
	v31 =	vld [tilespmem:s23+$0xFFFFFF50]  }
0x4b4: {  	v16 =	vld.idx.msk [tilespmem:v16+s2+$0x0], $0xffff;
	v32 =	vadd.s32 $0x2800, v22;
	v33 =	vadd.s32 $0x5000, v22;
	v34 =	vadd.s32 $0x7800, v22  }
0x4b5: {  	v20 =	vld.idx.msk [tilespmem:v20+s2+$0x0], $0xffff  }
0x4b6: {  	[tilespmem:v9+s19+$0x0] =	vst.idx.add.f32.msk $0xffff, v11  }
0x4b7: {  	v9 =	vld [tilespmem:s23+$0xFFFFFFE0]  }
0x4b8: {  	[tilespmem:v21+s19+$0x0] =	vst.idx.add.f32.msk $0xffff, v13;
	v11 =	vadd.s32 $0x2800, v31;
	v13 =	vadd.s32 $0x5000, v31;
	v21 =	vadd.s32 $0x7800, v31  }
0x4b9: {  	v35 =	vld.idx.msk [tilespmem:v24+s2+$0x0], $0xffff  }
0x4ba: {  	[tilespmem:v22+s19+$0x0] =	vst.idx.add.f32.msk $0xffff, v16  }
0x4bb: {  	v16 =	vadd.s32 $0x2800, v24;
	[tilespmem:v31+s19+$0x0] =	vst.idx.add.f32.msk $0xffff, v20  }
0x4bc: {  	v17 =	vld.idx.msk [tilespmem:v17+s2+$0x0], $0xffff  }
0x4bd: {  	v14 =	vld.idx.msk [tilespmem:v14+s2+$0x0], $0xffff  }
0x4be: {  	v20 =	vld.idx.msk [tilespmem:v25+s2+$0x0], $0xffff  }
0x4bf: {  	[tilespmem:v9+s19+$0x0] =	vst.idx.add.f32.msk $0xffff, v35  }
0x4c0: {  	v16 =	vld.idx.msk [tilespmem:v16+s2+$0x0], $0xffff  }
0x4c1: {  	v22 =	vadd.s32 $0x2800, v9;
	[tilespmem:v8+s19+$0x0] =	vst.idx.add.f32.msk $0xffff, v10  }
0x4c2: {  	v8 =	vadd.s32 $0x5000, v24;
	[tilespmem:v28+s19+$0x0] =	vst.idx.add.f32.msk $0xffff, v17  }
0x4c3: {  	[tilespmem:v32+s19+$0x0] =	vst.idx.add.f32.msk $0xffff, v14  }
0x4c4: {  	[tilespmem:v11+s19+$0x0] =	vst.idx.add.f32.msk $0xffff, v20  }
0x4c5: {  	v10 =	vld.idx.msk [tilespmem:v18+s2+$0x0], $0xffff  }
0x4c6: {  	[tilespmem:v22+s19+$0x0] =	vst.idx.add.f32.msk $0xffff, v16  }
0x4c7: {  	v8 =	vld.idx.msk [tilespmem:v8+s2+$0x0], $0xffff  }
0x4c8: {  	v14 =	vadd.s32 $0x5000, v9;
	v11 =	vld.idx.msk [tilespmem:v15+s2+$0x0], $0xffff  }
0x4c9: {  	v16 =	vadd.s32 $0x7800, v24;
	v15 =	vld.idx.msk [tilespmem:v26+s2+$0x0], $0xffff  }
0x4ca: {  	[tilespmem:v7+s19+$0x0] =	vst.idx.add.f32.msk $0xffff, v12  }
0x4cb: {  	[tilespmem:v29+s19+$0x0] =	vst.idx.add.f32.msk $0xffff, v10  }
0x4cc: {  	v7 =	vld.idx.msk [tilespmem:v19+s2+$0x0], $0xffff  }
0x4cd: {  	[tilespmem:v14+s19+$0x0] =	vst.idx.add.f32.msk $0xffff, v8  }
0x4ce: {  	v8 =	vld.idx.msk [tilespmem:v16+s2+$0x0], $0xffff  }
0x4cf: {  	v9 =	vadd.s32 $0x7800, v9;
	[tilespmem:v33+s19+$0x0] =	vst.idx.add.f32.msk $0xffff, v11  }
0x4d0: {  	[tilespmem:v13+s19+$0x0] =	vst.idx.add.f32.msk $0xffff, v15  }
0x4d1: {  	v10 =	vld.idx.msk [tilespmem:v23+s2+$0x0], $0xffff  }
0x4d2: {  	v11 =	vld.idx.msk [tilespmem:v27+s2+$0x0], $0xffff  }
0x4d3: {  	[tilespmem:v30+s19+$0x0] =	vst.idx.add.f32.msk $0xffff, v7  }
0x4d4: {  	[tilespmem:v9+s19+$0x0] =	vst.idx.add.f32.msk $0xffff, v8  }
0x4d5: {  	v7 =	vld [tilespmem:s25+$0xFFFFFFF0]  }
0x4d6: {  	v8 =	vld [tilespmem:s25+$0xFFFFFE60]  }
0x4d7: {  	[tilespmem:v34+s19+$0x0] =	vst.idx.add.f32.msk $0xffff, v10  }
0x4d8: {  	[tilespmem:v21+s19+$0x0] =	vst.idx.add.f32.msk $0xffff, v11  }
0x4d9: {  	v9 =	vld [tilespmem:s25+$0xFFFFFEE0]  }
0x4da: {  	v10 =	vld [tilespmem:s25+$0xFFFFFF60]  }
0x4db: {  	v11 =	vadd.s32 $0x2800, v8;
	v12 =	vadd.s32 $0x5000, v8;
	v13 =	vadd.s32 $0x7800, v8;
	v14 =	vld [tilespmem:s23+$0xFFFFFFF0]  }
0x4dc: {  	v15 =	vld [tilespmem:s23+$0xFFFFFE60]  }
0x4dd: {  	v16 =	vld.idx.msk [tilespmem:v7+s2+$0x0], $0xffff  }
0x4de: {  	v8 =	vld.idx.msk [tilespmem:v8+s2+$0x0], $0xffff;
	v17 =	vadd.s32 $0x2800, v9;
	v18 =	vadd.s32 $0x5000, v9;
	v19 =	vadd.s32 $0x7800, v9  }
0x4df: {  	v23 =	vadd.s32 $0x2800, v7;
	v20 =	vld [tilespmem:s23+$0xFFFFFEE0];
	v21 =	vadd.s32 $0x2800, v10;
	v22 =	vadd.s32 $0x5000, v10  }
0x4e0: {  	v25 =	vadd.s32 $0x7800, v10;
	v24 =	vld [tilespmem:s23+$0xFFFFFF60]  }
0x4e1: {  	v26 =	vadd.s32 $0x2800, v15;
	v27 =	vadd.s32 $0x5000, v15;
	v28 =	vadd.s32 $0x7800, v15;
	v9 =	vld.idx.msk [tilespmem:v9+s2+$0x0], $0xffff  }
0x4e2: {  	v10 =	vld.idx.msk [tilespmem:v10+s2+$0x0], $0xffff  }
0x4e3: {  	[tilespmem:v14+s19+$0x0] =	vst.idx.add.f32.msk $0xffff, v16  }
0x4e4: {  	v16 =	vadd.s32 $0x2800, v20;
	v29 =	vadd.s32 $0x5000, v20;
	v30 =	vadd.s32 $0x7800, v20;
	v23 =	vld.idx.msk [tilespmem:v23+s2+$0x0], $0xffff  }
0x4e5: {  	v31 =	vadd.s32 $0x2800, v14;
	[tilespmem:v15+s19+$0x0] =	vst.idx.add.f32.msk $0xffff, v8;
	v8 =	vadd.s32 $0x2800, v24;
	v15 =	vadd.s32 $0x5000, v24  }
0x4e6: {  	v33 =	vadd.s32 $0x5000, v7;
	v32 =	vadd.s32 $0x7800, v24;
	v11 =	vld.idx.msk [tilespmem:v11+s2+$0x0], $0xffff  }
0x4e7: {  	[tilespmem:v20+s19+$0x0] =	vst.idx.add.f32.msk $0xffff, v9  }
0x4e8: {  	[tilespmem:v24+s19+$0x0] =	vst.idx.add.f32.msk $0xffff, v10  }
0x4e9: {  	v9 =	vld.idx.msk [tilespmem:v17+s2+$0x0], $0xffff  }
0x4ea: {  	[tilespmem:v31+s19+$0x0] =	vst.idx.add.f32.msk $0xffff, v23  }
0x4eb: {  	v10 =	vld.idx.msk [tilespmem:v33+s2+$0x0], $0xffff  }
0x4ec: {  	v20 =	vadd.s32 $0x5000, v14;
	v17 =	vld.idx.msk [tilespmem:v21+s2+$0x0], $0xffff  }
0x4ed: {  	v7 =	vadd.s32 $0x7800, v7;
	[tilespmem:v26+s19+$0x0] =	vst.idx.add.f32.msk $0xffff, v11  }
0x4ee: {  	v11 =	vld.idx.msk [tilespmem:v12+s2+$0x0], $0xffff  }
0x4ef: {  	[tilespmem:v16+s19+$0x0] =	vst.idx.add.f32.msk $0xffff, v9  }
0x4f0: {  	v9 =	vld.idx.msk [tilespmem:v18+s2+$0x0], $0xffff  }
0x4f1: {  	[tilespmem:v20+s19+$0x0] =	vst.idx.add.f32.msk $0xffff, v10  }
0x4f2: {  	v7 =	vld.idx.msk [tilespmem:v7+s2+$0x0], $0xffff  }
0x4f3: {  	[tilespmem:v8+s19+$0x0] =	vst.idx.add.f32.msk $0xffff, v17;
	v8 =	vadd.s32 $0x7800, v14  }
0x4f4: {  	v10 =	vld.idx.msk [tilespmem:v22+s2+$0x0], $0xffff  }
0x4f5: {  	[tilespmem:v27+s19+$0x0] =	vst.idx.add.f32.msk $0xffff, v11  }
0x4f6: {  	[tilespmem:v29+s19+$0x0] =	vst.idx.add.f32.msk $0xffff, v9  }
0x4f7: {  	v9 =	vld.idx.msk [tilespmem:v13+s2+$0x0], $0xffff  }
0x4f8: {  	[tilespmem:v8+s19+$0x0] =	vst.idx.add.f32.msk $0xffff, v7  }
0x4f9: {  	v7 =	vld [tilespmem:s25+$0x0]  }
0x4fa: {  	[tilespmem:v15+s19+$0x0] =	vst.idx.add.f32.msk $0xffff, v10  }
0x4fb: {  	v8 =	vld.idx.msk [tilespmem:v19+s2+$0x0], $0xffff  }
0x4fc: {  	v10 =	vld.idx.msk [tilespmem:v25+s2+$0x0], $0xffff  }
0x4fd: {  	[tilespmem:v28+s19+$0x0] =	vst.idx.add.f32.msk $0xffff, v9  }
0x4fe: {  	v9 =	vld [tilespmem:s25+$0xFFFFFE70]  }
0x4ff: {  	v11 =	vld [tilespmem:s23+$0x0]  }
0x500: {  	v12 =	vld [tilespmem:s23+$0xFFFFFE70]  }
0x501: {  	v13 =	vld.idx.msk [tilespmem:v7+s2+$0x0], $0xffff  }
0x502: {  	[tilespmem:v30+s19+$0x0] =	vst.idx.add.f32.msk $0xffff, v8  }
0x503: {  	v8 =	vadd.s32 $0x2800, v9;
	v14 =	vadd.s32 $0x5000, v9;
	[tilespmem:v32+s19+$0x0] =	vst.idx.add.f32.msk $0xffff, v10;
	v10 =	vadd.s32 $0x2800, v7  }
0x504: {  	v15 =	vadd.s32 $0x7800, v9;
	v16 =	vld [tilespmem:s25+$0xFFFFFEF0]  }
0x505: {  	v17 =	vadd.s32 $0x2800, v12;
	v18 =	vadd.s32 $0x5000, v12;
	v19 =	vadd.s32 $0x7800, v12;
	v20 =	vld [tilespmem:s25+$0xFFFFFF70]  }
0x506: {  	v9 =	vld.idx.msk [tilespmem:v9+s2+$0x0], $0xffff  }
0x507: {  	[tilespmem:v11+s19+$0x0] =	vst.idx.add.f32.msk $0xffff, v13  }
0x508: {  	v10 =	vld.idx.msk [tilespmem:v10+s2+$0x0], $0xffff  }
0x509: {  	v23 =	vadd.s32 $0x2800, v11;
	v13 =	vld [tilespmem:s23+$0xFFFFFEF0];
	v21 =	vadd.s32 $0x2800, v16;
	v22 =	vadd.s32 $0x5000, v16  }
0x50a: {  	v27 =	vadd.s32 $0x5000, v7;
	v24 =	vld [tilespmem:s23+$0xFFFFFF70];
	v25 =	vadd.s32 $0x2800, v20;
	v26 =	vadd.s32 $0x5000, v20  }
0x50b: {  	v28 =	vadd.s32 $0x7800, v16;
	v29 =	vadd.s32 $0x7800, v20;
	v30 =	vld.idx.msk [tilespmem:v6+s2+$0x0], $0xffff  }
0x50c: {  	v6 =	vld.idx.msk [tilespmem:v16+s2+$0x0], $0xffff  }
0x50d: {  	v16 =	vld.idx.msk [tilespmem:v20+s2+$0x0], $0xffff  }
0x50e: {  	v20 =	vadd.s32 $0x2800, v13;
	v31 =	vadd.s32 $0x5000, v13;
	v32 =	vadd.s32 $0x7800, v13;
	[tilespmem:v23+s19+$0x0] =	vst.idx.add.f32.msk $0xffff, v10  }
0x50f: {  	v10 =	vadd.s32 $0x2800, v24;
	v23 =	vadd.s32 $0x5000, v24;
	v33 =	vadd.s32 $0x7800, v24;
	v27 =	vld.idx.msk [tilespmem:v27+s2+$0x0], $0xffff  }
0x510: {  	[tilespmem:v12+s19+$0x0] =	vst.idx.add.f32.msk $0xffff, v9;
	v9 =	vadd.s32 $0x5000, v11  }
0x511: {  	v7 =	vadd.s32 $0x7800, v7;
	v8 =	vld.idx.msk [tilespmem:v8+s2+$0x0], $0xffff  }
0x512: {  	[tilespmem:v13+s19+$0x0] =	vst.idx.add.f32.msk $0xffff, v6  }
0x513: {  	[tilespmem:v24+s19+$0x0] =	vst.idx.add.f32.msk $0xffff, v16  }
0x514: {  	v6 =	vld.idx.msk [tilespmem:v21+s2+$0x0], $0xffff  }
0x515: {  	[tilespmem:v9+s19+$0x0] =	vst.idx.add.f32.msk $0xffff, v27  }
0x516: {  	v7 =	vld.idx.msk [tilespmem:v7+s2+$0x0], $0xffff  }
0x517: {  	v11 =	vadd.s32 $0x7800, v11;
	v9 =	vld.idx.msk [tilespmem:v25+s2+$0x0], $0xffff  }
0x518: {  	[tilespmem:v17+s19+$0x0] =	vst.idx.add.f32.msk $0xffff, v8  }
0x519: {  	v8 =	vld.idx.msk [tilespmem:v14+s2+$0x0], $0xffff  }
0x51a: {  	[tilespmem:v20+s19+$0x0] =	vst.idx.add.f32.msk $0xffff, v6  }
0x51b: {  	v6 =	vld.idx.msk [tilespmem:v22+s2+$0x0], $0xffff  }
0x51c: {  	[tilespmem:v11+s19+$0x0] =	vst.idx.add.f32.msk $0xffff, v7  }
0x51d: {  	[tilespmem:v10+s19+$0x0] =	vst.idx.add.f32.msk $0xffff, v9  }
0x51e: {  	v7 =	vld.idx.msk [tilespmem:v26+s2+$0x0], $0xffff  }
0x51f: {  	[tilespmem:v18+s19+$0x0] =	vst.idx.add.f32.msk $0xffff, v8  }
0x520: {  	v8 =	vld.idx.msk [tilespmem:v15+s2+$0x0], $0xffff  }
0x521: {  	[tilespmem:v31+s19+$0x0] =	vst.idx.add.f32.msk $0xffff, v6  }
0x522: {  	v6 =	vld.idx.msk [tilespmem:v28+s2+$0x0], $0xffff  }
0x523: {  	v15 =	vld.idx.msk [tilespmem:v5+s2+$0x0], $0xffff  }
0x524: {  	[tilespmem:v23+s19+$0x0] =	vst.idx.add.f32.msk $0xffff, v7  }
0x525: {  	v5 =	vld.idx.msk [tilespmem:v29+s2+$0x0], $0xffff  }
0x526: {  	[tilespmem:v19+s19+$0x0] =	vst.idx.add.f32.msk $0xffff, v8  }
0x527: {  	v7 =	vld [tilespmem:s25+$0xFFFFFE80]  }
0x528: {  	[tilespmem:v32+s19+$0x0] =	vst.idx.add.f32.msk $0xffff, v6  }
0x529: {  	v8 =	vld [tilespmem:s25+$0xFFFFFF00]  }
0x52a: {  	v16 =	vld [tilespmem:s23+$0xFFFFFE80]  }
0x52b: {  	[tilespmem:v33+s19+$0x0] =	vst.idx.add.f32.msk $0xffff, v5  }
0x52c: {  	v17 =	vadd.s32 $0x2800, v7;
	v11 =	vadd.s32 $0x5000, v7;
	v6 =	vadd.s32 $0x7800, v7;
	v18 =	vld [tilespmem:s25+$0xFFFFFF80]  }
0x52d: {  	v19 =	vld [tilespmem:s23+$0xFFFFFF00]  }
0x52e: {  	v20 =	vadd.s32 $0x2800, v8;
	v10 =	vadd.s32 $0x5000, v8;
	v5 =	vadd.s32 $0x7800, v8;
	v21 =	vld [tilespmem:s23+$0xFFFFFF80]  }
0x52f: {  	v22 =	vld.idx.msk [tilespmem:v7+s2+$0x0], $0xffff;
	v23 =	vadd.s32 $0x2800, v16;
	v9 =	vadd.s32 $0x5000, v16;
	v7 =	vadd.s32 $0x7800, v16  }
0x530: {  	v24 =	vld.idx.msk [tilespmem:v4+s2+$0x0], $0xffff  }
0x531: {  	v25 =	vld.idx.msk [tilespmem:v8+s2+$0x0], $0xffff;
	v26 =	vadd.s32 $0x2800, v18;
	v12 =	vadd.s32 $0x5000, v18;
	v4 =	vadd.s32 $0x7800, v18  }
0x532: {  	v13 =	vadd.s32 $0x2800, v19;
	v8 =	vadd.s32 $0x5000, v19;
	v27 =	vadd.s32 $0x7800, v19;
	[tilespmem:v1+s19+$0x0] =	vst.idx.add.f32.msk $0xffff, v30;
	v1 =	vmovc v7  }
0x533: {  	v14 =	vadd.s32 $0x2800, v21;
	v7 =	vadd.s32 $0x5000, v21;
	v28 =	vadd.s32 $0x7800, v21;
	[tilespmem:v2+s19+$0x0] =	vst.idx.add.f32.msk $0xffff, v15;
	v2 =	vmovc v27  }
0x534: {  	v18 =	vld.idx.msk [tilespmem:v18+s2+$0x0], $0xffff  }
0x535: {  	[tilespmem:v16+s19+$0x0] =	vst.idx.add.f32.msk $0xffff, v22  }
0x536: {  	v17 =	vld.idx.msk [tilespmem:v17+s2+$0x0], $0xffff  }
0x537: {  	[tilespmem:v19+s19+$0x0] =	vst.idx.add.f32.msk $0xffff, v25  }
.Ltmp5:
0x538: {  	v15 =	vld.idx.msk [tilespmem:v20+s2+$0x0], $0xffff;
	(pc) =	sbr.rel @p0 .LBB2_13-.Ltmp5, $4  }
0x539: {  	[tilespmem:v3+s19+$0x0] =	vst.idx.add.f32.msk $0xffff, v24;
	v3 =	vmov v28  }
0x53a: {  	[tilespmem:v21+s19+$0x0] =	vst.idx.add.f32.msk $0xffff, v18  }
0x53b: {  	v16 =	vld.idx.msk [tilespmem:v26+s2+$0x0], $0xffff  }
0x53c: {  	s25 =	sadd.s32 $0x200, s25;
	[tilespmem:v23+s19+$0x0] =	vst.idx.add.f32.msk $0xffff, v17  }
0x53d: {  	_ =	sdelay $0x3  }
0x53e: {  	[tilespmem:v13+s19+$0x0] =	vst.idx.add.f32.msk $0xffff, v15  }
0x53f: {  	v11 =	vld.idx.msk [tilespmem:v11+s2+$0x0], $0xffff  }
0x540: {  	v10 =	vld.idx.msk [tilespmem:v10+s2+$0x0], $0xffff;
	_ =	sdelay $0x1  }
0x541: {  	[tilespmem:v14+s19+$0x0] =	vst.idx.add.f32.msk $0xffff, v16  }
0x542: {  	v12 =	vld.idx.msk [tilespmem:v12+s2+$0x0], $0xffff  }
0x543: {  	[tilespmem:v9+s19+$0x0] =	vst.idx.add.f32.msk $0xffff, v11  }
0x544: {  	[tilespmem:v8+s19+$0x0] =	vst.idx.add.f32.msk $0xffff, v10  }
0x545: {  	v6 =	vld.idx.msk [tilespmem:v6+s2+$0x0], $0xffff  }
0x546: {  	v5 =	vld.idx.msk [tilespmem:v5+s2+$0x0], $0xffff  }
0x547: {  	s22 =	sadd.s32 $0x1, s22;
	[tilespmem:v7+s19+$0x0] =	vst.idx.add.f32.msk $0xffff, v12  }
0x548: {  	p0 =	sne.s32 s22, $0x28;
	v4 =	vld.idx.msk [tilespmem:v4+s2+$0x0], $0xffff  }
.Ltmp6:
0x549: {  	_ = 	snop;
	(pc) =	sbr.rel @p0 .LBB2_10-.Ltmp6, $4  }
0x54a: {  	_ = 	snop  }
0x54b: {  	[tilespmem:v1+s19+$0x0] =	vst.idx.add.f32.msk $0xffff, v6  }
0x54c: {  	[tilespmem:v2+s19+$0x0] =	vst.idx.add.f32.msk $0xffff, v5  }
0x54d: {  	[tilespmem:v3+s19+$0x0] =	vst.idx.add.f32.msk $0xffff, v4  }
0x54e: {  	s21 =	sadd.s32 $0x1, s21  }
0x54f: {  	p0 =	sne.s32 s21, s10  }
.Ltmp7:
0x550: {  	_ = 	snop;
	(pc) =	sbr.rel @p0 .LBB2_1-.Ltmp7, $4  }
0x551: {  	[hbm4b:s9+s2] =	stream.linear.scatter [tilespmem:s19], [sflag:$0x4], $0xA000, $0x38;
	[tilespmem:$0x16000] =	vst v63  }
0x552: {  	_ =	swait.ge [sflag:s20], $0xA000  }
0x553: {  	[sflag:s20] =	ssyncset.done $0x0  }
0x554: {  	[sflag:s20] =	ssyncadd.s32 $0xFFFF6000  }
0x555: {  	_ =	sfence.sel $0x180000  }
0x556: {  	[bflag:$0x0] =	sbarrier.arrive $0xFFFF  }
0x557: {  	p0 =	sne.s32 s0, $0x0;
	_ =	strace $0x9000004A  }
0x558: {  	s0 =	sadd.s32 @!p0 $0x100000, s1;
	[bflag:$0x2] =	sbarrier.arrive $0xFFFF  }
0x559: {  	[sflag:s0] =	ssyncadd.tile.s32 @!p0 $0x1;
	_ =	shalt  }
.Lfunc_end2:
_tile_overlayer_lowered:
.L_overlay_start_2:
0x55a: {  	(tag) =	ssettag $0x2  }
0x55b: {  	s0 =	rddreg [dreg:$0x0];
	s2 =	stileid.u32  }
0x55c: {  	s1 =	rddreg [dreg:$0x1];
	p0 =	sne.s32 s2, $0x0  }
0x55d: {  	s3 =	rddreg [dreg:$0x2];
	[bflag:$0x3] =	sbarrier.arrive $0xFFFF;
	s2 =	simm.s32 @!p0 $0x1C04  }
0x55e: {  	[timem:s3], [sflag:s2] =	dma.local @!p0 [hbm:s0], s1  }
0x55f: {  	s0 =	simm.s32 @!p0 $0x4  }
0x560: {  	_ =	swait.ge @!p0 [sflag:s0], s1  }
0x561: {  	s1 =	ssub.s32 @!p0 $0x0, s1;
	[sflag:s0] =	ssyncset.done @!p0 $0x0  }
0x562: {  	[sflag:s0] =	ssyncadd.s32 @!p0 s1  }
0x563: {  	[bflag:$0x3] =	sbarrier.arrive $0xFFFF  }
0x564: {  	_ =	shalt  }

// kernel: kernel.7.cloned.1.call-start
scs
__scs_entry_jumppad:
0x0: {  	(pc) =	sbr.rel $0x88, $3  }
0x1: {  	(tag) =	ssettag $0x0;
	lr =	simm.s32 $0x1  }
0x2: {  	[smem:$0x3F97] =	sst lr;
	_ =	strace $0xD0000000  }
0x3: {  	_ = 	snop  }
0x4: {  	_ = 	snop  }
0x5: {  	_ = 	snop  }
0x6: {  	_ = 	snop  }
0x7: {  	_ = 	snop  }
__scs_overlays_trampoline_lowered:
0x8: {  	[smem:$0x3FA6] =	sst s0  }
0x9: {  	[smem:$0x3FA7] =	sst s1  }
0xa: {  	[smem:$0x3FA8] =	sst s2  }
0xb: {  	[smem:$0x3FA9] =	sst s3  }
0xc: {  	[smem:$0x3FAA] =	sst s4  }
0xd: {  	[smem:$0x3FAB] =	sst s5  }
0xe: {  	[smem:$0x3FAC] =	sst s6  }
0xf: {  	[smem:$0x3FAD] =	sst s7  }
0x10: {  	[smem:$0x3FAE] =	sst s8  }
0x11: {  	[smem:$0x3FAF] =	sst s9;
	s0 =	simm.s32 @!p0 $0x0  }
0x12: {  	s1 =	sld [smem:$0x3F95];
	s0 =	simm.s32 @p0 $0x1  }
0x13: {  	[smem:$0x3FB0] =	sst s0;
	s0 =	simm.s32 @!p1 $0x0  }
0x14: {  	s2 =	sld [smem:$0x3F94];
	s0 =	simm.s32 @p1 $0x1  }
0x15: {  	[smem:$0x3FB1] =	sst s0;
	s0 =	simm.s32 @!p2 $0x0  }
0x16: {  	s3 =	sld [smem:$0x3FDB];
	s0 =	simm.s32 @p2 $0x1  }
0x17: {  	s4 =	simm.s32 $0x1BF5;
	[smem:$0x3FB3] =	sst s0  }
0x18: {  	s0 =	sld [smem:$0x3F96];
	_ =	swait.ge [sflag:s4], $0x0  }
0x19: {  	s7 =	sld [smem:$0x3F97]  }
0x1a: {  	s8 =	sadd.s32 $0xFFFFE003, lr  }
0x1b: {  	s9 =	sadd.s32 $0xFFFFFEF7, lr;
	s5 =	simm.s32 $0xFFFFFFFF;
	p2 =	slt.u32 s8, $0xFFFFF086  }
0x1c: {  	p1 =	slt.u32 s9, $0xF7A;
	s5 =	simm.s32 @!p2 $0x0  }
0x1d: {  	s5 =	simm.s32 @p1 $0x1;
	p0 =	seq.s32 s7, s2  }
0x1e: {  	s7 =	smul.u32 @!p0 $0xF7A, s2;
	p2 =	seq.s32 @!p0 s5, $0x0  }
0x1f: {  	s9 =	smul.u32 $0xF7A, s1;
	s8 =	simm.s32 @!p0 $0x1BF5;
	p2 =	por !p2, p0  }
0x20: {  	[sflag:s8] =	ssyncset.s32 @!p0 $0xFFFFF086;
	s6 =	sadd.s32 @!p0 s3, s7;
	s7 =	simm.s32 @!p0 $0x108  }
0x21: {  	s3 =	sadd.s32 s3, s9;
	s6 =	sadd.s32 @!p0 $0x88, s6;
	s7 =	simm.s32 @p2 $0x1082  }
0x22: {  	[simem:s7], [sflag:s8] =	dma.local @!p0 [hbm:s6], $0xF7A  }
0x23: {  	s9 =	sor.u32 $0xD0000000, s2;
	s6 =	simm.s32 $0x108;
	_ =	swait.ge @!p0 [sflag:s8], $0x0  }
0x24: {  	s3 =	sadd.s32 $0x88, s3;
	s6 =	simm.s32 @!p1 $0x1082;
	[sflag:s4] =	ssyncset.s32 $0xFFFFF086  }
0x25: {  	[simem:s6], [sflag:s4] =	dma.local [hbm:s3], $0xF7A  }
0x26: {  	[smem:$0x3F97] =	sst s1;
	(tag) =	ssettag s2;
	_ =	strace s9  }
0x27: {  	s1 =	sld [smem:$0x3FA7]  }
0x28: {  	s2 =	sld [smem:$0x3FA8]  }
0x29: {  	s4 =	sld [smem:$0x3FAA]  }
0x2a: {  	p0 =	seq.s32 s5, $0x0;
	s5 =	sld [smem:$0x3FAB]  }
0x2b: {  	s6 =	sld [smem:$0x3FAC]  }
0x2c: {  	s7 =	sld [smem:$0x3FAD]  }
0x2d: {  	s3 =	simm.s32 $0x108;
	s8 =	sld [smem:$0x3FAE]  }
0x2e: {  	s3 =	simm.s32 @!p0 $0x1082;
	s9 =	sld [smem:$0x3FAF]  }
0x2f: {  	lr =	sadd.s32 s0, s3;
	s0 =	sld [smem:$0x3FA6]  }
0x30: {  	s3 =	sld [smem:$0x3FA9]  }
0x31: {  	[smem:$0x3FB2] =	sst s10  }
0x32: {  	s10 =	sld [smem:$0x3FB0];
	_ =	sdelay $0x3  }
0x33: {  	p0 =	seq.s32 s10, $0x1;
	s10 =	sld [smem:$0x3FB2];
	_ =	sdelay $0x3  }
0x34: {  	[smem:$0x3FB2] =	sst s10  }
0x35: {  	s10 =	sld [smem:$0x3FB1];
	_ =	sdelay $0x3  }
0x36: {  	p1 =	seq.s32 s10, $0x1;
	s10 =	sld [smem:$0x3FB2];
	_ =	sdelay $0x3  }
0x37: {  	[smem:$0x3FB2] =	sst s10  }
0x38: {  	s10 =	sld [smem:$0x3FB3]  }
0x39: {  	_ = 	snop;
	(pc) =	sbr.ind lr, $3  }
0x3a: {  	_ = 	snop  }
0x3b: {  	_ = 	snop  }
0x3c: {  	p2 =	seq.s32 s10, $0x1;
	s10 =	sld [smem:$0x3FB2]  }
0x3d: {  	_ =	shalt  }
0x3e: {  	_ =	shalt  }
0x3f: {  	_ =	shalt  }
0x40: {  	_ =	shalt  }
0x41: {  	_ =	shalt  }
0x42: {  	_ =	shalt  }
0x43: {  	_ =	shalt  }
0x44: {  	_ =	shalt  }
0x45: {  	_ =	shalt  }
0x46: {  	_ =	shalt  }
0x47: {  	_ =	shalt  }
0x48: {  	_ =	shalt  }
0x49: {  	_ =	shalt  }
0x4a: {  	_ =	shalt  }
0x4b: {  	_ =	shalt  }
0x4c: {  	_ =	shalt  }
0x4d: {  	_ =	shalt  }
0x4e: {  	_ =	shalt  }
0x4f: {  	_ =	shalt  }
0x50: {  	_ =	shalt  }
0x51: {  	_ =	shalt  }
0x52: {  	_ =	shalt  }
0x53: {  	_ =	shalt  }
0x54: {  	_ =	shalt  }
0x55: {  	_ =	shalt  }
0x56: {  	_ =	shalt  }
0x57: {  	_ =	shalt  }
0x58: {  	_ =	shalt  }
0x59: {  	_ =	shalt  }
0x5a: {  	_ =	shalt  }
0x5b: {  	_ =	shalt  }
0x5c: {  	_ =	shalt  }
0x5d: {  	_ =	shalt  }
0x5e: {  	_ =	shalt  }
0x5f: {  	_ =	shalt  }
0x60: {  	_ =	shalt  }
0x61: {  	_ =	shalt  }
0x62: {  	_ =	shalt  }
0x63: {  	_ =	shalt  }
0x64: {  	_ =	shalt  }
0x65: {  	_ =	shalt  }
0x66: {  	_ =	shalt  }
0x67: {  	_ =	shalt  }
0x68: {  	_ =	shalt  }
0x69: {  	_ =	shalt  }
0x6a: {  	_ =	shalt  }
0x6b: {  	_ =	shalt  }
0x6c: {  	_ =	shalt  }
0x6d: {  	_ =	shalt  }
0x6e: {  	_ =	shalt  }
0x6f: {  	_ =	shalt  }
0x70: {  	_ =	shalt  }
0x71: {  	_ =	shalt  }
0x72: {  	_ =	shalt  }
0x73: {  	_ =	shalt  }
0x74: {  	_ =	shalt  }
0x75: {  	_ =	shalt  }
0x76: {  	_ =	shalt  }
0x77: {  	_ =	shalt  }
0x78: {  	_ =	shalt  }
0x79: {  	_ =	shalt  }
0x7a: {  	_ =	shalt  }
0x7b: {  	_ =	shalt  }
0x7c: {  	_ =	shalt  }
0x7d: {  	_ =	shalt  }
0x7e: {  	_ =	shalt  }
0x7f: {  	_ =	shalt  }
0x80: {  	_ =	shalt  }
0x81: {  	_ =	shalt  }
0x82: {  	_ =	shalt  }
0x83: {  	_ =	shalt  }
0x84: {  	_ =	shalt  }
0x85: {  	_ =	shalt  }
0x86: {  	_ =	shalt  }
0x87: {  	_ =	shalt  }
.Lfunc_end0:
.L_simem_size_0:
called_computation_lowered:
.L_overlay_start_0:
0x88: {  	s2 =	sld [smem:$0x3FD9]  }
0x89: {  	s3 =	sld [smem:$0x3FFE];
	_ =	sdelay $0x1  }
0x8a: {  	s1 =	srdreg.scid  }
0x8b: {  	s0 =	sand.u32 $0x1, s1  }
0x8c: {  	s17 =	sshll.u32 s0, $0xA;
	s2 =	sadd.s32 s3, s2  }
0x8d: {  	s2 =	sadd.s32 s2, s17  }
0x8e: {  	[smem:$0x3FBE] =	sst s2  }
0x8f: {  	_ = 	snop  }
0x90: {  	s2 =	sld [smem:$0x3FD0];
	(tm) =	ssettm $0x1  }
0x91: {  	s18 =	sld [smem:$0x3FFB];
	_ =	sdelay $0x3  }
0x92: {  	_ =	strace s18  }
0x93: {  	s3 =	sld [smem:$0x3FFC];
	_ =	sdelay $0x3  }
0x94: {  	_ =	strace s3  }
0x95: {  	s3 =	sld [smem:$0x3FFD];
	_ =	sdelay $0x3  }
0x96: {  	_ =	strace s3  }
0x97: {  	_ =	strace $0x8FFFFFFF  }
0x98: {  	s19 =	sld [smem:$0x3FDB];
	_ =	sdelay $0x1  }
0x99: {  	s4 =	simm.s32 $_scs_section_size  }
0x9a: {  	s5 =	simm.s32 $_size__tile_overlayer_lowered;
	s6 =	simm.s32 $_tile_overlayer_lowered  }
0x9b: {  	s22 =	simm.s32 $0x1BFF;
	s21 =	sshll.u32 s6, $0x1;
	s3 =	sadd.s32 s4, s19  }
0x9c: {  	s7 =	simm.s32 $0x0;
	s20 =	sshll.u32 s5, $0x1;
	s5 =	sadd.s32 s21, s3  }
0x9d: {  	[timem:s7], [sflag:s22] =	dma.local [hbm:s5], s20  }
0x9e: {  	_ =	swait.ge [sflag:s22], s20  }
0x9f: {  	s4 =	ssub.s32 $0x0, s20;
	[sflag:s22] =	ssyncset.done $0x0  }
0xa0: {  	[sflag:s22] =	ssyncadd.s32 s4;
	_ =	sdelay $0x1  }
0xa1: {  	s23 =	simm.s32 $0x1B8B  }
0xa2: {  	_ =	swait.ge [sflag:s23], $0x1  }
0xa3: {  	[sflag:s23] =	ssyncset.done $0x0  }
0xa4: {  	s25 =	simm.s32 $0x1B8E;
	s24 =	sld [smem:$0x3FFE];
	[sflag:s23] =	ssyncadd.s32 $0xFFFFFFFF  }
0xa5: {  	s26 =	simm.s32 $execute0_lowered;
	[smem:$0x3FD2] =	sst s25  }
0xa6: {  	s5 =	sshll.u32 s26, $0x1;
	_ =	strace $0x80000046;
	[dreg:$0x1] =	wrdreg $0xFFFFFFFF  }
0xa7: {  	s28 =	simm.s32 $_size_execute0_lowered;
	s3 =	sadd.s32 s3, s5;
	[dreg:$0x0] =	wrdreg $0x0  }
0xa8: {  	s5 =	sshll.u32 s28, $0x1;
	[dreg:$0x2] =	wrdreg s3  }
0xa9: {  	[dreg:$0x3] =	wrdreg s5  }
0xaa: {  	[dreg:$0x4] =	wrdreg $0xC0  }
0xab: {  	_ =	task [dreg:s7], $0x5FFFF  }
0xac: {  	[dreg:$0x1] =	wrdreg $0xFFFFFFFF  }
0xad: {  	[dreg:$0x0] =	wrdreg $0x60  }
0xae: {  	[dreg:$0x2] =	wrdreg s24  }
0xaf: {  	[dreg:$0x3] =	wrdreg s2  }
0xb0: {  	[dreg:$0x4] =	wrdreg $0x5A800  }
0xb1: {  	[dreg:$0x5] =	wrdreg $0x9  }
0xb2: {  	_ =	task.clear_ibuf [dreg:s7], $0x6FFFF;
	_ =	strace $0x90000046  }
0xb3: {  	s29 =	simm.s32 $0x9;
	_ =	strace $0x80000048  }
0xb4: {  	_ =	swait.ge [sflag:s29], $0x1  }
0xb5: {  	[sflag:s29] =	ssyncadd.s32 $0xFFFFFFFF  }
0xb6: {  	_ =	strace $0x90000048  }
0xb7: {  	_ =	sfence  }
0xb8: {  	s30 =	sld [smem:$0x0];
	_ =	sdelay $0x2  }
0xb9: {  	s31 =	sshll.u32 s1, $0xD;
	s1 =	sshrl.u32 s1, $0x2  }
0xba: {  	s3 =	sand.u32 $0x4000, s31;
	s1 =	sadd.s32 s1, s30  }
0xbb: {  	s0 =	sor.u32 s3, s0;
	s1 =	sshll.u32 s1, $0x11  }
0xbc: {  	s0 =	sor.u32 s1, s0  }
0xbd: {  	s0 =	sadd.s32 $0x8F2B, s0  }
0xbe: {  	[sflag:s0] =	ssyncadd.remote.s32 $0x1  }
0xbf: {  	_ =	sfence.sel $0xFFFF  }
0xc0: {  	[dreg:$0x0] =	wrdreg $0xFFFFFFFF;
	(pc) =	sbr.abs _section_cstart, $3  }
0xc1: {  	[dreg:$0x1] =	wrdreg $0xFFFFFFFF  }
0xc2: {  	_ =	task.clear_ibuf [dreg:s7], $0x2FFFF;
	_ =	strace $0x9FFFFFFF  }
0xc3: {  	(tm) =	ssettm $0x7FFFFFFF  }
tec
execute0_lowered:
.L_overlay_start_1:
0x0: {  	(tag) =	ssettag $0x1  }
0x1: {  	s4 =	rddreg [dreg:$0x0]  }
0x2: {  	s1 =	srdreg.scid;
	s6 =	rddreg [dreg:$0x1]  }
0x3: {  	s0 =	stileid.u32;
	s2 =	rddreg [dreg:$0x2]  }
0x4: {  	s3 =	simm.s32 $0x0;
	s12 =	simm.s32 $0x2800;
	s13 =	simm.s32 $0x2  }
0x5: {  	s14 =	simm.s32 $0x80;
	s15 =	simm.s32 $0x1;
	s16 =	simm.s32 $0x3000  }
0x6: {  	s17 =	simm.s32 $0x5800;
	s18 =	simm.s32 $0x0;
	s9 =	smul.u32 $0x280, s0  }
0x7: {  	s5 =	sand.u32 $0x1, s1;
	s28 =	sshll.u32 s0, $0x1;
	s10 =	smul.u32 $0xA000, s0  }
0x8: {  	[smem:$0x7FF] =	sst s3;
	s1 =	sor.u32 s5, s28;
	s8 =	smul.u32 $0x2800, s5  }
0x9: {  	s5 =	ssub.s32 $0x2, s5;
	s7 =	smul.u32 $0x500, s1;
	s1 =	rddreg [dreg:$0x3]  }
0xa: {  	_ =	strace $0x80000047;
	s29 =	sshrl.u32 s5, $0x1;
	s31 =	sshrl.u32 s10, $0x2  }
0xb: {  	s8 =	sadd.s32 s9, s8;
	s30 =	ssub.s32 s5, s29;
	s7 =	sadd.s32 s7, s4  }
0xc: {  	s8 =	sshrl.u32 s8, $0x3;
	s4 =	sadd.s32 s31, s2;
	s5 =	sadd.s32 $0xCC00, s7  }
0xd: {  	v2 =	vlaneseq.u32;
	s6 =	sadd.s32 s6, s8;
	s7 =	smax.u32 s30, $0x1;
	s8 =	sadd.s32 $0x800, s4  }
0xe: {  	v0 =	vimm.f32 $0.0e+00;
	v1 =	vimm.f32 $1.000000000e+00;
	v2 =	vmul.u32 $0x10, v2;
	s9 =	sadd.s32 $0x1000, s4;
	s10 =	sadd.s32 $0x1800, s4;
	s11 =	sadd.s32 $0x2000, s4  }
.LBB2_1:
0xf: {  	s19 =	simm.s32 $0x40;
	s20 =	simm.s32 $0x0  }
.LBB2_2:
0x10: {  	p0 =	sne.s32 s19, $0x1FC0;
	[tilespmem:s20+$0x2800] =	vst v0;
	s20 =	smov.u32 s19;
	s19 =	sadd.s32 $0x40, s19  }
.Ltmp0:
0x11: {  	(pc) =	sbr.rel @p0 .LBB2_2-.Ltmp0, $2  }
0x12: {  	_ =	sdelay $0x2  }
0x13: {  	s20 =	sshra.s32 s20, $0x2  }
0x14: {  	[tilespmem:s20+$0x2800] =	vst v0  }
0x15: {  	[spmem:s4] =	stream.linear.scatter [tilespmem:s12], [sflag:$0x2], $0x800, $0x38;
	[tilespmem:$0x8280] =	vst v63  }
0x16: {  	_ =	swait.ge [sflag:s13], $0x800  }
0x17: {  	[sflag:s13] =	ssyncset.done $0x0  }
0x18: {  	[sflag:s13] =	ssyncadd.s32 $0xFFFFF800  }
0x19: {  	[spmem:s8] =	stream.linear.scatter [tilespmem:s12], [sflag:$0x2], $0x800, $0x38;
	[tilespmem:$0x8280] =	vst v63  }
0x1a: {  	_ =	swait.ge [sflag:s13], $0x800  }
0x1b: {  	[sflag:s13] =	ssyncset.done $0x0  }
0x1c: {  	[sflag:s13] =	ssyncadd.s32 $0xFFFFF800  }
0x1d: {  	[spmem:s9] =	stream.linear.scatter [tilespmem:s12], [sflag:$0x2], $0x800, $0x38;
	[tilespmem:$0x8280] =	vst v63  }
0x1e: {  	_ =	swait.ge [sflag:s13], $0x800  }
0x1f: {  	[sflag:s13] =	ssyncset.done $0x0  }
0x20: {  	[sflag:s13] =	ssyncadd.s32 $0xFFFFF800  }
0x21: {  	[spmem:s10] =	stream.linear.scatter [tilespmem:s12], [sflag:$0x2], $0x800, $0x38;
	[tilespmem:$0x8280] =	vst v63  }
0x22: {  	_ =	swait.ge [sflag:s13], $0x800  }
0x23: {  	[sflag:s13] =	ssyncset.done $0x0  }
0x24: {  	[sflag:s13] =	ssyncadd.s32 $0xFFFFF800  }
0x25: {  	[spmem:s11] =	stream.linear.scatter [tilespmem:s12], [sflag:$0x2], $0x800, $0x38;
	[tilespmem:$0x8280] =	vst v63  }
0x26: {  	_ =	swait.ge [sflag:s13], $0x800  }
0x27: {  	[sflag:s13] =	ssyncset.done $0x0  }
0x28: {  	s19 =	simm.s32 $0x40;
	s20 =	simm.s32 $0x0;
	[sflag:s13] =	ssyncadd.s32 $0xFFFFF800  }
.LBB2_4:
0x29: {  	p0 =	sne.s32 s19, $0x1FC0;
	[tilespmem:s20+$0x2800] =	vst v1;
	s20 =	smov.u32 s19;
	s19 =	sadd.s32 $0x40, s19  }
.Ltmp1:
0x2a: {  	(pc) =	sbr.rel @p0 .LBB2_4-.Ltmp1, $2  }
0x2b: {  	_ =	sdelay $0x2  }
0x2c: {  	s20 =	sshra.s32 s20, $0x2  }
0x2d: {  	[tilespmem:s20+$0x2800] =	vst v1;
	s19 =	simm.s32 $0x0  }
0x2e: {  	[tilespmem:s19], [sflag:$0x2] =	stream.linear.gather [hbm4b:s5+s19], $0x2800, $0x38;
	[tilespmem:$0x8280] =	vst v63  }
0x2f: {  	_ =	swait.ge [sflag:s13], $0x2800  }
0x30: {  	[sflag:s13] =	ssyncset.done $0x0  }
0x31: {  	[sflag:s13] =	ssyncadd.s32 $0xFFFFD800  }
0x32: {  	[bflag:$0x0] =	sbarrier.arrive $0xFFFF  }
.LBB2_6:
0x33: {  	p0 =	sne.s32 s19, $0x9E00  }
.Ltmp2:
0x34: {  	_ = 	snop;
	(pc) =	sbr.rel @p0 .LBB2_6-.Ltmp2, $3  }
0x35: {  	_ =	sdelay $0x1  }
0x36: {  	s20 =	sshra.s32 s19, $0x2;
	s19 =	sadd.s32 $0x200, s19  }
0x37: {  	[spmem:s2] =	stream.indirect.scatter.add.f32 [tilespmem:s12], [sflag:$0x1], $0x10, s20, s14, $0xb8;
	[tilespmem:$0x8280] =	vst v63  }
0x38: {  	_ =	swait.ge [sflag:s15], $0x800  }
0x39: {  	s19 =	simm.s32 $0x4F;
	[sflag:s15] =	ssyncset.done $0x0  }
.LBB2_8:
0x3a: {  	p0 =	sne.s32 s19, $0x1;
	s19 =	sadd.s32 $0xFFFFFFFF, s19;
	[sflag:s15] =	ssyncadd.s32 $0xFFFFF800  }
.Ltmp3:
0x3b: {  	(pc) =	sbr.rel @p0 .LBB2_8-.Ltmp3, $3  }
0x3c: {  	_ =	sdelay $0x1  }
0x3d: {  	_ =	swait.ge [sflag:s15], $0x800  }
0x3e: {  	[sflag:s15] =	ssyncset.done $0x0  }
0x3f: {  	s19 =	simm.s32 $0x0  }
0x40: {  	v3 =	vmov s19  }
0x41: {  	[sflag:s15] =	ssyncadd.s32 $0xFFFFF800;
	v3 =	vshll.u32 v3, $0x4  }
0x42: {  	[bflag:$0x0] =	sbarrier.arrive $0xFFFF;
	v3 =	vor.u32 v2, v3  }
0x43: {  	[tilespmem:s16], [sflag:$0x2] =	stream.linear.gather [spmem:s4], $0x2800, $0x38;
	[tilespmem:$0x8280] =	vst v63  }
0x44: {  	_ =	swait.ge [sflag:s13], $0x2800  }
0x45: {  	s25 =	simm.s32 $0x10;
	[sflag:s13] =	ssyncset.done $0x0  }
0x46: {  	v4 =	vmov s25;
	[sflag:s13] =	ssyncadd.s32 $0xFFFFD800  }
0x47: {  	v4 =	vshll.u32 v4, $0x4;
	v3 =	vld.idx.msk [tilespmem:v3+s16+$0x0], $0xffff  }
0x48: {  	v4 =	vor.u32 v2, v4;
	_ =	sdelay $0x2  }
0x49: {  	s20 =	simm.s32 $0x20;
	s19 =	simm.s32 $0x5840  }
0x4a: {  	[tilespmem:s19+$0xFFFFFFC0] =	vst v3;
	v3 =	vmov s20  }
0x4b: {  	v4 =	vld.idx.msk [tilespmem:v4+s16+$0x0], $0xffff;
	v3 =	vshll.u32 v3, $0x4  }
0x4c: {  	v3 =	vor.u32 v2, v3;
	_ =	sdelay $0x2  }
0x4d: {  	s26 =	simm.s32 $0x30  }
0x4e: {  	[tilespmem:s19+$0xFFFFFFD0] =	vst v4;
	v4 =	vmov s26  }
0x4f: {  	v3 =	vld.idx.msk [tilespmem:v3+s16+$0x0], $0xffff;
	v4 =	vshll.u32 v4, $0x4  }
0x50: {  	v4 =	vor.u32 v2, v4;
	_ =	sdelay $0x2  }
0x51: {  	s28 =	simm.s32 $0x40  }
0x52: {  	[tilespmem:s19+$0xFFFFFFE0] =	vst v3;
	v3 =	vmov s28  }
0x53: {  	v4 =	vld.idx.msk [tilespmem:v4+s16+$0x0], $0xffff;
	v3 =	vshll.u32 v3, $0x4  }
0x54: {  	v3 =	vor.u32 v2, v3;
	_ =	sdelay $0x2  }
0x55: {  	s29 =	simm.s32 $0x50  }
0x56: {  	[tilespmem:s19+$0xFFFFFFF0] =	vst v4;
	v4 =	vmov s29  }
0x57: {  	v3 =	vld.idx.msk [tilespmem:v3+s16+$0x0], $0xffff;
	v4 =	vshll.u32 v4, $0x4  }
0x58: {  	v4 =	vor.u32 v2, v4;
	_ =	sdelay $0x2  }
0x59: {  	s30 =	simm.s32 $0x60  }
0x5a: {  	[tilespmem:s19+$0x0] =	vst v3;
	v3 =	vmov s30  }
0x5b: {  	v4 =	vld.idx.msk [tilespmem:v4+s16+$0x0], $0xffff;
	v3 =	vshll.u32 v3, $0x4  }
0x5c: {  	v3 =	vor.u32 v2, v3;
	_ =	sdelay $0x3  }
0x5d: {  	s31 =	simm.s32 $0x70;
	[tilespmem:s19+$0x10] =	vst v4  }
0x5e: {  	v4 =	vld.idx.msk [tilespmem:v3+s16+$0x0], $0xffff;
	v3 =	vmov s31  }
0x5f: {  	v3 =	vshll.u32 v3, $0x4  }
0x60: {  	v3 =	vor.u32 v2, v3;
	_ =	sdelay $0x3  }
0x61: {  	s22 =	simm.s32 $0x80;
	s21 =	simm.s32 $0x170;
	s20 =	simm.s32 $0xF0;
	[tilespmem:s19+$0x20] =	vst v4  }
.LBB2_10:
0x62: {  	p0 =	sne.s32 s21, $0x270;
	v4 =	vmov s22;
	v3 =	vld.idx.msk [tilespmem:v3+s16+$0x0], $0xffff  }
0x63: {  	v4 =	vshll.u32 v4, $0x4  }
0x64: {  	v4 =	vor.u32 v2, v4;
	_ =	sdelay $0x3  }
0x65: {  	s22 =	sadd.s32 $0xFFFFFFA0, s20;
	[tilespmem:s19+$0x30] =	vst v3  }
0x66: {  	v3 =	vld.idx.msk [tilespmem:v4+s16+$0x0], $0xffff;
	v4 =	vmov s22  }
0x67: {  	v4 =	vshll.u32 v4, $0x4  }
0x68: {  	v4 =	vor.u32 v2, v4;
	_ =	sdelay $0x2  }
0x69: {  	s19 =	sadd.s32 $0x80, s19  }
0x6a: {  	s22 =	sadd.s32 $0xFFFFFFB0, s20;
	[tilespmem:s19+$0xFFFFFFC0] =	vst v3  }
0x6b: {  	v3 =	vld.idx.msk [tilespmem:v4+s16+$0x0], $0xffff;
	v4 =	vmov s22  }
0x6c: {  	v4 =	vshll.u32 v4, $0x4  }
0x6d: {  	v4 =	vor.u32 v2, v4;
	_ =	sdelay $0x3  }
0x6e: {  	s22 =	sadd.s32 $0xFFFFFFC0, s20;
	[tilespmem:s19+$0xFFFFFFD0] =	vst v3  }
0x6f: {  	v3 =	vld.idx.msk [tilespmem:v4+s16+$0x0], $0xffff;
	v4 =	vmov s22  }
0x70: {  	v4 =	vshll.u32 v4, $0x4  }
0x71: {  	v4 =	vor.u32 v2, v4;
	_ =	sdelay $0x3  }
0x72: {  	s22 =	sadd.s32 $0xFFFFFFD0, s20;
	[tilespmem:s19+$0xFFFFFFE0] =	vst v3  }
0x73: {  	v3 =	vld.idx.msk [tilespmem:v4+s16+$0x0], $0xffff;
	v4 =	vmov s22  }
0x74: {  	v4 =	vshll.u32 v4, $0x4  }
0x75: {  	v4 =	vor.u32 v2, v4;
	_ =	sdelay $0x3  }
0x76: {  	s22 =	sadd.s32 $0xFFFFFFE0, s20;
	[tilespmem:s19+$0xFFFFFFF0] =	vst v3  }
0x77: {  	v3 =	vld.idx.msk [tilespmem:v4+s16+$0x0], $0xffff;
	v4 =	vmov s22  }
0x78: {  	v4 =	vshll.u32 v4, $0x4  }
0x79: {  	v4 =	vor.u32 v2, v4;
	_ =	sdelay $0x3  }
0x7a: {  	s22 =	sadd.s32 $0xFFFFFFF0, s20;
	[tilespmem:s19+$0x0] =	vst v3  }
0x7b: {  	v3 =	vld.idx.msk [tilespmem:v4+s16+$0x0], $0xffff;
	v4 =	vmov s22  }
0x7c: {  	v4 =	vshll.u32 v4, $0x4  }
0x7d: {  	v4 =	vor.u32 v2, v4;
	_ =	sdelay $0x3  }
0x7e: {  	[tilespmem:s19+$0x10] =	vst v3  }
0x7f: {  	v3 =	vmov s20;
	s20 =	smov.u32 s21;
	v4 =	vld.idx.msk [tilespmem:v4+s16+$0x0], $0xffff  }
0x80: {  	v3 =	vshll.u32 v3, $0x4  }
.Ltmp4:
0x81: {  	v3 =	vor.u32 v2, v3;
	(pc) =	sbr.rel @p0 .LBB2_10-.Ltmp4, $2  }
0x82: {  	_ =	sdelay $0x2  }
0x83: {  	s21 =	sadd.s32 $0x80, s21;
	s22 =	sadd.s32 $0xFFFFFF90, s20;
	[tilespmem:s19+$0x20] =	vst v4  }
0x84: {  	_ =	sdelay $0x2  }
0x85: {  	v4 =	vmov s22  }
0x86: {  	v3 =	vld.idx.msk [tilespmem:v3+s16+$0x0], $0xffff;
	v4 =	vshll.u32 v4, $0x4  }
0x87: {  	v4 =	vor.u32 v2, v4;
	_ =	sdelay $0x2  }
0x88: {  	s21 =	sadd.s32 $0xFFFFFFA0, s20  }
0x89: {  	[tilespmem:s19+$0x30] =	vst v3;
	v3 =	vmov s21  }
0x8a: {  	v3 =	vshll.u32 v3, $0x4;
	v4 =	vld.idx.msk [tilespmem:v4+s16+$0x0], $0xffff  }
0x8b: {  	v3 =	vor.u32 v2, v3;
	_ =	sdelay $0x2  }
0x8c: {  	s25 =	sadd.s32 $0x80, s19;
	s26 =	sadd.s32 $0xFFFFFFB0, s20  }
0x8d: {  	v61 =	vmov s26;
	[tilespmem:s25+$0xFFFFFFC0] =	vst v4  }
0x8e: {  	v4 =	vshll.u32 v61, $0x4;
	v3 =	vld.idx.msk [tilespmem:v3+s16+$0x0], $0xffff  }
0x8f: {  	v4 =	vor.u32 v2, v4;
	_ =	sdelay $0x2  }
0x90: {  	s28 =	sadd.s32 $0xFFFFFFC0, s20  }
0x91: {  	[tilespmem:s25+$0xFFFFFFD0] =	vst v3;
	v3 =	vmov s28  }
0x92: {  	v4 =	vld.idx.msk [tilespmem:v4+s16+$0x0], $0xffff;
	v3 =	vshll.u32 v3, $0x4  }
0x93: {  	v3 =	vor.u32 v2, v3;
	_ =	sdelay $0x2  }
0x94: {  	s29 =	sadd.s32 $0xFFFFFFD0, s20  }
0x95: {  	v62 =	vmov s29;
	[tilespmem:s25+$0xFFFFFFE0] =	vst v4  }
0x96: {  	v4 =	vshll.u32 v62, $0x4;
	v3 =	vld.idx.msk [tilespmem:v3+s16+$0x0], $0xffff  }
0x97: {  	v4 =	vor.u32 v2, v4;
	_ =	sdelay $0x2  }
0x98: {  	s30 =	sadd.s32 $0xFFFFFFE0, s20  }
0x99: {  	[tilespmem:s25+$0xFFFFFFF0] =	vst v3;
	v3 =	vmov s30  }
0x9a: {  	v4 =	vld.idx.msk [tilespmem:v4+s16+$0x0], $0xffff;
	v3 =	vshll.u32 v3, $0x4  }
0x9b: {  	v3 =	vor.u32 v2, v3;
	_ =	sdelay $0x2  }
0x9c: {  	s31 =	sadd.s32 $0xFFFFFFF0, s20  }
0x9d: {  	v63 =	vmov s31;
	[tilespmem:s25+$0x0] =	vst v4  }
0x9e: {  	v4 =	vshll.u32 v63, $0x4;
	v3 =	vld.idx.msk [tilespmem:v3+s16+$0x0], $0xffff  }
0x9f: {  	v4 =	vor.u32 v2, v4;
	_ =	sdelay $0x3  }
0xa0: {  	[tilespmem:s25+$0x10] =	vst v3;
	v3 =	vmov s20  }
0xa1: {  	v4 =	vld.idx.msk [tilespmem:v4+s16+$0x0], $0xffff;
	v3 =	vshll.u32 v3, $0x4  }
0xa2: {  	v3 =	vor.u32 v2, v3;
	_ =	sdelay $0x3  }
0xa3: {  	[tilespmem:s25+$0x20] =	vst v4  }
0xa4: {  	v3 =	vld.idx.msk [tilespmem:v3+s16+$0x0], $0xffff;
	_ =	sdelay $0x2  }
0xa5: {  	s18 =	sadd.s32 $0x1, s18  }
0xa6: {  	p0 =	sne.s32 s18, s7  }
.Ltmp5:
0xa7: {  	[tilespmem:s25+$0x30] =	vst v3;
	(pc) =	sbr.rel @p0 .LBB2_1-.Ltmp5, $4  }
0xa8: {  	[hbm4b:s6+s3] =	stream.linear.scatter [tilespmem:s17], [sflag:$0x2], $0x280, $0x38;
	[tilespmem:$0x8280] =	vst v63  }
0xa9: {  	_ =	swait.ge [sflag:s13], $0x280  }
0xaa: {  	[sflag:s13] =	ssyncset.done $0x0  }
0xab: {  	[sflag:s13] =	ssyncadd.s32 $0xFFFFFD80  }
0xac: {  	_ =	sfence.sel $0x180000  }
0xad: {  	[bflag:$0x0] =	sbarrier.arrive $0xFFFF  }
0xae: {  	p0 =	sne.s32 s0, $0x0;
	_ =	strace $0x90000047  }
0xaf: {  	s0 =	sadd.s32 @!p0 $0x100000, s1;
	[bflag:$0x2] =	sbarrier.arrive $0xFFFF  }
0xb0: {  	[sflag:s0] =	ssyncadd.tile.s32 @!p0 $0x1;
	_ =	shalt  }
.Lfunc_end2:
_tile_overlayer_lowered:
.L_overlay_start_2:
0xb1: {  	(tag) =	ssettag $0x2  }
0xb2: {  	s0 =	rddreg [dreg:$0x0];
	s2 =	stileid.u32  }
0xb3: {  	s1 =	rddreg [dreg:$0x1];
	p0 =	sne.s32 s2, $0x0  }
0xb4: {  	s3 =	rddreg [dreg:$0x2];
	[bflag:$0x3] =	sbarrier.arrive $0xFFFF;
	s2 =	simm.s32 @!p0 $0x1C02  }
0xb5: {  	[timem:s3], [sflag:s2] =	dma.local @!p0 [hbm:s0], s1  }
0xb6: {  	s0 =	simm.s32 @!p0 $0x2  }
0xb7: {  	_ =	swait.ge @!p0 [sflag:s0], s1  }
0xb8: {  	s1 =	ssub.s32 @!p0 $0x0, s1;
	[sflag:s0] =	ssyncset.done @!p0 $0x0  }
0xb9: {  	[sflag:s0] =	ssyncadd.s32 @!p0 s1  }
0xba: {  	[bflag:$0x3] =	sbarrier.arrive $0xFFFF  }
0xbb: {  	_ =	shalt  }

</sc_bundles>
